<compile_context>
chip_gen: v7x
topology: tpu7x:2x2x1
jax: 0.10.2.dev20260603
libtpu: 0.0.44.dev20260713+nightly
codegen_flags: <defaults>
</compile_context>

<pallas_src>
import functools
from math import comb

import jax
import jax.numpy as jnp
from jax import lax
from jax.experimental import pallas as pl
from jax.experimental.pallas import tpu as pltpu
from jax.experimental.pallas import tpu_sc as plsc

N = 10000
E = 640000
K = 10
L = 16
NSUB = 16
NCORE = 2
PN = 10240
SLC = PN // NSUB
NV = SLC // L
EPT = E // NSUB
NCH = EPT // L
F32 = jnp.float32


def _bern_to_mono():
    rows = [[0] * (K + 1) for _ in range(K + 1)]
    for i in range(K + 1):
        p = [1]
        for _ in range(i):
            p = [a - b for a, b in zip(p + [0], [0] + p)]
        for _ in range(K - i):
            p = [a + b for a, b in zip(p + [0], [0] + p)]
        for j in range(K + 1):
            rows[j][i] = p[j]
    return rows


_M_B2M = _bern_to_mono()


def _sc_bern(edges, xpad, gamma16):
    mesh = plsc.VectorSubcoreMesh(
        core_axis_name="c", subcore_axis_name="s",
        num_cores=NCORE, num_subcores=NSUB)

    @functools.partial(
        pl.kernel,
        out_type=[jax.ShapeDtypeStruct((PN,), F32),
                  jax.ShapeDtypeStruct((PN,), F32)],
        mesh=mesh,
        compiler_params=pltpu.CompilerParams(needs_layout_passes=False),
        scratch_types=[
            pltpu.VMEM((EPT,), jnp.int32),
            pltpu.VMEM((EPT,), jnp.int32),
            pltpu.VMEM((PN,), F32),
            pltpu.VMEM((PN,), F32),
            pltpu.VMEM((SLC,), F32),
            pltpu.VMEM((NSUB, SLC), F32),
            pltpu.VMEM((SLC,), F32),
            pltpu.VMEM((SLC,), F32),
            pltpu.VMEM((SLC,), F32),
            pltpu.VMEM((SLC,), F32),
            pltpu.VMEM((L,), F32),
            pltpu.VMEM_SHARED((PN,), F32),
            pltpu.VMEM_SHARED((NSUB, PN), F32),
            pltpu.SemaphoreType.DMA,
        ])
    def kern(ed_hbm, x_hbm, gam_hbm, u_out, v_out,
             src_v, dst_v, g_v, y_v, h_v, red_v, w_v, dinv_v, acc_v, stage_v,
             gam_v, gsh, ypart, gsem):
        s_id = lax.axis_index("s")
        c_id = lax.axis_index("c")
        base = s_id * SLC

        pltpu.sync_copy(ed_hbm.at[pl.ds(s_id * EPT, EPT)], src_v)
        pltpu.sync_copy(ed_hbm.at[pl.ds(E + s_id * EPT, EPT)], dst_v)

        @plsc.parallel_loop(0, NCH, unroll=8)
        def _pk(e):
            s = src_v[pl.ds(e * L, L)]
            d = dst_v[pl.ds(e * L, L)]
            src_v[pl.ds(e * L, L)] = lax.shift_left(s, 14) + d
        pltpu.sync_copy(gam_hbm, gam_v)
        pltpu.sync_copy(x_hbm.at[pl.ds(base, SLC)], h_v)

        ones16 = jnp.ones((L,), F32)

        def zero_y():
            @plsc.parallel_loop(0, PN // L, unroll=8)
            def _zb(k):
                y_v[pl.ds(k * L, L)] = jnp.zeros((L,), F32)

        def edge_scatter(gather):
            @plsc.parallel_loop(0, NCH, unroll=16)
            def _eb(e):
                pk = src_v[pl.ds(e * L, L)]
                d = jnp.bitwise_and(pk, 16383)
                if gather:
                    srci = lax.shift_right_logical(pk, 14)
                    vals = plsc.load_gather(g_v, [srci])
                else:
                    vals = ones16
                plsc.addupdate_scatter(y_v, [d], vals)

        def publish_reduce():
            pltpu.sync_copy(y_v, ypart.at[s_id])
            plsc.subcore_barrier()
            pltpu.sync_copy(ypart.at[:, pl.ds(base, SLC)], red_v)

            @plsc.parallel_loop(0, NV, unroll=2)
            def _rb(k):
                a = red_v[0, pl.ds(k * L, L)]
                for tt in range(1, NSUB):
                    a = a + red_v[tt, pl.ds(k * L, L)]
                acc_v[pl.ds(k * L, L)] = a

        def spmv(read_in):
            @plsc.parallel_loop(0, NV, unroll=4)
            def _pb(k):
                stage_v[pl.ds(k * L, L)] = dinv_v[pl.ds(k * L, L)] * read_in(k)
            pltpu.sync_copy(stage_v, gsh.at[pl.ds(base, SLC)])
            plsc.subcore_barrier()
            cp = pltpu.async_copy(gsh, g_v, gsem)
            zero_y()
            cp.wait()
            edge_scatter(True)
            publish_reduce()

        zero_y()
        edge_scatter(False)
        publish_reduce()

        @plsc.parallel_loop(0, NV, unroll=2)
        def _db(k):
            x = acc_v[pl.ds(k * L, L)]
            xm = jnp.maximum(x, 1.0)
            i = plsc.bitcast(xm, jnp.int32)
            i = 0x5F3759DF - lax.shift_right_logical(i, 1)
            y = plsc.bitcast(i, F32)
            for _it in range(3):
                y = y * (1.5 - 0.5 * xm * y * y)
            dinv_v[pl.ds(k * L, L)] = jnp.where(x > 0.5, y, 0.0)

        gv = gam_v[...]
        lane = lax.iota(jnp.int32, L)

        def gam_at(i):
            return jnp.sum(jnp.where(lane == i, gv, 0.0))

        gK = gam_at(K)

        def bern_stage():
            @plsc.parallel_loop(0, NV, unroll=4)
            def _ib(k):
                w_v[pl.ds(k * L, L)] = gK * h_v[pl.ds(k * L, L)]

            def hor_step(t, _):
                j = K - 1 - t
                spmv(lambda k: w_v[pl.ds(k * L, L)])
                aj = gam_at(j)

                @plsc.parallel_loop(0, NV, unroll=4)
                def _wb(k):
                    w_v[pl.ds(k * L, L)] = (
                        dinv_v[pl.ds(k * L, L)] * acc_v[pl.ds(k * L, L)]
                        + aj * h_v[pl.ds(k * L, L)])
                return _
            lax.fori_loop(0, K, hor_step, None)

        bern_stage()

        sign = 1.0 - 2.0 * lax.convert_element_type(c_id, F32)

        @plsc.parallel_loop(0, NV, unroll=4)
        def _sb(k):
            h_v[pl.ds(k * L, L)] = jnp.maximum(sign * w_v[pl.ds(k * L, L)], 0.0)

        bern_stage()

        @pl.when(c_id == 0)
        def _():
            pltpu.sync_copy(w_v, u_out.at[pl.ds(base, SLC)])

        @pl.when(c_id == 1)
        def _():
            pltpu.sync_copy(w_v, v_out.at[pl.ds(base, SLC)])

    return kern(edges, xpad, gamma16)


def _tc_combine(u2, v2, w1, w2, wf, bf2):
    def body(u_ref, v_ref, w1_ref, w2_ref, wf_ref, bf_ref, o_ref):
        a = jnp.maximum(w1_ref[...], 0.0)
        b = jnp.maximum(-w1_ref[...], 0.0)
        c = jnp.dot(a, w2_ref[...], preferred_element_type=F32)
        d = jnp.dot(b, w2_ref[...], preferred_element_type=F32)
        u = u_ref[...]
        v = v_ref[...]
        wf = wf_ref[...]
        acc = jnp.zeros_like(u)
        for k in range(64):
            m = jnp.maximum(u * c[0, k] + v * d[0, k], 0.0)
            acc = acc + m * wf[k, 0]
        o_ref[...] = acc + bf_ref[0, 0]

    return pl.pallas_call(
        body,
        out_shape=jax.ShapeDtypeStruct((PN // 128, 128), F32),
    )(u2, v2, w1, w2, wf, bf2)


def kernel(x, edge_index, coe, W1, b1, W2, b2, Wf, bf):
    eflat = edge_index.astype(jnp.int32).reshape(2 * E)
    xpad = jnp.zeros((PN,), F32).at[:N].set(x[:, 0])
    binom = jnp.array([comb(K, i) / 2.0 ** K for i in range(K + 1)], F32)
    mono = jnp.asarray(_M_B2M, F32) @ (binom * jax.nn.relu(coe))
    mono16 = jnp.zeros((L,), F32).at[:K + 1].set(mono)

    U, V = _sc_bern(eflat, xpad, mono16)
    out = _tc_combine(U.reshape(PN // 128, 128), V.reshape(PN // 128, 128),
                      W1, W2, Wf, bf.reshape(1, 1))
    return out.reshape(PN, 1)[:N]

# --- scband reference (transcript-rebuilt; emitter-appended) ---
"""Pipeline reference for scband-bern-net-7576322310705 (READ-ONLY COPY).

The authoritative reference and input builder live on the scoring server;
editing this copy changes nothing except your own understanding.
"""

import jax, jax.numpy as jnp
import numpy as np
from math import comb

N = 10000
E = 640000
K = 10


def setup_inputs(seed: int = 0):
    key = jax.random.key(seed)
    ks = jax.random.split(key, 9)
    x = jax.random.normal(ks[0], (N, 1), dtype=jnp.float32)
    edge_index = jax.random.randint(ks[1], (2, E), 0, N)
    coe = jnp.ones((K + 1,), dtype=jnp.float32)
    W1 = jax.random.normal(ks[2], (1, 32), dtype=jnp.float32) * 1.0
    b1 = jnp.zeros((32,), dtype=jnp.float32)
    W2 = jax.random.normal(ks[3], (32, 64), dtype=jnp.float32) * (1.0 / np.sqrt(32.0))
    b2 = jnp.zeros((64,), dtype=jnp.float32)
    Wf = jax.random.normal(ks[4], (64, 1), dtype=jnp.float32) * (1.0 / np.sqrt(64.0))
    bf = jnp.zeros((1,), dtype=jnp.float32)
    return {"x": x, "edge_index": edge_index, "coe": coe, "W1": W1, "b1": b1, "W2": W2, "b2": b2, "Wf": Wf, "bf": bf}


def reference(x, edge_index, coe, W1, b1, W2, b2, Wf, bf):
    src = edge_index[0]
    dst = edge_index[1]
    n = x.shape[0]
    deg = jax.ops.segment_sum(jnp.ones((src.shape[0],), dtype=jnp.float32), dst, num_segments=n)
    dinv = jnp.where(deg > 0, 1.0 / jnp.sqrt(jnp.where(deg > 0, deg, 1.0)), 0.0)
    w = dinv[src] * dinv[dst]

    def adj_mv(h):
        # y = D^{-1/2} A D^{-1/2} h  via gather + scatter-add
        return jax.ops.segment_sum(w[:, None] * h[src], dst, num_segments=n)

    def bern_prop(h, temp_raw):
        # Bernstein polynomial spectral filter (BernNet Bern_prop)
        temp = jax.nn.relu(temp_raw)
        tmp = [h]
        z = h
        for _ in range(K):
            z = z + adj_mv(z)  # (2I - L) z, L = I - A_norm
            tmp.append(z)
        out = (comb(K, 0) / (2.0 ** K)) * temp[0] * tmp[K]
        for i in range(K):
            z = tmp[K - i - 1]
            for _ in range(i + 1):
                z = z - adj_mv(z)  # L z
            out = out + (comb(K, i + 1) / (2.0 ** K)) * temp[i + 1] * z
        return out

    h = x @ W1 + b1
    h = jax.nn.relu(bern_prop(h, coe))
    h = h @ W2 + b2
    h = jax.nn.relu(bern_prop(h, coe))
    return h @ Wf + bf

if __name__ == "__main__":
    import jax
    _d = setup_inputs()
    print(jax.jit(kernel)(*tuple(_d.values())))

</pallas_src>

<mosaic_0001>
#map = affine_map<(d0, d1) -> (0)>
module attributes {stable_mosaic.version = 14 : i64} {
  func.func @kern(%arg0: i32, %arg1: i32, %arg2: memref<1280000xi32, #tpu.memory_space<hbm>>, %arg3: memref<10240xf32, #tpu.memory_space<hbm>>, %arg4: memref<16xf32, #tpu.memory_space<hbm>>, %arg5: memref<10240xf32, #tpu.memory_space<hbm>>, %arg6: memref<10240xf32, #tpu.memory_space<hbm>>, %arg7: memref<40000xi32, #tpu.memory_space<vmem>>, %arg8: memref<40000xi32, #tpu.memory_space<vmem>>, %arg9: memref<10240xf32, #tpu.memory_space<vmem>>, %arg10: memref<10240xf32, #tpu.memory_space<vmem>>, %arg11: memref<640xf32, #tpu.memory_space<vmem>>, %arg12: memref<16x640xf32, #tpu.memory_space<vmem>>, %arg13: memref<640xf32, #tpu.memory_space<vmem>>, %arg14: memref<640xf32, #tpu.memory_space<vmem>>, %arg15: memref<640xf32, #tpu.memory_space<vmem>>, %arg16: memref<640xf32, #tpu.memory_space<vmem>>, %arg17: memref<16xf32, #tpu.memory_space<vmem>>, %arg18: memref<10240xf32, #tpu.memory_space<vmem_shared>>, %arg19: memref<16x10240xf32, #tpu.memory_space<vmem_shared>>, %arg20: memref<!tpu.dma_semaphore, #tpu.memory_space<semaphore_mem>>) attributes {dimension_semantics = [#tpu.dimension_semantics<core_parallel>, #tpu.dimension_semantics<subcore_parallel>], iteration_bounds = array<i64: 2, 16>, scalar_prefetch = 0 : i64, scratch_operands = 14 : i64, tpu.core_type = #tpu.core_type<sc_vector_subcore>, window_params = [{transform_indices = #map}, {transform_indices = #map}, {transform_indices = #map}, {transform_indices = #map}, {transform_indices = #map}]} {
    %mul3A = arith.constant 640 : i32
    %mul3A_0 = arith.muli %arg1, %mul3A : i32
    %mul3A_1 = arith.constant 40000 : i32
    %mul3A_2 = arith.muli %arg1, %mul3A_1 : i32
    "tpu.region"() ({
      %run_scoped3A = tpu.sem_alloc : memref<!tpu.dma_semaphore, #tpu.memory_space<semaphore_mem>>
      %dma_start3A = tpu.memref_slice %arg2[%mul3A_2] : memref<1280000xi32, #tpu.memory_space<hbm>> -> memref<40000xi32, #tpu.memory_space<hbm>>
      %dma_start3A_58 = tpu.memref_slice %arg2[%mul3A_2] : memref<1280000xi32, #tpu.memory_space<hbm>> -> memref<40000xi32, #tpu.memory_space<hbm>>
      tpu.enqueue_dma source(%dma_start3A_58 : memref<40000xi32, #tpu.memory_space<hbm>>) target(%arg7 : memref<40000xi32, #tpu.memory_space<vmem>>) target_semaphore(%run_scoped3A : memref<!tpu.dma_semaphore, #tpu.memory_space<semaphore_mem>>)
      %dma_wait3A = tpu.memref_slice %arg2[%mul3A_2] : memref<1280000xi32, #tpu.memory_space<hbm>> -> memref<40000xi32, #tpu.memory_space<hbm>>
      %dma_wait3A_59 = tpu.memref_slice %arg2[%mul3A_2] : memref<1280000xi32, #tpu.memory_space<hbm>> -> memref<40000xi32, #tpu.memory_space<hbm>>
      tpu.wait_dma2 semaphore(%run_scoped3A : memref<!tpu.dma_semaphore, #tpu.memory_space<semaphore_mem>>) src(%dma_wait3A_59 : memref<40000xi32, #tpu.memory_space<hbm>>) dst(%arg7 : memref<40000xi32, #tpu.memory_space<vmem>>)
      tpu.yield
    }) : () -> ()
    %mul3A_3 = arith.constant 40000 : i32
    %mul3A_4 = arith.muli %arg1, %mul3A_3 : i32
    %add3A = arith.constant 640000 : i32
    %add3A_5 = arith.addi %add3A, %mul3A_4 : i32
    "tpu.region"() ({
      %run_scoped3A = tpu.sem_alloc : memref<!tpu.dma_semaphore, #tpu.memory_space<semaphore_mem>>
      %dma_start3A = tpu.memref_slice %arg2[%add3A_5] : memref<1280000xi32, #tpu.memory_space<hbm>> -> memref<40000xi32, #tpu.memory_space<hbm>>
      %dma_start3A_58 = tpu.memref_slice %arg2[%add3A_5] : memref<1280000xi32, #tpu.memory_space<hbm>> -> memref<40000xi32, #tpu.memory_space<hbm>>
      tpu.enqueue_dma source(%dma_start3A_58 : memref<40000xi32, #tpu.memory_space<hbm>>) target(%arg8 : memref<40000xi32, #tpu.memory_space<vmem>>) target_semaphore(%run_scoped3A : memref<!tpu.dma_semaphore, #tpu.memory_space<semaphore_mem>>)
      %dma_wait3A = tpu.memref_slice %arg2[%add3A_5] : memref<1280000xi32, #tpu.memory_space<hbm>> -> memref<40000xi32, #tpu.memory_space<hbm>>
      %dma_wait3A_59 = tpu.memref_slice %arg2[%add3A_5] : memref<1280000xi32, #tpu.memory_space<hbm>> -> memref<40000xi32, #tpu.memory_space<hbm>>
      tpu.wait_dma2 semaphore(%run_scoped3A : memref<!tpu.dma_semaphore, #tpu.memory_space<semaphore_mem>>) src(%dma_wait3A_59 : memref<40000xi32, #tpu.memory_space<hbm>>) dst(%arg8 : memref<40000xi32, #tpu.memory_space<vmem>>)
      tpu.yield
    }) : () -> ()
    %parallel_loop3A = arith.constant 0 : i32
    %parallel_loop3A_6 = arith.constant 2500 : i32
    %parallel_loop3A_7 = arith.constant 1 : i32
    scf.for %parallel_loop3A_58 = %parallel_loop3A to %parallel_loop3A_6 step %parallel_loop3A_7  : i32 {
      %parallel_loop3A_59 = arith.constant 16 : i32
      %parallel_loop3A_60 = arith.muli %parallel_loop3A_58, %parallel_loop3A_59 : i32
      %parallel_loop3A_61 = arith.index_cast %parallel_loop3A_60 : i32 to index
      %parallel_loop3A_62 = tpu.vector_load %arg7[%parallel_loop3A_61] {strides = array<i32>} : memref<40000xi32, #tpu.memory_space<vmem>>, vector<16xi32>,
      %parallel_loop3A_63 = arith.constant 16 : i32
      %parallel_loop3A_64 = arith.muli %parallel_loop3A_58, %parallel_loop3A_63 : i32
      %parallel_loop3A_65 = arith.index_cast %parallel_loop3A_64 : i32 to index
      %parallel_loop3A_66 = tpu.vector_load %arg8[%parallel_loop3A_65] {strides = array<i32>} : memref<40000xi32, #tpu.memory_space<vmem>>, vector<16xi32>,
      %parallel_loop3A_67 = arith.constant 14 : i32
      %parallel_loop3A_68 = vector.broadcast %parallel_loop3A_67 : i32 to vector<16xi32>
      %parallel_loop3A_69 = arith.shli %parallel_loop3A_62, %parallel_loop3A_68 : vector<16xi32>
      %parallel_loop3A_70 = arith.addi %parallel_loop3A_69, %parallel_loop3A_66 : vector<16xi32>
      %parallel_loop3A_71 = arith.constant 16 : i32
      %parallel_loop3A_72 = arith.muli %parallel_loop3A_58, %parallel_loop3A_71 : i32
      %parallel_loop3A_73 = arith.index_cast %parallel_loop3A_72 : i32 to index
      %parallel_loop3A_74 = tpu.vector_load %arg7[%parallel_loop3A_73] {strides = array<i32>} : memref<40000xi32, #tpu.memory_space<vmem>>, vector<16xi32>,
      tpu.vector_store %arg7[%parallel_loop3A_73], %parallel_loop3A_70 {strides = array<i32>} : memref<40000xi32, #tpu.memory_space<vmem>>, vector<16xi32>,
    } {sc.loop_unroll_factor = 8 : i64, sc.parallel_access}
    "tpu.region"() ({
      %run_scoped3A = tpu.sem_alloc : memref<!tpu.dma_semaphore, #tpu.memory_space<semaphore_mem>>
      tpu.enqueue_dma source(%arg4 : memref<16xf32, #tpu.memory_space<hbm>>) target(%arg17 : memref<16xf32, #tpu.memory_space<vmem>>) target_semaphore(%run_scoped3A : memref<!tpu.dma_semaphore, #tpu.memory_space<semaphore_mem>>)
      tpu.wait_dma2 semaphore(%run_scoped3A : memref<!tpu.dma_semaphore, #tpu.memory_space<semaphore_mem>>) src(%arg4 : memref<16xf32, #tpu.memory_space<hbm>>) dst(%arg17 : memref<16xf32, #tpu.memory_space<vmem>>)
      tpu.yield
    }) : () -> ()
    "tpu.region"() ({
      %run_scoped3A = tpu.sem_alloc : memref<!tpu.dma_semaphore, #tpu.memory_space<semaphore_mem>>
      %dma_start3A = tpu.memref_slice %arg3[%mul3A_0] : memref<10240xf32, #tpu.memory_space<hbm>> -> memref<640xf32, #tpu.memory_space<hbm>>
      %dma_start3A_58 = tpu.memref_slice %arg3[%mul3A_0] : memref<10240xf32, #tpu.memory_space<hbm>> -> memref<640xf32, #tpu.memory_space<hbm>>
      tpu.enqueue_dma source(%dma_start3A_58 : memref<640xf32, #tpu.memory_space<hbm>>) target(%arg11 : memref<640xf32, #tpu.memory_space<vmem>>) target_semaphore(%run_scoped3A : memref<!tpu.dma_semaphore, #tpu.memory_space<semaphore_mem>>)
      %dma_wait3A = tpu.memref_slice %arg3[%mul3A_0] : memref<10240xf32, #tpu.memory_space<hbm>> -> memref<640xf32, #tpu.memory_space<hbm>>
      %dma_wait3A_59 = tpu.memref_slice %arg3[%mul3A_0] : memref<10240xf32, #tpu.memory_space<hbm>> -> memref<640xf32, #tpu.memory_space<hbm>>
      tpu.wait_dma2 semaphore(%run_scoped3A : memref<!tpu.dma_semaphore, #tpu.memory_space<semaphore_mem>>) src(%dma_wait3A_59 : memref<640xf32, #tpu.memory_space<hbm>>) dst(%arg11 : memref<640xf32, #tpu.memory_space<vmem>>)
      tpu.yield
    }) : () -> ()
    %broadcast_in_dim3A = arith.constant 1.000000e+00 : f32
    %broadcast_in_dim3A_8 = vector.broadcast %broadcast_in_dim3A : f32 to vector<16xf32>
    %parallel_loop3A_9 = arith.constant 0 : i32
    %parallel_loop3A_10 = arith.constant 640 : i32
    %parallel_loop3A_11 = arith.constant 1 : i32
    scf.for %parallel_loop3A_58 = %parallel_loop3A_9 to %parallel_loop3A_10 step %parallel_loop3A_11  : i32 {
      %parallel_loop3A_59 = arith.constant 0.000000e+00 : f32
      %parallel_loop3A_60 = vector.broadcast %parallel_loop3A_59 : f32 to vector<16xf32>
      %parallel_loop3A_61 = arith.constant 16 : i32
      %parallel_loop3A_62 = arith.muli %parallel_loop3A_58, %parallel_loop3A_61 : i32
      %parallel_loop3A_63 = arith.index_cast %parallel_loop3A_62 : i32 to index
      %parallel_loop3A_64 = tpu.vector_load %arg10[%parallel_loop3A_63] {strides = array<i32>} : memref<10240xf32, #tpu.memory_space<vmem>>, vector<16xf32>,
      tpu.vector_store %arg10[%parallel_loop3A_63], %parallel_loop3A_60 {strides = array<i32>} : memref<10240xf32, #tpu.memory_space<vmem>>, vector<16xf32>,
    } {sc.loop_unroll_factor = 8 : i64, sc.parallel_access}
    %parallel_loop3A_12 = arith.constant 0 : i32
    %parallel_loop3A_13 = arith.constant 2500 : i32
    %parallel_loop3A_14 = arith.constant 1 : i32
    scf.for %parallel_loop3A_58 = %parallel_loop3A_12 to %parallel_loop3A_13 step %parallel_loop3A_14  : i32 {
      %parallel_loop3A_59 = arith.constant 16 : i32
      %parallel_loop3A_60 = arith.muli %parallel_loop3A_58, %parallel_loop3A_59 : i32
      %parallel_loop3A_61 = arith.index_cast %parallel_loop3A_60 : i32 to index
      %parallel_loop3A_62 = tpu.vector_load %arg7[%parallel_loop3A_61] {strides = array<i32>} : memref<40000xi32, #tpu.memory_space<vmem>>, vector<16xi32>,
      %parallel_loop3A_63 = arith.constant 16383 : i32
      %parallel_loop3A_64 = vector.broadcast %parallel_loop3A_63 : i32 to vector<16xi32>
      %parallel_loop3A_65 = arith.andi %parallel_loop3A_62, %parallel_loop3A_64 : vector<16xi32>
      tpu.vector_store_idx %arg10[%parallel_loop3A_65], %broadcast_in_dim3A_8 {add = true} : memref<10240xf32, #tpu.memory_space<vmem>>[vector<16xi32>], vector<16xf32>,
    } {sc.loop_unroll_factor = 16 : i64, sc.parallel_access}
    "tpu.region"() ({
      %run_scoped3A = tpu.sem_alloc : memref<!tpu.dma_semaphore, #tpu.memory_space<semaphore_mem>>
      %dma_start3A = arith.constant 0 : i32
      %dma_start3A_58 = tpu.memref_slice %arg19[%arg1, %dma_start3A] : memref<16x10240xf32, #tpu.memory_space<vmem_shared>> -> memref<1x10240xf32, #tpu.memory_space<vmem_shared>>
      %dma_start3A_59 = tpu.memref_squeeze %dma_start3A_58 : memref<1x10240xf32, #tpu.memory_space<vmem_shared>> -> memref<10240xf32, #tpu.memory_space<vmem_shared>>
      %dma_start3A_60 = arith.constant 0 : i32
      %dma_start3A_61 = tpu.memref_slice %arg19[%arg1, %dma_start3A_60] : memref<16x10240xf32, #tpu.memory_space<vmem_shared>> -> memref<1x10240xf32, #tpu.memory_space<vmem_shared>>
      %dma_start3A_62 = tpu.memref_squeeze %dma_start3A_61 : memref<1x10240xf32, #tpu.memory_space<vmem_shared>> -> memref<10240xf32, #tpu.memory_space<vmem_shared>>
      tpu.enqueue_dma source(%arg10 : memref<10240xf32, #tpu.memory_space<vmem>>) target(%dma_start3A_62 : memref<10240xf32, #tpu.memory_space<vmem_shared>>) target_semaphore(%run_scoped3A : memref<!tpu.dma_semaphore, #tpu.memory_space<semaphore_mem>>)
      %dma_wait3A = arith.constant 0 : i32
      %dma_wait3A_63 = tpu.memref_slice %arg19[%arg1, %dma_wait3A] : memref<16x10240xf32, #tpu.memory_space<vmem_shared>> -> memref<1x10240xf32, #tpu.memory_space<vmem_shared>>
      %dma_wait3A_64 = tpu.memref_squeeze %dma_wait3A_63 : memref<1x10240xf32, #tpu.memory_space<vmem_shared>> -> memref<10240xf32, #tpu.memory_space<vmem_shared>>
      %dma_wait3A_65 = arith.constant 0 : i32
      %dma_wait3A_66 = tpu.memref_slice %arg19[%arg1, %dma_wait3A_65] : memref<16x10240xf32, #tpu.memory_space<vmem_shared>> -> memref<1x10240xf32, #tpu.memory_space<vmem_shared>>
      %dma_wait3A_67 = tpu.memref_squeeze %dma_wait3A_66 : memref<1x10240xf32, #tpu.memory_space<vmem_shared>> -> memref<10240xf32, #tpu.memory_space<vmem_shared>>
      tpu.wait_dma2 semaphore(%run_scoped3A : memref<!tpu.dma_semaphore, #tpu.memory_space<semaphore_mem>>) src(%arg10 : memref<10240xf32, #tpu.memory_space<vmem>>) dst(%dma_wait3A_67 : memref<10240xf32, #tpu.memory_space<vmem_shared>>)
      tpu.yield
    }) : () -> ()
    %barrier3A = arith.constant 0 : index
    tpu.barrier barrier_id(%barrier3A)
    "tpu.region"() ({
      %run_scoped3A = tpu.sem_alloc : memref<!tpu.dma_semaphore, #tpu.memory_space<semaphore_mem>>
      %dma_start3A = arith.constant 0 : i32
      %dma_start3A_58 = tpu.memref_slice %arg19[%dma_start3A, %mul3A_0] : memref<16x10240xf32, #tpu.memory_space<vmem_shared>> -> memref<16x640xf32, #tpu.memory_space<vmem_shared>>
      %dma_start3A_59 = arith.constant 0 : i32
      %dma_start3A_60 = tpu.memref_slice %arg19[%dma_start3A_59, %mul3A_0] : memref<16x10240xf32, #tpu.memory_space<vmem_shared>> -> memref<16x640xf32, #tpu.memory_space<vmem_shared>>
      tpu.enqueue_dma source(%dma_start3A_60 : memref<16x640xf32, #tpu.memory_space<vmem_shared>>) target(%arg12 : memref<16x640xf32, #tpu.memory_space<vmem>>) target_semaphore(%run_scoped3A : memref<!tpu.dma_semaphore, #tpu.memory_space<semaphore_mem>>)
      %dma_wait3A = arith.constant 0 : i32
      %dma_wait3A_61 = tpu.memref_slice %arg19[%dma_wait3A, %mul3A_0] : memref<16x10240xf32, #tpu.memory_space<vmem_shared>> -> memref<16x640xf32, #tpu.memory_space<vmem_shared>>
      %dma_wait3A_62 = arith.constant 0 : i32
      %dma_wait3A_63 = tpu.memref_slice %arg19[%dma_wait3A_62, %mul3A_0] : memref<16x10240xf32, #tpu.memory_space<vmem_shared>> -> memref<16x640xf32, #tpu.memory_space<vmem_shared>>
      tpu.wait_dma2 semaphore(%run_scoped3A : memref<!tpu.dma_semaphore, #tpu.memory_space<semaphore_mem>>) src(%dma_wait3A_63 : memref<16x640xf32, #tpu.memory_space<vmem_shared>>) dst(%arg12 : memref<16x640xf32, #tpu.memory_space<vmem>>)
      tpu.yield
    }) : () -> ()
    %parallel_loop3A_15 = arith.constant 0 : i32
    %parallel_loop3A_16 = arith.constant 40 : i32
    %parallel_loop3A_17 = arith.constant 1 : i32
    scf.for %parallel_loop3A_58 = %parallel_loop3A_15 to %parallel_loop3A_16 step %parallel_loop3A_17  : i32 {
      %parallel_loop3A_59 = arith.constant 16 : i32
      %parallel_loop3A_60 = arith.muli %parallel_loop3A_58, %parallel_loop3A_59 : i32
      %parallel_loop3A_61 = arith.constant 0 : i32
      %parallel_loop3A_62 = arith.index_cast %parallel_loop3A_61 : i32 to index
      %parallel_loop3A_63 = arith.index_cast %parallel_loop3A_60 : i32 to index
      %parallel_loop3A_64 = tpu.vector_load %arg12[%parallel_loop3A_62, %parallel_loop3A_63] {strides = array<i32>} : memref<16x640xf32, #tpu.memory_space<vmem>>, vector<16xf32>,
      %parallel_loop3A_65 = arith.constant 16 : i32
      %parallel_loop3A_66 = arith.muli %parallel_loop3A_58, %parallel_loop3A_65 : i32
      %parallel_loop3A_67 = arith.constant 1 : i32
      %parallel_loop3A_68 = arith.index_cast %parallel_loop3A_67 : i32 to index
      %parallel_loop3A_69 = arith.index_cast %parallel_loop3A_66 : i32 to index
      %parallel_loop3A_70 = tpu.vector_load %arg12[%parallel_loop3A_68, %parallel_loop3A_69] {strides = array<i32>} : memref<16x640xf32, #tpu.memory_space<vmem>>, vector<16xf32>,
      %parallel_loop3A_71 = arith.addf %parallel_loop3A_64, %parallel_loop3A_70 : vector<16xf32>
      %parallel_loop3A_72 = arith.constant 16 : i32
      %parallel_loop3A_73 = arith.muli %parallel_loop3A_58, %parallel_loop3A_72 : i32
      %parallel_loop3A_74 = arith.constant 2 : i32
      %parallel_loop3A_75 = arith.index_cast %parallel_loop3A_74 : i32 to index
      %parallel_loop3A_76 = arith.index_cast %parallel_loop3A_73 : i32 to index
      %parallel_loop3A_77 = tpu.vector_load %arg12[%parallel_loop3A_75, %parallel_loop3A_76] {strides = array<i32>} : memref<16x640xf32, #tpu.memory_space<vmem>>, vector<16xf32>,
      %parallel_loop3A_78 = arith.addf %parallel_loop3A_71, %parallel_loop3A_77 : vector<16xf32>
      %parallel_loop3A_79 = arith.constant 16 : i32
      %parallel_loop3A_80 = arith.muli %parallel_loop3A_58, %parallel_loop3A_79 : i32
      %parallel_loop3A_81 = arith.constant 3 : i32
      %parallel_loop3A_82 = arith.index_cast %parallel_loop3A_81 : i32 to index
      %parallel_loop3A_83 = arith.index_cast %parallel_loop3A_80 : i32 to index
      %parallel_loop3A_84 = tpu.vector_load %arg12[%parallel_loop3A_82, %parallel_loop3A_83] {strides = array<i32>} : memref<16x640xf32, #tpu.memory_space<vmem>>, vector<16xf32>,
      %parallel_loop3A_85 = arith.addf %parallel_loop3A_78, %parallel_loop3A_84 : vector<16xf32>
      %parallel_loop3A_86 = arith.constant 16 : i32
      %parallel_loop3A_87 = arith.muli %parallel_loop3A_58, %parallel_loop3A_86 : i32
      %parallel_loop3A_88 = arith.constant 4 : i32
      %parallel_loop3A_89 = arith.index_cast %parallel_loop3A_88 : i32 to index
      %parallel_loop3A_90 = arith.index_cast %parallel_loop3A_87 : i32 to index
      %parallel_loop3A_91 = tpu.vector_load %arg12[%parallel_loop3A_89, %parallel_loop3A_90] {strides = array<i32>} : memref<16x640xf32, #tpu.memory_space<vmem>>, vector<16xf32>,
      %parallel_loop3A_92 = arith.addf %parallel_loop3A_85, %parallel_loop3A_91 : vector<16xf32>
      %parallel_loop3A_93 = arith.constant 16 : i32
      %parallel_loop3A_94 = arith.muli %parallel_loop3A_58, %parallel_loop3A_93 : i32
      %parallel_loop3A_95 = arith.constant 5 : i32
      %parallel_loop3A_96 = arith.index_cast %parallel_loop3A_95 : i32 to index
      %parallel_loop3A_97 = arith.index_cast %parallel_loop3A_94 : i32 to index
      %parallel_loop3A_98 = tpu.vector_load %arg12[%parallel_loop3A_96, %parallel_loop3A_97] {strides = array<i32>} : memref<16x640xf32, #tpu.memory_space<vmem>>, vector<16xf32>,
      %parallel_loop3A_99 = arith.addf %parallel_loop3A_92, %parallel_loop3A_98 : vector<16xf32>
      %parallel_loop3A_100 = arith.constant 16 : i32
      %parallel_loop3A_101 = arith.muli %parallel_loop3A_58, %parallel_loop3A_100 : i32
      %parallel_loop3A_102 = arith.constant 6 : i32
      %parallel_loop3A_103 = arith.index_cast %parallel_loop3A_102 : i32 to index
      %parallel_loop3A_104 = arith.index_cast %parallel_loop3A_101 : i32 to index
      %parallel_loop3A_105 = tpu.vector_load %arg12[%parallel_loop3A_103, %parallel_loop3A_104] {strides = array<i32>} : memref<16x640xf32, #tpu.memory_space<vmem>>, vector<16xf32>,
      %parallel_loop3A_106 = arith.addf %parallel_loop3A_99, %parallel_loop3A_105 : vector<16xf32>
      %parallel_loop3A_107 = arith.constant 16 : i32
      %parallel_loop3A_108 = arith.muli %parallel_loop3A_58, %parallel_loop3A_107 : i32
      %parallel_loop3A_109 = arith.constant 7 : i32
      %parallel_loop3A_110 = arith.index_cast %parallel_loop3A_109 : i32 to index
      %parallel_loop3A_111 = arith.index_cast %parallel_loop3A_108 : i32 to index
      %parallel_loop3A_112 = tpu.vector_load %arg12[%parallel_loop3A_110, %parallel_loop3A_111] {strides = array<i32>} : memref<16x640xf32, #tpu.memory_space<vmem>>, vector<16xf32>,
      %parallel_loop3A_113 = arith.addf %parallel_loop3A_106, %parallel_loop3A_112 : vector<16xf32>
      %parallel_loop3A_114 = arith.constant 16 : i32
      %parallel_loop3A_115 = arith.muli %parallel_loop3A_58, %parallel_loop3A_114 : i32
      %parallel_loop3A_116 = arith.constant 8 : i32
      %parallel_loop3A_117 = arith.index_cast %parallel_loop3A_116 : i32 to index
      %parallel_loop3A_118 = arith.index_cast %parallel_loop3A_115 : i32 to index
      %parallel_loop3A_119 = tpu.vector_load %arg12[%parallel_loop3A_117, %parallel_loop3A_118] {strides = array<i32>} : memref<16x640xf32, #tpu.memory_space<vmem>>, vector<16xf32>,
      %parallel_loop3A_120 = arith.addf %parallel_loop3A_113, %parallel_loop3A_119 : vector<16xf32>
      %parallel_loop3A_121 = arith.constant 16 : i32
      %parallel_loop3A_122 = arith.muli %parallel_loop3A_58, %parallel_loop3A_121 : i32
      %parallel_loop3A_123 = arith.constant 9 : i32
      %parallel_loop3A_124 = arith.index_cast %parallel_loop3A_123 : i32 to index
      %parallel_loop3A_125 = arith.index_cast %parallel_loop3A_122 : i32 to index
      %parallel_loop3A_126 = tpu.vector_load %arg12[%parallel_loop3A_124, %parallel_loop3A_125] {strides = array<i32>} : memref<16x640xf32, #tpu.memory_space<vmem>>, vector<16xf32>,
      %parallel_loop3A_127 = arith.addf %parallel_loop3A_120, %parallel_loop3A_126 : vector<16xf32>
      %parallel_loop3A_128 = arith.constant 16 : i32
      %parallel_loop3A_129 = arith.muli %parallel_loop3A_58, %parallel_loop3A_128 : i32
      %parallel_loop3A_130 = arith.constant 10 : i32
      %parallel_loop3A_131 = arith.index_cast %parallel_loop3A_130 : i32 to index
      %parallel_loop3A_132 = arith.index_cast %parallel_loop3A_129 : i32 to index
      %parallel_loop3A_133 = tpu.vector_load %arg12[%parallel_loop3A_131, %parallel_loop3A_132] {strides = array<i32>} : memref<16x640xf32, #tpu.memory_space<vmem>>, vector<16xf32>,
      %parallel_loop3A_134 = arith.addf %parallel_loop3A_127, %parallel_loop3A_133 : vector<16xf32>
      %parallel_loop3A_135 = arith.constant 16 : i32
      %parallel_loop3A_136 = arith.muli %parallel_loop3A_58, %parallel_loop3A_135 : i32
      %parallel_loop3A_137 = arith.constant 11 : i32
      %parallel_loop3A_138 = arith.index_cast %parallel_loop3A_137 : i32 to index
      %parallel_loop3A_139 = arith.index_cast %parallel_loop3A_136 : i32 to index
      %parallel_loop3A_140 = tpu.vector_load %arg12[%parallel_loop3A_138, %parallel_loop3A_139] {strides = array<i32>} : memref<16x640xf32, #tpu.memory_space<vmem>>, vector<16xf32>,
      %parallel_loop3A_141 = arith.addf %parallel_loop3A_134, %parallel_loop3A_140 : vector<16xf32>
      %parallel_loop3A_142 = arith.constant 16 : i32
      %parallel_loop3A_143 = arith.muli %parallel_loop3A_58, %parallel_loop3A_142 : i32
      %parallel_loop3A_144 = arith.constant 12 : i32
      %parallel_loop3A_145 = arith.index_cast %parallel_loop3A_144 : i32 to index
      %parallel_loop3A_146 = arith.index_cast %parallel_loop3A_143 : i32 to index
      %parallel_loop3A_147 = tpu.vector_load %arg12[%parallel_loop3A_145, %parallel_loop3A_146] {strides = array<i32>} : memref<16x640xf32, #tpu.memory_space<vmem>>, vector<16xf32>,
      %parallel_loop3A_148 = arith.addf %parallel_loop3A_141, %parallel_loop3A_147 : vector<16xf32>
      %parallel_loop3A_149 = arith.constant 16 : i32
      %parallel_loop3A_150 = arith.muli %parallel_loop3A_58, %parallel_loop3A_149 : i32
      %parallel_loop3A_151 = arith.constant 13 : i32
      %parallel_loop3A_152 = arith.index_cast %parallel_loop3A_151 : i32 to index
      %parallel_loop3A_153 = arith.index_cast %parallel_loop3A_150 : i32 to index
      %parallel_loop3A_154 = tpu.vector_load %arg12[%parallel_loop3A_152, %parallel_loop3A_153] {strides = array<i32>} : memref<16x640xf32, #tpu.memory_space<vmem>>, vector<16xf32>,
      %parallel_loop3A_155 = arith.addf %parallel_loop3A_148, %parallel_loop3A_154 : vector<16xf32>
      %parallel_loop3A_156 = arith.constant 16 : i32
      %parallel_loop3A_157 = arith.muli %parallel_loop3A_58, %parallel_loop3A_156 : i32
      %parallel_loop3A_158 = arith.constant 14 : i32
      %parallel_loop3A_159 = arith.index_cast %parallel_loop3A_158 : i32 to index
      %parallel_loop3A_160 = arith.index_cast %parallel_loop3A_157 : i32 to index
      %parallel_loop3A_161 = tpu.vector_load %arg12[%parallel_loop3A_159, %parallel_loop3A_160] {strides = array<i32>} : memref<16x640xf32, #tpu.memory_space<vmem>>, vector<16xf32>,
      %parallel_loop3A_162 = arith.addf %parallel_loop3A_155, %parallel_loop3A_161 : vector<16xf32>
      %parallel_loop3A_163 = arith.constant 16 : i32
      %parallel_loop3A_164 = arith.muli %parallel_loop3A_58, %parallel_loop3A_163 : i32
      %parallel_loop3A_165 = arith.constant 15 : i32
      %parallel_loop3A_166 = arith.index_cast %parallel_loop3A_165 : i32 to index
      %parallel_loop3A_167 = arith.index_cast %parallel_loop3A_164 : i32 to index
      %parallel_loop3A_168 = tpu.vector_load %arg12[%parallel_loop3A_166, %parallel_loop3A_167] {strides = array<i32>} : memref<16x640xf32, #tpu.memory_space<vmem>>, vector<16xf32>,
      %parallel_loop3A_169 = arith.addf %parallel_loop3A_162, %parallel_loop3A_168 : vector<16xf32>
      %parallel_loop3A_170 = arith.constant 16 : i32
      %parallel_loop3A_171 = arith.muli %parallel_loop3A_58, %parallel_loop3A_170 : i32
      %parallel_loop3A_172 = arith.index_cast %parallel_loop3A_171 : i32 to index
      %parallel_loop3A_173 = tpu.vector_load %arg15[%parallel_loop3A_172] {strides = array<i32>} : memref<640xf32, #tpu.memory_space<vmem>>, vector<16xf32>,
      tpu.vector_store %arg15[%parallel_loop3A_172], %parallel_loop3A_169 {strides = array<i32>} : memref<640xf32, #tpu.memory_space<vmem>>, vector<16xf32>,
    } {sc.loop_unroll_factor = 2 : i64, sc.parallel_access}
    %parallel_loop3A_18 = arith.constant 0 : i32
    %parallel_loop3A_19 = arith.constant 40 : i32
    %parallel_loop3A_20 = arith.constant 1 : i32
    scf.for %parallel_loop3A_58 = %parallel_loop3A_18 to %parallel_loop3A_19 step %parallel_loop3A_20  : i32 {
      %parallel_loop3A_59 = arith.constant 16 : i32
      %parallel_loop3A_60 = arith.muli %parallel_loop3A_58, %parallel_loop3A_59 : i32
      %parallel_loop3A_61 = arith.index_cast %parallel_loop3A_60 : i32 to index
      %parallel_loop3A_62 = tpu.vector_load %arg15[%parallel_loop3A_61] {strides = array<i32>} : memref<640xf32, #tpu.memory_space<vmem>>, vector<16xf32>,
      %parallel_loop3A_63 = arith.constant 1.000000e+00 : f32
      %parallel_loop3A_64 = vector.broadcast %parallel_loop3A_63 : f32 to vector<16xf32>
      %parallel_loop3A_65 = arith.maximumf %parallel_loop3A_62, %parallel_loop3A_64 : vector<16xf32>
      %parallel_loop3A_66 = vector.bitcast %parallel_loop3A_65 : vector<16xf32> to vector<16xi32>
      %parallel_loop3A_67 = arith.constant 1 : i32
      %parallel_loop3A_68 = vector.broadcast %parallel_loop3A_67 : i32 to vector<16xi32>
      %parallel_loop3A_69 = arith.shrui %parallel_loop3A_66, %parallel_loop3A_68 : vector<16xi32>
      %parallel_loop3A_70 = arith.constant 1597463007 : i32
      %parallel_loop3A_71 = vector.broadcast %parallel_loop3A_70 : i32 to vector<16xi32>
      %parallel_loop3A_72 = arith.subi %parallel_loop3A_71, %parallel_loop3A_69 : vector<16xi32>
      %parallel_loop3A_73 = vector.bitcast %parallel_loop3A_72 : vector<16xi32> to vector<16xf32>
      %parallel_loop3A_74 = arith.constant 5.000000e-01 : f32
      %parallel_loop3A_75 = vector.broadcast %parallel_loop3A_74 : f32 to vector<16xf32>
      %parallel_loop3A_76 = arith.mulf %parallel_loop3A_75, %parallel_loop3A_65 : vector<16xf32>
      %parallel_loop3A_77 = arith.mulf %parallel_loop3A_76, %parallel_loop3A_73 : vector<16xf32>
      %parallel_loop3A_78 = arith.mulf %parallel_loop3A_77, %parallel_loop3A_73 : vector<16xf32>
      %parallel_loop3A_79 = arith.constant 1.500000e+00 : f32
      %parallel_loop3A_80 = vector.broadcast %parallel_loop3A_79 : f32 to vector<16xf32>
      %parallel_loop3A_81 = arith.subf %parallel_loop3A_80, %parallel_loop3A_78 : vector<16xf32>
      %parallel_loop3A_82 = arith.mulf %parallel_loop3A_73, %parallel_loop3A_81 : vector<16xf32>
      %parallel_loop3A_83 = arith.constant 5.000000e-01 : f32
      %parallel_loop3A_84 = vector.broadcast %parallel_loop3A_83 : f32 to vector<16xf32>
      %parallel_loop3A_85 = arith.mulf %parallel_loop3A_84, %parallel_loop3A_65 : vector<16xf32>
      %parallel_loop3A_86 = arith.mulf %parallel_loop3A_85, %parallel_loop3A_82 : vector<16xf32>
      %parallel_loop3A_87 = arith.mulf %parallel_loop3A_86, %parallel_loop3A_82 : vector<16xf32>
      %parallel_loop3A_88 = arith.constant 1.500000e+00 : f32
      %parallel_loop3A_89 = vector.broadcast %parallel_loop3A_88 : f32 to vector<16xf32>
      %parallel_loop3A_90 = arith.subf %parallel_loop3A_89, %parallel_loop3A_87 : vector<16xf32>
      %parallel_loop3A_91 = arith.mulf %parallel_loop3A_82, %parallel_loop3A_90 : vector<16xf32>
      %parallel_loop3A_92 = arith.constant 5.000000e-01 : f32
      %parallel_loop3A_93 = vector.broadcast %parallel_loop3A_92 : f32 to vector<16xf32>
      %parallel_loop3A_94 = arith.mulf %parallel_loop3A_93, %parallel_loop3A_65 : vector<16xf32>
      %parallel_loop3A_95 = arith.mulf %parallel_loop3A_94, %parallel_loop3A_91 : vector<16xf32>
      %parallel_loop3A_96 = arith.mulf %parallel_loop3A_95, %parallel_loop3A_91 : vector<16xf32>
      %parallel_loop3A_97 = arith.constant 1.500000e+00 : f32
      %parallel_loop3A_98 = vector.broadcast %parallel_loop3A_97 : f32 to vector<16xf32>
      %parallel_loop3A_99 = arith.subf %parallel_loop3A_98, %parallel_loop3A_96 : vector<16xf32>
      %parallel_loop3A_100 = arith.mulf %parallel_loop3A_91, %parallel_loop3A_99 : vector<16xf32>
      %parallel_loop3A_101 = arith.constant 5.000000e-01 : f32
      %parallel_loop3A_102 = vector.broadcast %parallel_loop3A_101 : f32 to vector<16xf32>
      %parallel_loop3A_103 = arith.cmpf ogt, %parallel_loop3A_62, %parallel_loop3A_102 : vector<16xf32>
      %parallel_loop3A_104 = arith.constant 0.000000e+00 : f32
      %parallel_loop3A_105 = vector.broadcast %parallel_loop3A_104 : f32 to vector<16xf32>
      %parallel_loop3A_106 = arith.select %parallel_loop3A_103, %parallel_loop3A_100, %parallel_loop3A_105 : vector<16xi1>, vector<16xf32>
      %parallel_loop3A_107 = arith.constant 16 : i32
      %parallel_loop3A_108 = arith.muli %parallel_loop3A_58, %parallel_loop3A_107 : i32
      %parallel_loop3A_109 = arith.index_cast %parallel_loop3A_108 : i32 to index
      %parallel_loop3A_110 = tpu.vector_load %arg14[%parallel_loop3A_109] {strides = array<i32>} : memref<640xf32, #tpu.memory_space<vmem>>, vector<16xf32>,
      tpu.vector_store %arg14[%parallel_loop3A_109], %parallel_loop3A_106 {strides = array<i32>} : memref<640xf32, #tpu.memory_space<vmem>>, vector<16xf32>,
    } {sc.loop_unroll_factor = 2 : i64, sc.parallel_access}
    %get3A = arith.constant 0 : index
    %get3A_21 = tpu.vector_load %arg17[%get3A] {strides = array<i32>} : memref<16xf32, #tpu.memory_space<vmem>>, vector<16xf32>,
    %iota3A = tpu.iota {dimensions = array<i32: 0>} : vector<16xi32>
    %eq3A = arith.constant 10 : i32
    %eq3A_22 = vector.broadcast %eq3A : i32 to vector<16xi32>
    %eq3A_23 = arith.cmpi eq, %iota3A, %eq3A_22 : vector<16xi32>
    %jit3A = arith.constant 0.000000e+00 : f32
    %broadcast_in_dim3A_24 = vector.broadcast %jit3A : f32 to vector<16xf32>
    %select_n3A = arith.select %eq3A_23, %get3A_21, %broadcast_in_dim3A_24 : vector<16xi1>, vector<16xf32>
    %reduce_sum3A = arith.constant true
    %reduce_sum3A_25 = vector.broadcast %reduce_sum3A : i1 to vector<16xi1>
    %reduce_sum3A_26 = tpu.scan <sum>, %select_n3A masked %reduce_sum3A_25 : vector<16xf32>, vector<16xi1> -> vector<16xf32>
    %reduce_sum3A_27 = vector.extract %reduce_sum3A_26[15] : f32 from vector<16xf32>
    %parallel_loop3A_28 = arith.constant 0 : i32
    %parallel_loop3A_29 = arith.constant 40 : i32
    %parallel_loop3A_30 = arith.constant 1 : i32
    scf.for %parallel_loop3A_58 = %parallel_loop3A_28 to %parallel_loop3A_29 step %parallel_loop3A_30  : i32 {
      %parallel_loop3A_59 = arith.constant 16 : i32
      %parallel_loop3A_60 = arith.muli %parallel_loop3A_58, %parallel_loop3A_59 : i32
      %parallel_loop3A_61 = arith.index_cast %parallel_loop3A_60 : i32 to index
      %parallel_loop3A_62 = tpu.vector_load %arg11[%parallel_loop3A_61] {strides = array<i32>} : memref<640xf32, #tpu.memory_space<vmem>>, vector<16xf32>,
      %parallel_loop3A_63 = vector.broadcast %reduce_sum3A_27 : f32 to vector<16xf32>
      %parallel_loop3A_64 = arith.mulf %parallel_loop3A_63, %parallel_loop3A_62 : vector<16xf32>
      %parallel_loop3A_65 = arith.constant 16 : i32
      %parallel_loop3A_66 = arith.muli %parallel_loop3A_58, %parallel_loop3A_65 : i32
      %parallel_loop3A_67 = arith.index_cast %parallel_loop3A_66 : i32 to index
      %parallel_loop3A_68 = tpu.vector_load %arg13[%parallel_loop3A_67] {strides = array<i32>} : memref<640xf32, #tpu.memory_space<vmem>>, vector<16xf32>,
      tpu.vector_store %arg13[%parallel_loop3A_67], %parallel_loop3A_64 {strides = array<i32>} : memref<640xf32, #tpu.memory_space<vmem>>, vector<16xf32>,
    } {sc.loop_unroll_factor = 4 : i64, sc.parallel_access}
    %scan3A = arith.constant 0 : i32
    %scan3A_31 = arith.constant 10 : i32
    %scan3A_32 = arith.addi %scan3A, %scan3A_31 : i32
    %scan3A_33 = arith.constant 1 : i32
    scf.for %scan3A_58 = %scan3A to %scan3A_32 step %scan3A_33  : i32 {
      %sub3A_59 = arith.constant 9 : i32
      %sub3A_60 = arith.subi %sub3A_59, %scan3A_58 : i32
      %parallel_loop3A_61 = arith.constant 0 : i32
      %parallel_loop3A_62 = arith.constant 40 : i32
      %parallel_loop3A_63 = arith.constant 1 : i32
      scf.for %parallel_loop3A_87 = %parallel_loop3A_61 to %parallel_loop3A_62 step %parallel_loop3A_63  : i32 {
        %parallel_loop3A_88 = arith.constant 16 : i32
        %parallel_loop3A_89 = arith.muli %parallel_loop3A_87, %parallel_loop3A_88 : i32
        %parallel_loop3A_90 = arith.index_cast %parallel_loop3A_89 : i32 to index
        %parallel_loop3A_91 = tpu.vector_load %arg14[%parallel_loop3A_90] {strides = array<i32>} : memref<640xf32, #tpu.memory_space<vmem>>, vector<16xf32>,
        %parallel_loop3A_92 = arith.constant 16 : i32
        %parallel_loop3A_93 = arith.muli %parallel_loop3A_87, %parallel_loop3A_92 : i32
        %parallel_loop3A_94 = arith.index_cast %parallel_loop3A_93 : i32 to index
        %parallel_loop3A_95 = tpu.vector_load %arg13[%parallel_loop3A_94] {strides = array<i32>} : memref<640xf32, #tpu.memory_space<vmem>>, vector<16xf32>,
        %parallel_loop3A_96 = arith.mulf %parallel_loop3A_91, %parallel_loop3A_95 : vector<16xf32>
        %parallel_loop3A_97 = arith.constant 16 : i32
        %parallel_loop3A_98 = arith.muli %parallel_loop3A_87, %parallel_loop3A_97 : i32
        %parallel_loop3A_99 = arith.index_cast %parallel_loop3A_98 : i32 to index
        %parallel_loop3A_100 = tpu.vector_load %arg16[%parallel_loop3A_99] {strides = array<i32>} : memref<640xf32, #tpu.memory_space<vmem>>, vector<16xf32>,
        tpu.vector_store %arg16[%parallel_loop3A_99], %parallel_loop3A_96 {strides = array<i32>} : memref<640xf32, #tpu.memory_space<vmem>>, vector<16xf32>,
      } {sc.loop_unroll_factor = 4 : i64, sc.parallel_access}
      "tpu.region"() ({
        %run_scoped3A = tpu.sem_alloc : memref<!tpu.dma_semaphore, #tpu.memory_space<semaphore_mem>>
        %dma_start3A = tpu.memref_slice %arg18[%mul3A_0] : memref<10240xf32, #tpu.memory_space<vmem_shared>> -> memref<640xf32, #tpu.memory_space<vmem_shared>>
        %dma_start3A_87 = tpu.memref_slice %arg18[%mul3A_0] : memref<10240xf32, #tpu.memory_space<vmem_shared>> -> memref<640xf32, #tpu.memory_space<vmem_shared>>
        tpu.enqueue_dma source(%arg16 : memref<640xf32, #tpu.memory_space<vmem>>) target(%dma_start3A_87 : memref<640xf32, #tpu.memory_space<vmem_shared>>) target_semaphore(%run_scoped3A : memref<!tpu.dma_semaphore, #tpu.memory_space<semaphore_mem>>)
        %dma_wait3A = tpu.memref_slice %arg18[%mul3A_0] : memref<10240xf32, #tpu.memory_space<vmem_shared>> -> memref<640xf32, #tpu.memory_space<vmem_shared>>
        %dma_wait3A_88 = tpu.memref_slice %arg18[%mul3A_0] : memref<10240xf32, #tpu.memory_space<vmem_shared>> -> memref<640xf32, #tpu.memory_space<vmem_shared>>
        tpu.wait_dma2 semaphore(%run_scoped3A : memref<!tpu.dma_semaphore, #tpu.memory_space<semaphore_mem>>) src(%arg16 : memref<640xf32, #tpu.memory_space<vmem>>) dst(%dma_wait3A_88 : memref<640xf32, #tpu.memory_space<vmem_shared>>)
        tpu.yield
      }) : () -> ()
      %barrier3A_64 = arith.constant 0 : index
      tpu.barrier barrier_id(%barrier3A_64)
      tpu.enqueue_dma source(%arg18 : memref<10240xf32, #tpu.memory_space<vmem_shared>>) target(%arg9 : memref<10240xf32, #tpu.memory_space<vmem>>) target_semaphore(%arg20 : memref<!tpu.dma_semaphore, #tpu.memory_space<semaphore_mem>>)
      %parallel_loop3A_65 = arith.constant 0 : i32
      %parallel_loop3A_66 = arith.constant 640 : i32
      %parallel_loop3A_67 = arith.constant 1 : i32
      scf.for %parallel_loop3A_87 = %parallel_loop3A_65 to %parallel_loop3A_66 step %parallel_loop3A_67  : i32 {
        %parallel_loop3A_88 = arith.constant 0.000000e+00 : f32
        %parallel_loop3A_89 = vector.broadcast %parallel_loop3A_88 : f32 to vector<16xf32>
        %parallel_loop3A_90 = arith.constant 16 : i32
        %parallel_loop3A_91 = arith.muli %parallel_loop3A_87, %parallel_loop3A_90 : i32
        %parallel_loop3A_92 = arith.index_cast %parallel_loop3A_91 : i32 to index
        %parallel_loop3A_93 = tpu.vector_load %arg10[%parallel_loop3A_92] {strides = array<i32>} : memref<10240xf32, #tpu.memory_space<vmem>>, vector<16xf32>,
        tpu.vector_store %arg10[%parallel_loop3A_92], %parallel_loop3A_89 {strides = array<i32>} : memref<10240xf32, #tpu.memory_space<vmem>>, vector<16xf32>,
      } {sc.loop_unroll_factor = 8 : i64, sc.parallel_access}
      tpu.wait_dma2 semaphore(%arg20 : memref<!tpu.dma_semaphore, #tpu.memory_space<semaphore_mem>>) src(%arg18 : memref<10240xf32, #tpu.memory_space<vmem_shared>>) dst(%arg9 : memref<10240xf32, #tpu.memory_space<vmem>>)
      %parallel_loop3A_68 = arith.constant 0 : i32
      %parallel_loop3A_69 = arith.constant 2500 : i32
      %parallel_loop3A_70 = arith.constant 1 : i32
      scf.for %parallel_loop3A_87 = %parallel_loop3A_68 to %parallel_loop3A_69 step %parallel_loop3A_70  : i32 {
        %parallel_loop3A_88 = arith.constant 16 : i32
        %parallel_loop3A_89 = arith.muli %parallel_loop3A_87, %parallel_loop3A_88 : i32
        %parallel_loop3A_90 = arith.index_cast %parallel_loop3A_89 : i32 to index
        %parallel_loop3A_91 = tpu.vector_load %arg7[%parallel_loop3A_90] {strides = array<i32>} : memref<40000xi32, #tpu.memory_space<vmem>>, vector<16xi32>,
        %parallel_loop3A_92 = arith.constant 16383 : i32
        %parallel_loop3A_93 = vector.broadcast %parallel_loop3A_92 : i32 to vector<16xi32>
        %parallel_loop3A_94 = arith.andi %parallel_loop3A_91, %parallel_loop3A_93 : vector<16xi32>
        %parallel_loop3A_95 = arith.constant 14 : i32
        %parallel_loop3A_96 = vector.broadcast %parallel_loop3A_95 : i32 to vector<16xi32>
        %parallel_loop3A_97 = arith.shrui %parallel_loop3A_91, %parallel_loop3A_96 : vector<16xi32>
        %parallel_loop3A_98 = tpu.vector_load_idx %arg9[%parallel_loop3A_97] : memref<10240xf32, #tpu.memory_space<vmem>>[vector<16xi32>], vector<16xf32>,
        tpu.vector_store_idx %arg10[%parallel_loop3A_94], %parallel_loop3A_98 {add = true} : memref<10240xf32, #tpu.memory_space<vmem>>[vector<16xi32>], vector<16xf32>,
      } {sc.loop_unroll_factor = 16 : i64, sc.parallel_access}
      "tpu.region"() ({
        %run_scoped3A = tpu.sem_alloc : memref<!tpu.dma_semaphore, #tpu.memory_space<semaphore_mem>>
        %dma_start3A = arith.constant 0 : i32
        %dma_start3A_87 = tpu.memref_slice %arg19[%arg1, %dma_start3A] : memref<16x10240xf32, #tpu.memory_space<vmem_shared>> -> memref<1x10240xf32, #tpu.memory_space<vmem_shared>>
        %dma_start3A_88 = tpu.memref_squeeze %dma_start3A_87 : memref<1x10240xf32, #tpu.memory_space<vmem_shared>> -> memref<10240xf32, #tpu.memory_space<vmem_shared>>
        %dma_start3A_89 = arith.constant 0 : i32
        %dma_start3A_90 = tpu.memref_slice %arg19[%arg1, %dma_start3A_89] : memref<16x10240xf32, #tpu.memory_space<vmem_shared>> -> memref<1x10240xf32, #tpu.memory_space<vmem_shared>>
        %dma_start3A_91 = tpu.memref_squeeze %dma_start3A_90 : memref<1x10240xf32, #tpu.memory_space<vmem_shared>> -> memref<10240xf32, #tpu.memory_space<vmem_shared>>
        tpu.enqueue_dma source(%arg10 : memref<10240xf32, #tpu.memory_space<vmem>>) target(%dma_start3A_91 : memref<10240xf32, #tpu.memory_space<vmem_shared>>) target_semaphore(%run_scoped3A : memref<!tpu.dma_semaphore, #tpu.memory_space<semaphore_mem>>)
        %dma_wait3A = arith.constant 0 : i32
        %dma_wait3A_92 = tpu.memref_slice %arg19[%arg1, %dma_wait3A] : memref<16x10240xf32, #tpu.memory_space<vmem_shared>> -> memref<1x10240xf32, #tpu.memory_space<vmem_shared>>
        %dma_wait3A_93 = tpu.memref_squeeze %dma_wait3A_92 : memref<1x10240xf32, #tpu.memory_space<vmem_shared>> -> memref<10240xf32, #tpu.memory_space<vmem_shared>>
        %dma_wait3A_94 = arith.constant 0 : i32
        %dma_wait3A_95 = tpu.memref_slice %arg19[%arg1, %dma_wait3A_94] : memref<16x10240xf32, #tpu.memory_space<vmem_shared>> -> memref<1x10240xf32, #tpu.memory_space<vmem_shared>>
        %dma_wait3A_96 = tpu.memref_squeeze %dma_wait3A_95 : memref<1x10240xf32, #tpu.memory_space<vmem_shared>> -> memref<10240xf32, #tpu.memory_space<vmem_shared>>
        tpu.wait_dma2 semaphore(%run_scoped3A : memref<!tpu.dma_semaphore, #tpu.memory_space<semaphore_mem>>) src(%arg10 : memref<10240xf32, #tpu.memory_space<vmem>>) dst(%dma_wait3A_96 : memref<10240xf32, #tpu.memory_space<vmem_shared>>)
        tpu.yield
      }) : () -> ()
      %barrier3A_71 = arith.constant 0 : index
      tpu.barrier barrier_id(%barrier3A_71)
      "tpu.region"() ({
        %run_scoped3A = tpu.sem_alloc : memref<!tpu.dma_semaphore, #tpu.memory_space<semaphore_mem>>
        %dma_start3A = arith.constant 0 : i32
        %dma_start3A_87 = tpu.memref_slice %arg19[%dma_start3A, %mul3A_0] : memref<16x10240xf32, #tpu.memory_space<vmem_shared>> -> memref<16x640xf32, #tpu.memory_space<vmem_shared>>
        %dma_start3A_88 = arith.constant 0 : i32
        %dma_start3A_89 = tpu.memref_slice %arg19[%dma_start3A_88, %mul3A_0] : memref<16x10240xf32, #tpu.memory_space<vmem_shared>> -> memref<16x640xf32, #tpu.memory_space<vmem_shared>>
        tpu.enqueue_dma source(%dma_start3A_89 : memref<16x640xf32, #tpu.memory_space<vmem_shared>>) target(%arg12 : memref<16x640xf32, #tpu.memory_space<vmem>>) target_semaphore(%run_scoped3A : memref<!tpu.dma_semaphore, #tpu.memory_space<semaphore_mem>>)
        %dma_wait3A = arith.constant 0 : i32
        %dma_wait3A_90 = tpu.memref_slice %arg19[%dma_wait3A, %mul3A_0] : memref<16x10240xf32, #tpu.memory_space<vmem_shared>> -> memref<16x640xf32, #tpu.memory_space<vmem_shared>>
        %dma_wait3A_91 = arith.constant 0 : i32
        %dma_wait3A_92 = tpu.memref_slice %arg19[%dma_wait3A_91, %mul3A_0] : memref<16x10240xf32, #tpu.memory_space<vmem_shared>> -> memref<16x640xf32, #tpu.memory_space<vmem_shared>>
        tpu.wait_dma2 semaphore(%run_scoped3A : memref<!tpu.dma_semaphore, #tpu.memory_space<semaphore_mem>>) src(%dma_wait3A_92 : memref<16x640xf32, #tpu.memory_space<vmem_shared>>) dst(%arg12 : memref<16x640xf32, #tpu.memory_space<vmem>>)
        tpu.yield
      }) : () -> ()
      %parallel_loop3A_72 = arith.constant 0 : i32
      %parallel_loop3A_73 = arith.constant 40 : i32
      %parallel_loop3A_74 = arith.constant 1 : i32
      scf.for %parallel_loop3A_87 = %parallel_loop3A_72 to %parallel_loop3A_73 step %parallel_loop3A_74  : i32 {
        %parallel_loop3A_88 = arith.constant 16 : i32
        %parallel_loop3A_89 = arith.muli %parallel_loop3A_87, %parallel_loop3A_88 : i32
        %parallel_loop3A_90 = arith.constant 0 : i32
        %parallel_loop3A_91 = arith.index_cast %parallel_loop3A_90 : i32 to index
        %parallel_loop3A_92 = arith.index_cast %parallel_loop3A_89 : i32 to index
        %parallel_loop3A_93 = tpu.vector_load %arg12[%parallel_loop3A_91, %parallel_loop3A_92] {strides = array<i32>} : memref<16x640xf32, #tpu.memory_space<vmem>>, vector<16xf32>,
        %parallel_loop3A_94 = arith.constant 16 : i32
        %parallel_loop3A_95 = arith.muli %parallel_loop3A_87, %parallel_loop3A_94 : i32
        %parallel_loop3A_96 = arith.constant 1 : i32
        %parallel_loop3A_97 = arith.index_cast %parallel_loop3A_96 : i32 to index
        %parallel_loop3A_98 = arith.index_cast %parallel_loop3A_95 : i32 to index
        %parallel_loop3A_99 = tpu.vector_load %arg12[%parallel_loop3A_97, %parallel_loop3A_98] {strides = array<i32>} : memref<16x640xf32, #tpu.memory_space<vmem>>, vector<16xf32>,
        %parallel_loop3A_100 = arith.addf %parallel_loop3A_93, %parallel_loop3A_99 : vector<16xf32>
        %parallel_loop3A_101 = arith.constant 16 : i32
        %parallel_loop3A_102 = arith.muli %parallel_loop3A_87, %parallel_loop3A_101 : i32
        %parallel_loop3A_103 = arith.constant 2 : i32
        %parallel_loop3A_104 = arith.index_cast %parallel_loop3A_103 : i32 to index
        %parallel_loop3A_105 = arith.index_cast %parallel_loop3A_102 : i32 to index
        %parallel_loop3A_106 = tpu.vector_load %arg12[%parallel_loop3A_104, %parallel_loop3A_105] {strides = array<i32>} : memref<16x640xf32, #tpu.memory_space<vmem>>, vector<16xf32>,
        %parallel_loop3A_107 = arith.addf %parallel_loop3A_100, %parallel_loop3A_106 : vector<16xf32>
        %parallel_loop3A_108 = arith.constant 16 : i32
        %parallel_loop3A_109 = arith.muli %parallel_loop3A_87, %parallel_loop3A_108 : i32
        %parallel_loop3A_110 = arith.constant 3 : i32
        %parallel_loop3A_111 = arith.index_cast %parallel_loop3A_110 : i32 to index
        %parallel_loop3A_112 = arith.index_cast %parallel_loop3A_109 : i32 to index
        %parallel_loop3A_113 = tpu.vector_load %arg12[%parallel_loop3A_111, %parallel_loop3A_112] {strides = array<i32>} : memref<16x640xf32, #tpu.memory_space<vmem>>, vector<16xf32>,
        %parallel_loop3A_114 = arith.addf %parallel_loop3A_107, %parallel_loop3A_113 : vector<16xf32>
        %parallel_loop3A_115 = arith.constant 16 : i32
        %parallel_loop3A_116 = arith.muli %parallel_loop3A_87, %parallel_loop3A_115 : i32
        %parallel_loop3A_117 = arith.constant 4 : i32
        %parallel_loop3A_118 = arith.index_cast %parallel_loop3A_117 : i32 to index
        %parallel_loop3A_119 = arith.index_cast %parallel_loop3A_116 : i32 to index
        %parallel_loop3A_120 = tpu.vector_load %arg12[%parallel_loop3A_118, %parallel_loop3A_119] {strides = array<i32>} : memref<16x640xf32, #tpu.memory_space<vmem>>, vector<16xf32>,
        %parallel_loop3A_121 = arith.addf %parallel_loop3A_114, %parallel_loop3A_120 : vector<16xf32>
        %parallel_loop3A_122 = arith.constant 16 : i32
        %parallel_loop3A_123 = arith.muli %parallel_loop3A_87, %parallel_loop3A_122 : i32
        %parallel_loop3A_124 = arith.constant 5 : i32
        %parallel_loop3A_125 = arith.index_cast %parallel_loop3A_124 : i32 to index
        %parallel_loop3A_126 = arith.index_cast %parallel_loop3A_123 : i32 to index
        %parallel_loop3A_127 = tpu.vector_load %arg12[%parallel_loop3A_125, %parallel_loop3A_126] {strides = array<i32>} : memref<16x640xf32, #tpu.memory_space<vmem>>, vector<16xf32>,
        %parallel_loop3A_128 = arith.addf %parallel_loop3A_121, %parallel_loop3A_127 : vector<16xf32>
        %parallel_loop3A_129 = arith.constant 16 : i32
        %parallel_loop3A_130 = arith.muli %parallel_loop3A_87, %parallel_loop3A_129 : i32
        %parallel_loop3A_131 = arith.constant 6 : i32
        %parallel_loop3A_132 = arith.index_cast %parallel_loop3A_131 : i32 to index
        %parallel_loop3A_133 = arith.index_cast %parallel_loop3A_130 : i32 to index
        %parallel_loop3A_134 = tpu.vector_load %arg12[%parallel_loop3A_132, %parallel_loop3A_133] {strides = array<i32>} : memref<16x640xf32, #tpu.memory_space<vmem>>, vector<16xf32>,
        %parallel_loop3A_135 = arith.addf %parallel_loop3A_128, %parallel_loop3A_134 : vector<16xf32>
        %parallel_loop3A_136 = arith.constant 16 : i32
        %parallel_loop3A_137 = arith.muli %parallel_loop3A_87, %parallel_loop3A_136 : i32
        %parallel_loop3A_138 = arith.constant 7 : i32
        %parallel_loop3A_139 = arith.index_cast %parallel_loop3A_138 : i32 to index
        %parallel_loop3A_140 = arith.index_cast %parallel_loop3A_137 : i32 to index
        %parallel_loop3A_141 = tpu.vector_load %arg12[%parallel_loop3A_139, %parallel_loop3A_140] {strides = array<i32>} : memref<16x640xf32, #tpu.memory_space<vmem>>, vector<16xf32>,
        %parallel_loop3A_142 = arith.addf %parallel_loop3A_135, %parallel_loop3A_141 : vector<16xf32>
        %parallel_loop3A_143 = arith.constant 16 : i32
        %parallel_loop3A_144 = arith.muli %parallel_loop3A_87, %parallel_loop3A_143 : i32
        %parallel_loop3A_145 = arith.constant 8 : i32
        %parallel_loop3A_146 = arith.index_cast %parallel_loop3A_145 : i32 to index
        %parallel_loop3A_147 = arith.index_cast %parallel_loop3A_144 : i32 to index
        %parallel_loop3A_148 = tpu.vector_load %arg12[%parallel_loop3A_146, %parallel_loop3A_147] {strides = array<i32>} : memref<16x640xf32, #tpu.memory_space<vmem>>, vector<16xf32>,
        %parallel_loop3A_149 = arith.addf %parallel_loop3A_142, %parallel_loop3A_148 : vector<16xf32>
        %parallel_loop3A_150 = arith.constant 16 : i32
        %parallel_loop3A_151 = arith.muli %parallel_loop3A_87, %parallel_loop3A_150 : i32
        %parallel_loop3A_152 = arith.constant 9 : i32
        %parallel_loop3A_153 = arith.index_cast %parallel_loop3A_152 : i32 to index
        %parallel_loop3A_154 = arith.index_cast %parallel_loop3A_151 : i32 to index
        %parallel_loop3A_155 = tpu.vector_load %arg12[%parallel_loop3A_153, %parallel_loop3A_154] {strides = array<i32>} : memref<16x640xf32, #tpu.memory_space<vmem>>, vector<16xf32>,
        %parallel_loop3A_156 = arith.addf %parallel_loop3A_149, %parallel_loop3A_155 : vector<16xf32>
        %parallel_loop3A_157 = arith.constant 16 : i32
        %parallel_loop3A_158 = arith.muli %parallel_loop3A_87, %parallel_loop3A_157 : i32
        %parallel_loop3A_159 = arith.constant 10 : i32
        %parallel_loop3A_160 = arith.index_cast %parallel_loop3A_159 : i32 to index
        %parallel_loop3A_161 = arith.index_cast %parallel_loop3A_158 : i32 to index
        %parallel_loop3A_162 = tpu.vector_load %arg12[%parallel_loop3A_160, %parallel_loop3A_161] {strides = array<i32>} : memref<16x640xf32, #tpu.memory_space<vmem>>, vector<16xf32>,
        %parallel_loop3A_163 = arith.addf %parallel_loop3A_156, %parallel_loop3A_162 : vector<16xf32>
        %parallel_loop3A_164 = arith.constant 16 : i32
        %parallel_loop3A_165 = arith.muli %parallel_loop3A_87, %parallel_loop3A_164 : i32
        %parallel_loop3A_166 = arith.constant 11 : i32
        %parallel_loop3A_167 = arith.index_cast %parallel_loop3A_166 : i32 to index
        %parallel_loop3A_168 = arith.index_cast %parallel_loop3A_165 : i32 to index
        %parallel_loop3A_169 = tpu.vector_load %arg12[%parallel_loop3A_167, %parallel_loop3A_168] {strides = array<i32>} : memref<16x640xf32, #tpu.memory_space<vmem>>, vector<16xf32>,
        %parallel_loop3A_170 = arith.addf %parallel_loop3A_163, %parallel_loop3A_169 : vector<16xf32>
        %parallel_loop3A_171 = arith.constant 16 : i32
        %parallel_loop3A_172 = arith.muli %parallel_loop3A_87, %parallel_loop3A_171 : i32
        %parallel_loop3A_173 = arith.constant 12 : i32
        %parallel_loop3A_174 = arith.index_cast %parallel_loop3A_173 : i32 to index
        %parallel_loop3A_175 = arith.index_cast %parallel_loop3A_172 : i32 to index
        %parallel_loop3A_176 = tpu.vector_load %arg12[%parallel_loop3A_174, %parallel_loop3A_175] {strides = array<i32>} : memref<16x640xf32, #tpu.memory_space<vmem>>, vector<16xf32>,
        %parallel_loop3A_177 = arith.addf %parallel_loop3A_170, %parallel_loop3A_176 : vector<16xf32>
        %parallel_loop3A_178 = arith.constant 16 : i32
        %parallel_loop3A_179 = arith.muli %parallel_loop3A_87, %parallel_loop3A_178 : i32
        %parallel_loop3A_180 = arith.constant 13 : i32
        %parallel_loop3A_181 = arith.index_cast %parallel_loop3A_180 : i32 to index
        %parallel_loop3A_182 = arith.index_cast %parallel_loop3A_179 : i32 to index
        %parallel_loop3A_183 = tpu.vector_load %arg12[%parallel_loop3A_181, %parallel_loop3A_182] {strides = array<i32>} : memref<16x640xf32, #tpu.memory_space<vmem>>, vector<16xf32>,
        %parallel_loop3A_184 = arith.addf %parallel_loop3A_177, %parallel_loop3A_183 : vector<16xf32>
        %parallel_loop3A_185 = arith.constant 16 : i32
        %parallel_loop3A_186 = arith.muli %parallel_loop3A_87, %parallel_loop3A_185 : i32
        %parallel_loop3A_187 = arith.constant 14 : i32
        %parallel_loop3A_188 = arith.index_cast %parallel_loop3A_187 : i32 to index
        %parallel_loop3A_189 = arith.index_cast %parallel_loop3A_186 : i32 to index
        %parallel_loop3A_190 = tpu.vector_load %arg12[%parallel_loop3A_188, %parallel_loop3A_189] {strides = array<i32>} : memref<16x640xf32, #tpu.memory_space<vmem>>, vector<16xf32>,
        %parallel_loop3A_191 = arith.addf %parallel_loop3A_184, %parallel_loop3A_190 : vector<16xf32>
        %parallel_loop3A_192 = arith.constant 16 : i32
        %parallel_loop3A_193 = arith.muli %parallel_loop3A_87, %parallel_loop3A_192 : i32
        %parallel_loop3A_194 = arith.constant 15 : i32
        %parallel_loop3A_195 = arith.index_cast %parallel_loop3A_194 : i32 to index
        %parallel_loop3A_196 = arith.index_cast %parallel_loop3A_193 : i32 to index
        %parallel_loop3A_197 = tpu.vector_load %arg12[%parallel_loop3A_195, %parallel_loop3A_196] {strides = array<i32>} : memref<16x640xf32, #tpu.memory_space<vmem>>, vector<16xf32>,
        %parallel_loop3A_198 = arith.addf %parallel_loop3A_191, %parallel_loop3A_197 : vector<16xf32>
        %parallel_loop3A_199 = arith.constant 16 : i32
        %parallel_loop3A_200 = arith.muli %parallel_loop3A_87, %parallel_loop3A_199 : i32
        %parallel_loop3A_201 = arith.index_cast %parallel_loop3A_200 : i32 to index
        %parallel_loop3A_202 = tpu.vector_load %arg15[%parallel_loop3A_201] {strides = array<i32>} : memref<640xf32, #tpu.memory_space<vmem>>, vector<16xf32>,
        tpu.vector_store %arg15[%parallel_loop3A_201], %parallel_loop3A_198 {strides = array<i32>} : memref<640xf32, #tpu.memory_space<vmem>>, vector<16xf32>,
      } {sc.loop_unroll_factor = 2 : i64, sc.parallel_access}
      %eq3A_75 = vector.broadcast %sub3A_60 : i32 to vector<16xi32>
      %eq3A_76 = arith.cmpi eq, %iota3A, %eq3A_75 : vector<16xi32>
      %jit3A_77 = arith.constant 0.000000e+00 : f32
      %broadcast_in_dim3A_78 = vector.broadcast %jit3A_77 : f32 to vector<16xf32>
      %select_n3A_79 = arith.select %eq3A_76, %get3A_21, %broadcast_in_dim3A_78 : vector<16xi1>, vector<16xf32>
      %reduce_sum3A_80 = arith.constant true
      %reduce_sum3A_81 = vector.broadcast %reduce_sum3A_80 : i1 to vector<16xi1>
      %reduce_sum3A_82 = tpu.scan <sum>, %select_n3A_79 masked %reduce_sum3A_81 : vector<16xf32>, vector<16xi1> -> vector<16xf32>
      %reduce_sum3A_83 = vector.extract %reduce_sum3A_82[15] : f32 from vector<16xf32>
      %parallel_loop3A_84 = arith.constant 0 : i32
      %parallel_loop3A_85 = arith.constant 40 : i32
      %parallel_loop3A_86 = arith.constant 1 : i32
      scf.for %parallel_loop3A_87 = %parallel_loop3A_84 to %parallel_loop3A_85 step %parallel_loop3A_86  : i32 {
        %parallel_loop3A_88 = arith.constant 16 : i32
        %parallel_loop3A_89 = arith.muli %parallel_loop3A_87, %parallel_loop3A_88 : i32
        %parallel_loop3A_90 = arith.index_cast %parallel_loop3A_89 : i32 to index
        %parallel_loop3A_91 = tpu.vector_load %arg14[%parallel_loop3A_90] {strides = array<i32>} : memref<640xf32, #tpu.memory_space<vmem>>, vector<16xf32>,
        %parallel_loop3A_92 = arith.constant 16 : i32
        %parallel_loop3A_93 = arith.muli %parallel_loop3A_87, %parallel_loop3A_92 : i32
        %parallel_loop3A_94 = arith.index_cast %parallel_loop3A_93 : i32 to index
        %parallel_loop3A_95 = tpu.vector_load %arg15[%parallel_loop3A_94] {strides = array<i32>} : memref<640xf32, #tpu.memory_space<vmem>>, vector<16xf32>,
        %parallel_loop3A_96 = arith.mulf %parallel_loop3A_91, %parallel_loop3A_95 : vector<16xf32>
        %parallel_loop3A_97 = arith.constant 16 : i32
        %parallel_loop3A_98 = arith.muli %parallel_loop3A_87, %parallel_loop3A_97 : i32
        %parallel_loop3A_99 = arith.index_cast %parallel_loop3A_98 : i32 to index
        %parallel_loop3A_100 = tpu.vector_load %arg11[%parallel_loop3A_99] {strides = array<i32>} : memref<640xf32, #tpu.memory_space<vmem>>, vector<16xf32>,
        %parallel_loop3A_101 = vector.broadcast %reduce_sum3A_83 : f32 to vector<16xf32>
        %parallel_loop3A_102 = arith.mulf %parallel_loop3A_101, %parallel_loop3A_100 : vector<16xf32>
        %parallel_loop3A_103 = arith.addf %parallel_loop3A_96, %parallel_loop3A_102 : vector<16xf32>
        %parallel_loop3A_104 = arith.constant 16 : i32
        %parallel_loop3A_105 = arith.muli %parallel_loop3A_87, %parallel_loop3A_104 : i32
        %parallel_loop3A_106 = arith.index_cast %parallel_loop3A_105 : i32 to index
        %parallel_loop3A_107 = tpu.vector_load %arg13[%parallel_loop3A_106] {strides = array<i32>} : memref<640xf32, #tpu.memory_space<vmem>>, vector<16xf32>,
        tpu.vector_store %arg13[%parallel_loop3A_106], %parallel_loop3A_103 {strides = array<i32>} : memref<640xf32, #tpu.memory_space<vmem>>, vector<16xf32>,
      } {sc.loop_unroll_factor = 4 : i64, sc.parallel_access}
    }
    %scan3A_34 = arith.constant 10 : i32
    %convert_element_type3A = arith.sitofp %arg0 : i32 to f32
    %mul3A_35 = arith.constant 2.000000e+00 : f32
    %mul3A_36 = arith.mulf %mul3A_35, %convert_element_type3A : f32
    %sub3A = arith.constant 1.000000e+00 : f32
    %sub3A_37 = arith.subf %sub3A, %mul3A_36 : f32
    %parallel_loop3A_38 = arith.constant 0 : i32
    %parallel_loop3A_39 = arith.constant 40 : i32
    %parallel_loop3A_40 = arith.constant 1 : i32
    scf.for %parallel_loop3A_58 = %parallel_loop3A_38 to %parallel_loop3A_39 step %parallel_loop3A_40  : i32 {
      %parallel_loop3A_59 = arith.constant 16 : i32
      %parallel_loop3A_60 = arith.muli %parallel_loop3A_58, %parallel_loop3A_59 : i32
      %parallel_loop3A_61 = arith.index_cast %parallel_loop3A_60 : i32 to index
      %parallel_loop3A_62 = tpu.vector_load %arg13[%parallel_loop3A_61] {strides = array<i32>} : memref<640xf32, #tpu.memory_space<vmem>>, vector<16xf32>,
      %parallel_loop3A_63 = vector.broadcast %sub3A_37 : f32 to vector<16xf32>
      %parallel_loop3A_64 = arith.mulf %parallel_loop3A_63, %parallel_loop3A_62 : vector<16xf32>
      %parallel_loop3A_65 = arith.constant 0.000000e+00 : f32
      %parallel_loop3A_66 = vector.broadcast %parallel_loop3A_65 : f32 to vector<16xf32>
      %parallel_loop3A_67 = arith.maximumf %parallel_loop3A_64, %parallel_loop3A_66 : vector<16xf32>
      %parallel_loop3A_68 = arith.constant 16 : i32
      %parallel_loop3A_69 = arith.muli %parallel_loop3A_58, %parallel_loop3A_68 : i32
      %parallel_loop3A_70 = arith.index_cast %parallel_loop3A_69 : i32 to index
      %parallel_loop3A_71 = tpu.vector_load %arg11[%parallel_loop3A_70] {strides = array<i32>} : memref<640xf32, #tpu.memory_space<vmem>>, vector<16xf32>,
      tpu.vector_store %arg11[%parallel_loop3A_70], %parallel_loop3A_67 {strides = array<i32>} : memref<640xf32, #tpu.memory_space<vmem>>, vector<16xf32>,
    } {sc.loop_unroll_factor = 4 : i64, sc.parallel_access}
    %parallel_loop3A_41 = arith.constant 0 : i32
    %parallel_loop3A_42 = arith.constant 40 : i32
    %parallel_loop3A_43 = arith.constant 1 : i32
    scf.for %parallel_loop3A_58 = %parallel_loop3A_41 to %parallel_loop3A_42 step %parallel_loop3A_43  : i32 {
      %parallel_loop3A_59 = arith.constant 16 : i32
      %parallel_loop3A_60 = arith.muli %parallel_loop3A_58, %parallel_loop3A_59 : i32
      %parallel_loop3A_61 = arith.index_cast %parallel_loop3A_60 : i32 to index
      %parallel_loop3A_62 = tpu.vector_load %arg11[%parallel_loop3A_61] {strides = array<i32>} : memref<640xf32, #tpu.memory_space<vmem>>, vector<16xf32>,
      %parallel_loop3A_63 = vector.broadcast %reduce_sum3A_27 : f32 to vector<16xf32>
      %parallel_loop3A_64 = arith.mulf %parallel_loop3A_63, %parallel_loop3A_62 : vector<16xf32>
      %parallel_loop3A_65 = arith.constant 16 : i32
      %parallel_loop3A_66 = arith.muli %parallel_loop3A_58, %parallel_loop3A_65 : i32
      %parallel_loop3A_67 = arith.index_cast %parallel_loop3A_66 : i32 to index
      %parallel_loop3A_68 = tpu.vector_load %arg13[%parallel_loop3A_67] {strides = array<i32>} : memref<640xf32, #tpu.memory_space<vmem>>, vector<16xf32>,
      tpu.vector_store %arg13[%parallel_loop3A_67], %parallel_loop3A_64 {strides = array<i32>} : memref<640xf32, #tpu.memory_space<vmem>>, vector<16xf32>,
    } {sc.loop_unroll_factor = 4 : i64, sc.parallel_access}
    %scan3A_44 = arith.constant 0 : i32
    %scan3A_45 = arith.constant 10 : i32
    %scan3A_46 = arith.addi %scan3A_44, %scan3A_45 : i32
    %scan3A_47 = arith.constant 1 : i32
    scf.for %scan3A_58 = %scan3A_44 to %scan3A_46 step %scan3A_47  : i32 {
      %sub3A_59 = arith.constant 9 : i32
      %sub3A_60 = arith.subi %sub3A_59, %scan3A_58 : i32
      %parallel_loop3A_61 = arith.constant 0 : i32
      %parallel_loop3A_62 = arith.constant 40 : i32
      %parallel_loop3A_63 = arith.constant 1 : i32
      scf.for %parallel_loop3A_87 = %parallel_loop3A_61 to %parallel_loop3A_62 step %parallel_loop3A_63  : i32 {
        %parallel_loop3A_88 = arith.constant 16 : i32
        %parallel_loop3A_89 = arith.muli %parallel_loop3A_87, %parallel_loop3A_88 : i32
        %parallel_loop3A_90 = arith.index_cast %parallel_loop3A_89 : i32 to index
        %parallel_loop3A_91 = tpu.vector_load %arg14[%parallel_loop3A_90] {strides = array<i32>} : memref<640xf32, #tpu.memory_space<vmem>>, vector<16xf32>,
        %parallel_loop3A_92 = arith.constant 16 : i32
        %parallel_loop3A_93 = arith.muli %parallel_loop3A_87, %parallel_loop3A_92 : i32
        %parallel_loop3A_94 = arith.index_cast %parallel_loop3A_93 : i32 to index
        %parallel_loop3A_95 = tpu.vector_load %arg13[%parallel_loop3A_94] {strides = array<i32>} : memref<640xf32, #tpu.memory_space<vmem>>, vector<16xf32>,
        %parallel_loop3A_96 = arith.mulf %parallel_loop3A_91, %parallel_loop3A_95 : vector<16xf32>
        %parallel_loop3A_97 = arith.constant 16 : i32
        %parallel_loop3A_98 = arith.muli %parallel_loop3A_87, %parallel_loop3A_97 : i32
        %parallel_loop3A_99 = arith.index_cast %parallel_loop3A_98 : i32 to index
        %parallel_loop3A_100 = tpu.vector_load %arg16[%parallel_loop3A_99] {strides = array<i32>} : memref<640xf32, #tpu.memory_space<vmem>>, vector<16xf32>,
        tpu.vector_store %arg16[%parallel_loop3A_99], %parallel_loop3A_96 {strides = array<i32>} : memref<640xf32, #tpu.memory_space<vmem>>, vector<16xf32>,
      } {sc.loop_unroll_factor = 4 : i64, sc.parallel_access}
      "tpu.region"() ({
        %run_scoped3A = tpu.sem_alloc : memref<!tpu.dma_semaphore, #tpu.memory_space<semaphore_mem>>
        %dma_start3A = tpu.memref_slice %arg18[%mul3A_0] : memref<10240xf32, #tpu.memory_space<vmem_shared>> -> memref<640xf32, #tpu.memory_space<vmem_shared>>
        %dma_start3A_87 = tpu.memref_slice %arg18[%mul3A_0] : memref<10240xf32, #tpu.memory_space<vmem_shared>> -> memref<640xf32, #tpu.memory_space<vmem_shared>>
        tpu.enqueue_dma source(%arg16 : memref<640xf32, #tpu.memory_space<vmem>>) target(%dma_start3A_87 : memref<640xf32, #tpu.memory_space<vmem_shared>>) target_semaphore(%run_scoped3A : memref<!tpu.dma_semaphore, #tpu.memory_space<semaphore_mem>>)
        %dma_wait3A = tpu.memref_slice %arg18[%mul3A_0] : memref<10240xf32, #tpu.memory_space<vmem_shared>> -> memref<640xf32, #tpu.memory_space<vmem_shared>>
        %dma_wait3A_88 = tpu.memref_slice %arg18[%mul3A_0] : memref<10240xf32, #tpu.memory_space<vmem_shared>> -> memref<640xf32, #tpu.memory_space<vmem_shared>>
        tpu.wait_dma2 semaphore(%run_scoped3A : memref<!tpu.dma_semaphore, #tpu.memory_space<semaphore_mem>>) src(%arg16 : memref<640xf32, #tpu.memory_space<vmem>>) dst(%dma_wait3A_88 : memref<640xf32, #tpu.memory_space<vmem_shared>>)
        tpu.yield
      }) : () -> ()
      %barrier3A_64 = arith.constant 0 : index
      tpu.barrier barrier_id(%barrier3A_64)
      tpu.enqueue_dma source(%arg18 : memref<10240xf32, #tpu.memory_space<vmem_shared>>) target(%arg9 : memref<10240xf32, #tpu.memory_space<vmem>>) target_semaphore(%arg20 : memref<!tpu.dma_semaphore, #tpu.memory_space<semaphore_mem>>)
      %parallel_loop3A_65 = arith.constant 0 : i32
      %parallel_loop3A_66 = arith.constant 640 : i32
      %parallel_loop3A_67 = arith.constant 1 : i32
      scf.for %parallel_loop3A_87 = %parallel_loop3A_65 to %parallel_loop3A_66 step %parallel_loop3A_67  : i32 {
        %parallel_loop3A_88 = arith.constant 0.000000e+00 : f32
        %parallel_loop3A_89 = vector.broadcast %parallel_loop3A_88 : f32 to vector<16xf32>
        %parallel_loop3A_90 = arith.constant 16 : i32
        %parallel_loop3A_91 = arith.muli %parallel_loop3A_87, %parallel_loop3A_90 : i32
        %parallel_loop3A_92 = arith.index_cast %parallel_loop3A_91 : i32 to index
        %parallel_loop3A_93 = tpu.vector_load %arg10[%parallel_loop3A_92] {strides = array<i32>} : memref<10240xf32, #tpu.memory_space<vmem>>, vector<16xf32>,
        tpu.vector_store %arg10[%parallel_loop3A_92], %parallel_loop3A_89 {strides = array<i32>} : memref<10240xf32, #tpu.memory_space<vmem>>, vector<16xf32>,
      } {sc.loop_unroll_factor = 8 : i64, sc.parallel_access}
      tpu.wait_dma2 semaphore(%arg20 : memref<!tpu.dma_semaphore, #tpu.memory_space<semaphore_mem>>) src(%arg18 : memref<10240xf32, #tpu.memory_space<vmem_shared>>) dst(%arg9 : memref<10240xf32, #tpu.memory_space<vmem>>)
      %parallel_loop3A_68 = arith.constant 0 : i32
      %parallel_loop3A_69 = arith.constant 2500 : i32
      %parallel_loop3A_70 = arith.constant 1 : i32
      scf.for %parallel_loop3A_87 = %parallel_loop3A_68 to %parallel_loop3A_69 step %parallel_loop3A_70  : i32 {
        %parallel_loop3A_88 = arith.constant 16 : i32
        %parallel_loop3A_89 = arith.muli %parallel_loop3A_87, %parallel_loop3A_88 : i32
        %parallel_loop3A_90 = arith.index_cast %parallel_loop3A_89 : i32 to index
        %parallel_loop3A_91 = tpu.vector_load %arg7[%parallel_loop3A_90] {strides = array<i32>} : memref<40000xi32, #tpu.memory_space<vmem>>, vector<16xi32>,
        %parallel_loop3A_92 = arith.constant 16383 : i32
        %parallel_loop3A_93 = vector.broadcast %parallel_loop3A_92 : i32 to vector<16xi32>
        %parallel_loop3A_94 = arith.andi %parallel_loop3A_91, %parallel_loop3A_93 : vector<16xi32>
        %parallel_loop3A_95 = arith.constant 14 : i32
        %parallel_loop3A_96 = vector.broadcast %parallel_loop3A_95 : i32 to vector<16xi32>
        %parallel_loop3A_97 = arith.shrui %parallel_loop3A_91, %parallel_loop3A_96 : vector<16xi32>
        %parallel_loop3A_98 = tpu.vector_load_idx %arg9[%parallel_loop3A_97] : memref<10240xf32, #tpu.memory_space<vmem>>[vector<16xi32>], vector<16xf32>,
        tpu.vector_store_idx %arg10[%parallel_loop3A_94], %parallel_loop3A_98 {add = true} : memref<10240xf32, #tpu.memory_space<vmem>>[vector<16xi32>], vector<16xf32>,
      } {sc.loop_unroll_factor = 16 : i64, sc.parallel_access}
      "tpu.region"() ({
        %run_scoped3A = tpu.sem_alloc : memref<!tpu.dma_semaphore, #tpu.memory_space<semaphore_mem>>
        %dma_start3A = arith.constant 0 : i32
        %dma_start3A_87 = tpu.memref_slice %arg19[%arg1, %dma_start3A] : memref<16x10240xf32, #tpu.memory_space<vmem_shared>> -> memref<1x10240xf32, #tpu.memory_space<vmem_shared>>
        %dma_start3A_88 = tpu.memref_squeeze %dma_start3A_87 : memref<1x10240xf32, #tpu.memory_space<vmem_shared>> -> memref<10240xf32, #tpu.memory_space<vmem_shared>>
        %dma_start3A_89 = arith.constant 0 : i32
        %dma_start3A_90 = tpu.memref_slice %arg19[%arg1, %dma_start3A_89] : memref<16x10240xf32, #tpu.memory_space<vmem_shared>> -> memref<1x10240xf32, #tpu.memory_space<vmem_shared>>
        %dma_start3A_91 = tpu.memref_squeeze %dma_start3A_90 : memref<1x10240xf32, #tpu.memory_space<vmem_shared>> -> memref<10240xf32, #tpu.memory_space<vmem_shared>>
        tpu.enqueue_dma source(%arg10 : memref<10240xf32, #tpu.memory_space<vmem>>) target(%dma_start3A_91 : memref<10240xf32, #tpu.memory_space<vmem_shared>>) target_semaphore(%run_scoped3A : memref<!tpu.dma_semaphore, #tpu.memory_space<semaphore_mem>>)
        %dma_wait3A = arith.constant 0 : i32
        %dma_wait3A_92 = tpu.memref_slice %arg19[%arg1, %dma_wait3A] : memref<16x10240xf32, #tpu.memory_space<vmem_shared>> -> memref<1x10240xf32, #tpu.memory_space<vmem_shared>>
        %dma_wait3A_93 = tpu.memref_squeeze %dma_wait3A_92 : memref<1x10240xf32, #tpu.memory_space<vmem_shared>> -> memref<10240xf32, #tpu.memory_space<vmem_shared>>
        %dma_wait3A_94 = arith.constant 0 : i32
        %dma_wait3A_95 = tpu.memref_slice %arg19[%arg1, %dma_wait3A_94] : memref<16x10240xf32, #tpu.memory_space<vmem_shared>> -> memref<1x10240xf32, #tpu.memory_space<vmem_shared>>
        %dma_wait3A_96 = tpu.memref_squeeze %dma_wait3A_95 : memref<1x10240xf32, #tpu.memory_space<vmem_shared>> -> memref<10240xf32, #tpu.memory_space<vmem_shared>>
        tpu.wait_dma2 semaphore(%run_scoped3A : memref<!tpu.dma_semaphore, #tpu.memory_space<semaphore_mem>>) src(%arg10 : memref<10240xf32, #tpu.memory_space<vmem>>) dst(%dma_wait3A_96 : memref<10240xf32, #tpu.memory_space<vmem_shared>>)
        tpu.yield
      }) : () -> ()
      %barrier3A_71 = arith.constant 0 : index
      tpu.barrier barrier_id(%barrier3A_71)
      "tpu.region"() ({
        %run_scoped3A = tpu.sem_alloc : memref<!tpu.dma_semaphore, #tpu.memory_space<semaphore_mem>>
        %dma_start3A = arith.constant 0 : i32
        %dma_start3A_87 = tpu.memref_slice %arg19[%dma_start3A, %mul3A_0] : memref<16x10240xf32, #tpu.memory_space<vmem_shared>> -> memref<16x640xf32, #tpu.memory_space<vmem_shared>>
        %dma_start3A_88 = arith.constant 0 : i32
        %dma_start3A_89 = tpu.memref_slice %arg19[%dma_start3A_88, %mul3A_0] : memref<16x10240xf32, #tpu.memory_space<vmem_shared>> -> memref<16x640xf32, #tpu.memory_space<vmem_shared>>
        tpu.enqueue_dma source(%dma_start3A_89 : memref<16x640xf32, #tpu.memory_space<vmem_shared>>) target(%arg12 : memref<16x640xf32, #tpu.memory_space<vmem>>) target_semaphore(%run_scoped3A : memref<!tpu.dma_semaphore, #tpu.memory_space<semaphore_mem>>)
        %dma_wait3A = arith.constant 0 : i32
        %dma_wait3A_90 = tpu.memref_slice %arg19[%dma_wait3A, %mul3A_0] : memref<16x10240xf32, #tpu.memory_space<vmem_shared>> -> memref<16x640xf32, #tpu.memory_space<vmem_shared>>
        %dma_wait3A_91 = arith.constant 0 : i32
        %dma_wait3A_92 = tpu.memref_slice %arg19[%dma_wait3A_91, %mul3A_0] : memref<16x10240xf32, #tpu.memory_space<vmem_shared>> -> memref<16x640xf32, #tpu.memory_space<vmem_shared>>
        tpu.wait_dma2 semaphore(%run_scoped3A : memref<!tpu.dma_semaphore, #tpu.memory_space<semaphore_mem>>) src(%dma_wait3A_92 : memref<16x640xf32, #tpu.memory_space<vmem_shared>>) dst(%arg12 : memref<16x640xf32, #tpu.memory_space<vmem>>)
        tpu.yield
      }) : () -> ()
      %parallel_loop3A_72 = arith.constant 0 : i32
      %parallel_loop3A_73 = arith.constant 40 : i32
      %parallel_loop3A_74 = arith.constant 1 : i32
      scf.for %parallel_loop3A_87 = %parallel_loop3A_72 to %parallel_loop3A_73 step %parallel_loop3A_74  : i32 {
        %parallel_loop3A_88 = arith.constant 16 : i32
        %parallel_loop3A_89 = arith.muli %parallel_loop3A_87, %parallel_loop3A_88 : i32
        %parallel_loop3A_90 = arith.constant 0 : i32
        %parallel_loop3A_91 = arith.index_cast %parallel_loop3A_90 : i32 to index
        %parallel_loop3A_92 = arith.index_cast %parallel_loop3A_89 : i32 to index
        %parallel_loop3A_93 = tpu.vector_load %arg12[%parallel_loop3A_91, %parallel_loop3A_92] {strides = array<i32>} : memref<16x640xf32, #tpu.memory_space<vmem>>, vector<16xf32>,
        %parallel_loop3A_94 = arith.constant 16 : i32
        %parallel_loop3A_95 = arith.muli %parallel_loop3A_87, %parallel_loop3A_94 : i32
        %parallel_loop3A_96 = arith.constant 1 : i32
        %parallel_loop3A_97 = arith.index_cast %parallel_loop3A_96 : i32 to index
        %parallel_loop3A_98 = arith.index_cast %parallel_loop3A_95 : i32 to index
        %parallel_loop3A_99 = tpu.vector_load %arg12[%parallel_loop3A_97, %parallel_loop3A_98] {strides = array<i32>} : memref<16x640xf32, #tpu.memory_space<vmem>>, vector<16xf32>,
        %parallel_loop3A_100 = arith.addf %parallel_loop3A_93, %parallel_loop3A_99 : vector<16xf32>
        %parallel_loop3A_101 = arith.constant 16 : i32
        %parallel_loop3A_102 = arith.muli %parallel_loop3A_87, %parallel_loop3A_101 : i32
        %parallel_loop3A_103 = arith.constant 2 : i32
        %parallel_loop3A_104 = arith.index_cast %parallel_loop3A_103 : i32 to index
        %parallel_loop3A_105 = arith.index_cast %parallel_loop3A_102 : i32 to index
        %parallel_loop3A_106 = tpu.vector_load %arg12[%parallel_loop3A_104, %parallel_loop3A_105] {strides = array<i32>} : memref<16x640xf32, #tpu.memory_space<vmem>>, vector<16xf32>,
        %parallel_loop3A_107 = arith.addf %parallel_loop3A_100, %parallel_loop3A_106 : vector<16xf32>
        %parallel_loop3A_108 = arith.constant 16 : i32
        %parallel_loop3A_109 = arith.muli %parallel_loop3A_87, %parallel_loop3A_108 : i32
        %parallel_loop3A_110 = arith.constant 3 : i32
        %parallel_loop3A_111 = arith.index_cast %parallel_loop3A_110 : i32 to index
        %parallel_loop3A_112 = arith.index_cast %parallel_loop3A_109 : i32 to index
        %parallel_loop3A_113 = tpu.vector_load %arg12[%parallel_loop3A_111, %parallel_loop3A_112] {strides = array<i32>} : memref<16x640xf32, #tpu.memory_space<vmem>>, vector<16xf32>,
        %parallel_loop3A_114 = arith.addf %parallel_loop3A_107, %parallel_loop3A_113 : vector<16xf32>
        %parallel_loop3A_115 = arith.constant 16 : i32
        %parallel_loop3A_116 = arith.muli %parallel_loop3A_87, %parallel_loop3A_115 : i32
        %parallel_loop3A_117 = arith.constant 4 : i32
        %parallel_loop3A_118 = arith.index_cast %parallel_loop3A_117 : i32 to index
        %parallel_loop3A_119 = arith.index_cast %parallel_loop3A_116 : i32 to index
        %parallel_loop3A_120 = tpu.vector_load %arg12[%parallel_loop3A_118, %parallel_loop3A_119] {strides = array<i32>} : memref<16x640xf32, #tpu.memory_space<vmem>>, vector<16xf32>,
        %parallel_loop3A_121 = arith.addf %parallel_loop3A_114, %parallel_loop3A_120 : vector<16xf32>
        %parallel_loop3A_122 = arith.constant 16 : i32
        %parallel_loop3A_123 = arith.muli %parallel_loop3A_87, %parallel_loop3A_122 : i32
        %parallel_loop3A_124 = arith.constant 5 : i32
        %parallel_loop3A_125 = arith.index_cast %parallel_loop3A_124 : i32 to index
        %parallel_loop3A_126 = arith.index_cast %parallel_loop3A_123 : i32 to index
        %parallel_loop3A_127 = tpu.vector_load %arg12[%parallel_loop3A_125, %parallel_loop3A_126] {strides = array<i32>} : memref<16x640xf32, #tpu.memory_space<vmem>>, vector<16xf32>,
        %parallel_loop3A_128 = arith.addf %parallel_loop3A_121, %parallel_loop3A_127 : vector<16xf32>
        %parallel_loop3A_129 = arith.constant 16 : i32
        %parallel_loop3A_130 = arith.muli %parallel_loop3A_87, %parallel_loop3A_129 : i32
        %parallel_loop3A_131 = arith.constant 6 : i32
        %parallel_loop3A_132 = arith.index_cast %parallel_loop3A_131 : i32 to index
        %parallel_loop3A_133 = arith.index_cast %parallel_loop3A_130 : i32 to index
        %parallel_loop3A_134 = tpu.vector_load %arg12[%parallel_loop3A_132, %parallel_loop3A_133] {strides = array<i32>} : memref<16x640xf32, #tpu.memory_space<vmem>>, vector<16xf32>,
        %parallel_loop3A_135 = arith.addf %parallel_loop3A_128, %parallel_loop3A_134 : vector<16xf32>
        %parallel_loop3A_136 = arith.constant 16 : i32
        %parallel_loop3A_137 = arith.muli %parallel_loop3A_87, %parallel_loop3A_136 : i32
        %parallel_loop3A_138 = arith.constant 7 : i32
        %parallel_loop3A_139 = arith.index_cast %parallel_loop3A_138 : i32 to index
        %parallel_loop3A_140 = arith.index_cast %parallel_loop3A_137 : i32 to index
        %parallel_loop3A_141 = tpu.vector_load %arg12[%parallel_loop3A_139, %parallel_loop3A_140] {strides = array<i32>} : memref<16x640xf32, #tpu.memory_space<vmem>>, vector<16xf32>,
        %parallel_loop3A_142 = arith.addf %parallel_loop3A_135, %parallel_loop3A_141 : vector<16xf32>
        %parallel_loop3A_143 = arith.constant 16 : i32
        %parallel_loop3A_144 = arith.muli %parallel_loop3A_87, %parallel_loop3A_143 : i32
        %parallel_loop3A_145 = arith.constant 8 : i32
        %parallel_loop3A_146 = arith.index_cast %parallel_loop3A_145 : i32 to index
        %parallel_loop3A_147 = arith.index_cast %parallel_loop3A_144 : i32 to index
        %parallel_loop3A_148 = tpu.vector_load %arg12[%parallel_loop3A_146, %parallel_loop3A_147] {strides = array<i32>} : memref<16x640xf32, #tpu.memory_space<vmem>>, vector<16xf32>,
        %parallel_loop3A_149 = arith.addf %parallel_loop3A_142, %parallel_loop3A_148 : vector<16xf32>
        %parallel_loop3A_150 = arith.constant 16 : i32
        %parallel_loop3A_151 = arith.muli %parallel_loop3A_87, %parallel_loop3A_150 : i32
        %parallel_loop3A_152 = arith.constant 9 : i32
        %parallel_loop3A_153 = arith.index_cast %parallel_loop3A_152 : i32 to index
        %parallel_loop3A_154 = arith.index_cast %parallel_loop3A_151 : i32 to index
        %parallel_loop3A_155 = tpu.vector_load %arg12[%parallel_loop3A_153, %parallel_loop3A_154] {strides = array<i32>} : memref<16x640xf32, #tpu.memory_space<vmem>>, vector<16xf32>,
        %parallel_loop3A_156 = arith.addf %parallel_loop3A_149, %parallel_loop3A_155 : vector<16xf32>
        %parallel_loop3A_157 = arith.constant 16 : i32
        %parallel_loop3A_158 = arith.muli %parallel_loop3A_87, %parallel_loop3A_157 : i32
        %parallel_loop3A_159 = arith.constant 10 : i32
        %parallel_loop3A_160 = arith.index_cast %parallel_loop3A_159 : i32 to index
        %parallel_loop3A_161 = arith.index_cast %parallel_loop3A_158 : i32 to index
        %parallel_loop3A_162 = tpu.vector_load %arg12[%parallel_loop3A_160, %parallel_loop3A_161] {strides = array<i32>} : memref<16x640xf32, #tpu.memory_space<vmem>>, vector<16xf32>,
        %parallel_loop3A_163 = arith.addf %parallel_loop3A_156, %parallel_loop3A_162 : vector<16xf32>
        %parallel_loop3A_164 = arith.constant 16 : i32
        %parallel_loop3A_165 = arith.muli %parallel_loop3A_87, %parallel_loop3A_164 : i32
        %parallel_loop3A_166 = arith.constant 11 : i32
        %parallel_loop3A_167 = arith.index_cast %parallel_loop3A_166 : i32 to index
        %parallel_loop3A_168 = arith.index_cast %parallel_loop3A_165 : i32 to index
        %parallel_loop3A_169 = tpu.vector_load %arg12[%parallel_loop3A_167, %parallel_loop3A_168] {strides = array<i32>} : memref<16x640xf32, #tpu.memory_space<vmem>>, vector<16xf32>,
        %parallel_loop3A_170 = arith.addf %parallel_loop3A_163, %parallel_loop3A_169 : vector<16xf32>
        %parallel_loop3A_171 = arith.constant 16 : i32
        %parallel_loop3A_172 = arith.muli %parallel_loop3A_87, %parallel_loop3A_171 : i32
        %parallel_loop3A_173 = arith.constant 12 : i32
        %parallel_loop3A_174 = arith.index_cast %parallel_loop3A_173 : i32 to index
        %parallel_loop3A_175 = arith.index_cast %parallel_loop3A_172 : i32 to index
        %parallel_loop3A_176 = tpu.vector_load %arg12[%parallel_loop3A_174, %parallel_loop3A_175] {strides = array<i32>} : memref<16x640xf32, #tpu.memory_space<vmem>>, vector<16xf32>,
        %parallel_loop3A_177 = arith.addf %parallel_loop3A_170, %parallel_loop3A_176 : vector<16xf32>
        %parallel_loop3A_178 = arith.constant 16 : i32
        %parallel_loop3A_179 = arith.muli %parallel_loop3A_87, %parallel_loop3A_178 : i32
        %parallel_loop3A_180 = arith.constant 13 : i32
        %parallel_loop3A_181 = arith.index_cast %parallel_loop3A_180 : i32 to index
        %parallel_loop3A_182 = arith.index_cast %parallel_loop3A_179 : i32 to index
        %parallel_loop3A_183 = tpu.vector_load %arg12[%parallel_loop3A_181, %parallel_loop3A_182] {strides = array<i32>} : memref<16x640xf32, #tpu.memory_space<vmem>>, vector<16xf32>,
        %parallel_loop3A_184 = arith.addf %parallel_loop3A_177, %parallel_loop3A_183 : vector<16xf32>
        %parallel_loop3A_185 = arith.constant 16 : i32
        %parallel_loop3A_186 = arith.muli %parallel_loop3A_87, %parallel_loop3A_185 : i32
        %parallel_loop3A_187 = arith.constant 14 : i32
        %parallel_loop3A_188 = arith.index_cast %parallel_loop3A_187 : i32 to index
        %parallel_loop3A_189 = arith.index_cast %parallel_loop3A_186 : i32 to index
        %parallel_loop3A_190 = tpu.vector_load %arg12[%parallel_loop3A_188, %parallel_loop3A_189] {strides = array<i32>} : memref<16x640xf32, #tpu.memory_space<vmem>>, vector<16xf32>,
        %parallel_loop3A_191 = arith.addf %parallel_loop3A_184, %parallel_loop3A_190 : vector<16xf32>
        %parallel_loop3A_192 = arith.constant 16 : i32
        %parallel_loop3A_193 = arith.muli %parallel_loop3A_87, %parallel_loop3A_192 : i32
        %parallel_loop3A_194 = arith.constant 15 : i32
        %parallel_loop3A_195 = arith.index_cast %parallel_loop3A_194 : i32 to index
        %parallel_loop3A_196 = arith.index_cast %parallel_loop3A_193 : i32 to index
        %parallel_loop3A_197 = tpu.vector_load %arg12[%parallel_loop3A_195, %parallel_loop3A_196] {strides = array<i32>} : memref<16x640xf32, #tpu.memory_space<vmem>>, vector<16xf32>,
        %parallel_loop3A_198 = arith.addf %parallel_loop3A_191, %parallel_loop3A_197 : vector<16xf32>
        %parallel_loop3A_199 = arith.constant 16 : i32
        %parallel_loop3A_200 = arith.muli %parallel_loop3A_87, %parallel_loop3A_199 : i32
        %parallel_loop3A_201 = arith.index_cast %parallel_loop3A_200 : i32 to index
        %parallel_loop3A_202 = tpu.vector_load %arg15[%parallel_loop3A_201] {strides = array<i32>} : memref<640xf32, #tpu.memory_space<vmem>>, vector<16xf32>,
        tpu.vector_store %arg15[%parallel_loop3A_201], %parallel_loop3A_198 {strides = array<i32>} : memref<640xf32, #tpu.memory_space<vmem>>, vector<16xf32>,
      } {sc.loop_unroll_factor = 2 : i64, sc.parallel_access}
      %eq3A_75 = vector.broadcast %sub3A_60 : i32 to vector<16xi32>
      %eq3A_76 = arith.cmpi eq, %iota3A, %eq3A_75 : vector<16xi32>
      %jit3A_77 = arith.constant 0.000000e+00 : f32
      %broadcast_in_dim3A_78 = vector.broadcast %jit3A_77 : f32 to vector<16xf32>
      %select_n3A_79 = arith.select %eq3A_76, %get3A_21, %broadcast_in_dim3A_78 : vector<16xi1>, vector<16xf32>
      %reduce_sum3A_80 = arith.constant true
      %reduce_sum3A_81 = vector.broadcast %reduce_sum3A_80 : i1 to vector<16xi1>
      %reduce_sum3A_82 = tpu.scan <sum>, %select_n3A_79 masked %reduce_sum3A_81 : vector<16xf32>, vector<16xi1> -> vector<16xf32>
      %reduce_sum3A_83 = vector.extract %reduce_sum3A_82[15] : f32 from vector<16xf32>
      %parallel_loop3A_84 = arith.constant 0 : i32
      %parallel_loop3A_85 = arith.constant 40 : i32
      %parallel_loop3A_86 = arith.constant 1 : i32
      scf.for %parallel_loop3A_87 = %parallel_loop3A_84 to %parallel_loop3A_85 step %parallel_loop3A_86  : i32 {
        %parallel_loop3A_88 = arith.constant 16 : i32
        %parallel_loop3A_89 = arith.muli %parallel_loop3A_87, %parallel_loop3A_88 : i32
        %parallel_loop3A_90 = arith.index_cast %parallel_loop3A_89 : i32 to index
        %parallel_loop3A_91 = tpu.vector_load %arg14[%parallel_loop3A_90] {strides = array<i32>} : memref<640xf32, #tpu.memory_space<vmem>>, vector<16xf32>,
        %parallel_loop3A_92 = arith.constant 16 : i32
        %parallel_loop3A_93 = arith.muli %parallel_loop3A_87, %parallel_loop3A_92 : i32
        %parallel_loop3A_94 = arith.index_cast %parallel_loop3A_93 : i32 to index
        %parallel_loop3A_95 = tpu.vector_load %arg15[%parallel_loop3A_94] {strides = array<i32>} : memref<640xf32, #tpu.memory_space<vmem>>, vector<16xf32>,
        %parallel_loop3A_96 = arith.mulf %parallel_loop3A_91, %parallel_loop3A_95 : vector<16xf32>
        %parallel_loop3A_97 = arith.constant 16 : i32
        %parallel_loop3A_98 = arith.muli %parallel_loop3A_87, %parallel_loop3A_97 : i32
        %parallel_loop3A_99 = arith.index_cast %parallel_loop3A_98 : i32 to index
        %parallel_loop3A_100 = tpu.vector_load %arg11[%parallel_loop3A_99] {strides = array<i32>} : memref<640xf32, #tpu.memory_space<vmem>>, vector<16xf32>,
        %parallel_loop3A_101 = vector.broadcast %reduce_sum3A_83 : f32 to vector<16xf32>
        %parallel_loop3A_102 = arith.mulf %parallel_loop3A_101, %parallel_loop3A_100 : vector<16xf32>
        %parallel_loop3A_103 = arith.addf %parallel_loop3A_96, %parallel_loop3A_102 : vector<16xf32>
        %parallel_loop3A_104 = arith.constant 16 : i32
        %parallel_loop3A_105 = arith.muli %parallel_loop3A_87, %parallel_loop3A_104 : i32
        %parallel_loop3A_106 = arith.index_cast %parallel_loop3A_105 : i32 to index
        %parallel_loop3A_107 = tpu.vector_load %arg13[%parallel_loop3A_106] {strides = array<i32>} : memref<640xf32, #tpu.memory_space<vmem>>, vector<16xf32>,
        tpu.vector_store %arg13[%parallel_loop3A_106], %parallel_loop3A_103 {strides = array<i32>} : memref<640xf32, #tpu.memory_space<vmem>>, vector<16xf32>,
      } {sc.loop_unroll_factor = 4 : i64, sc.parallel_access}
    }
    %scan3A_48 = arith.constant 10 : i32
    %eq3A_49 = arith.constant 0 : i32
    %eq3A_50 = arith.cmpi eq, %arg0, %eq3A_49 : i32
    %convert_element_type3A_51 = arith.extui %eq3A_50 : i1 to i32
    %cond3A = arith.constant 0 : i32
    %cond3A_52 = arith.cmpi ne, %convert_element_type3A_51, %cond3A : i32
    scf.if %cond3A_52 {
      "tpu.region"() ({
        %run_scoped3A = tpu.sem_alloc : memref<!tpu.dma_semaphore, #tpu.memory_space<semaphore_mem>>
        %dma_start3A = tpu.memref_slice %arg5[%mul3A_0] : memref<10240xf32, #tpu.memory_space<hbm>> -> memref<640xf32, #tpu.memory_space<hbm>>
        %dma_start3A_58 = tpu.memref_slice %arg5[%mul3A_0] : memref<10240xf32, #tpu.memory_space<hbm>> -> memref<640xf32, #tpu.memory_space<hbm>>
        tpu.enqueue_dma source(%arg13 : memref<640xf32, #tpu.memory_space<vmem>>) target(%dma_start3A_58 : memref<640xf32, #tpu.memory_space<hbm>>) target_semaphore(%run_scoped3A : memref<!tpu.dma_semaphore, #tpu.memory_space<semaphore_mem>>)
        %dma_wait3A = tpu.memref_slice %arg5[%mul3A_0] : memref<10240xf32, #tpu.memory_space<hbm>> -> memref<640xf32, #tpu.memory_space<hbm>>
        %dma_wait3A_59 = tpu.memref_slice %arg5[%mul3A_0] : memref<10240xf32, #tpu.memory_space<hbm>> -> memref<640xf32, #tpu.memory_space<hbm>>
        tpu.wait_dma2 semaphore(%run_scoped3A : memref<!tpu.dma_semaphore, #tpu.memory_space<semaphore_mem>>) src(%arg13 : memref<640xf32, #tpu.memory_space<vmem>>) dst(%dma_wait3A_59 : memref<640xf32, #tpu.memory_space<hbm>>)
        tpu.yield
      }) : () -> ()
    } else {
    }
    %eq3A_53 = arith.constant 1 : i32
    %eq3A_54 = arith.cmpi eq, %arg0, %eq3A_53 : i32
    %convert_element_type3A_55 = arith.extui %eq3A_54 : i1 to i32
    %cond3A_56 = arith.constant 0 : i32
    %cond3A_57 = arith.cmpi ne, %convert_element_type3A_55, %cond3A_56 : i32
    scf.if %cond3A_57 {
      "tpu.region"() ({
        %run_scoped3A = tpu.sem_alloc : memref<!tpu.dma_semaphore, #tpu.memory_space<semaphore_mem>>
        %dma_start3A = tpu.memref_slice %arg6[%mul3A_0] : memref<10240xf32, #tpu.memory_space<hbm>> -> memref<640xf32, #tpu.memory_space<hbm>>
        %dma_start3A_58 = tpu.memref_slice %arg6[%mul3A_0] : memref<10240xf32, #tpu.memory_space<hbm>> -> memref<640xf32, #tpu.memory_space<hbm>>
        tpu.enqueue_dma source(%arg13 : memref<640xf32, #tpu.memory_space<vmem>>) target(%dma_start3A_58 : memref<640xf32, #tpu.memory_space<hbm>>) target_semaphore(%run_scoped3A : memref<!tpu.dma_semaphore, #tpu.memory_space<semaphore_mem>>)
        %dma_wait3A = tpu.memref_slice %arg6[%mul3A_0] : memref<10240xf32, #tpu.memory_space<hbm>> -> memref<640xf32, #tpu.memory_space<hbm>>
        %dma_wait3A_59 = tpu.memref_slice %arg6[%mul3A_0] : memref<10240xf32, #tpu.memory_space<hbm>> -> memref<640xf32, #tpu.memory_space<hbm>>
        tpu.wait_dma2 semaphore(%run_scoped3A : memref<!tpu.dma_semaphore, #tpu.memory_space<semaphore_mem>>) src(%arg13 : memref<640xf32, #tpu.memory_space<vmem>>) dst(%dma_wait3A_59 : memref<640xf32, #tpu.memory_space<hbm>>)
        tpu.yield
      }) : () -> ()
    } else {
    }
    return
  }
}

module attributes {stable_mosaic.version = 14 : i64} {
  func.func @body(%arg0: memref<80x128xf32, #tpu.memory_space<vmem>>, %arg1: memref<80x128xf32, #tpu.memory_space<vmem>>, %arg2: memref<1x32xf32, #tpu.memory_space<vmem>>, %arg3: memref<32x64xf32, #tpu.memory_space<vmem>>, %arg4: memref<64x1xf32, #tpu.memory_space<vmem>>, %arg5: memref<1x1xf32, #tpu.memory_space<vmem>>, %arg6: memref<80x128xf32, #tpu.memory_space<vmem>>) attributes {dimension_semantics = [], scalar_prefetch = 0 : i64, scratch_operands = 0 : i64, tpu.core_type = #tpu.core_type<tc>} {
    %get3A = arith.constant 0 : index
    %get3A_0 = arith.constant 0 : index
    %get3A_1 = vector.load %arg2[%get3A, %get3A_0] : memref<1x32xf32, #tpu.memory_space<vmem>>, vector<1x32xf32>
    %max3A = arith.constant 0.000000e+00 : f32
    %max3A_2 = vector.broadcast %max3A : f32 to vector<1x32xf32>
    %max3A_3 = arith.maximumf %get3A_1, %max3A_2 : vector<1x32xf32>
    %get3A_4 = arith.constant 0 : index
    %get3A_5 = arith.constant 0 : index
    %get3A_6 = vector.load %arg2[%get3A_4, %get3A_5] : memref<1x32xf32, #tpu.memory_space<vmem>>, vector<1x32xf32>
    %neg3A = arith.constant 0.000000e+00 : f32
    %neg3A_7 = vector.broadcast %neg3A : f32 to vector<1x32xf32>
    %neg3A_8 = arith.subf %neg3A_7, %get3A_6 : vector<1x32xf32>
    %max3A_9 = arith.constant 0.000000e+00 : f32
    %max3A_10 = vector.broadcast %max3A_9 : f32 to vector<1x32xf32>
    %max3A_11 = arith.maximumf %neg3A_8, %max3A_10 : vector<1x32xf32>
    %get3A_12 = arith.constant 0 : index
    %get3A_13 = arith.constant 0 : index
    %get3A_14 = vector.load %arg3[%get3A_12, %get3A_13] : memref<32x64xf32, #tpu.memory_space<vmem>>, vector<32x64xf32>
    %dot_general3A = arith.constant dense<0.000000e+00> : vector<1x64xf32>
    %dot_general3A_15 = tpu.matmul %max3A_3, %get3A_14, %dot_general3A {dimension_numbers = #tpu.dot_dimension_numbers<[1], [0], [0], [1], [0, 0, 1, 1], [], []>, transpose_lhs_hint = false} : vector<1x32xf32>, vector<32x64xf32>, vector<1x64xf32> -> vector<1x64xf32>
    %get3A_16 = arith.constant 0 : index
    %get3A_17 = arith.constant 0 : index
    %get3A_18 = vector.load %arg3[%get3A_16, %get3A_17] : memref<32x64xf32, #tpu.memory_space<vmem>>, vector<32x64xf32>
    %dot_general3A_19 = arith.constant dense<0.000000e+00> : vector<1x64xf32>
    %dot_general3A_20 = tpu.matmul %max3A_11, %get3A_18, %dot_general3A_19 {dimension_numbers = #tpu.dot_dimension_numbers<[1], [0], [0], [1], [0, 0, 1, 1], [], []>, transpose_lhs_hint = false} : vector<1x32xf32>, vector<32x64xf32>, vector<1x64xf32> -> vector<1x64xf32>
    %get3A_21 = arith.constant 0 : index
    %get3A_22 = arith.constant 0 : index
    %get3A_23 = vector.load %arg0[%get3A_21, %get3A_22] : memref<80x128xf32, #tpu.memory_space<vmem>>, vector<80x128xf32>
    %get3A_24 = arith.constant 0 : index
    %get3A_25 = arith.constant 0 : index
    %get3A_26 = vector.load %arg1[%get3A_24, %get3A_25] : memref<80x128xf32, #tpu.memory_space<vmem>>, vector<80x128xf32>
    %get3A_27 = arith.constant 0 : index
    %get3A_28 = arith.constant 0 : index
    %get3A_29 = vector.load %arg4[%get3A_27, %get3A_28] : memref<64x1xf32, #tpu.memory_space<vmem>>, vector<64x1xf32>
    %broadcast_in_dim3A = arith.constant 0.000000e+00 : f32
    %broadcast_in_dim3A_30 = vector.broadcast %broadcast_in_dim3A : f32 to vector<80x128xf32>
    %slice3A = vector.extract_strided_slice %dot_general3A_15 {offsets = [0, 0], sizes = [1, 1], strides = [1, 1]} : vector<1x64xf32> to vector<1x1xf32>
    %squeeze3A = vector.extract %slice3A[0, 0] : f32 from vector<1x1xf32>
    %mul3A = vector.broadcast %squeeze3A : f32 to vector<80x128xf32>
    %mul3A_31 = arith.mulf %get3A_23, %mul3A : vector<80x128xf32>
    %slice3A_32 = vector.extract_strided_slice %dot_general3A_20 {offsets = [0, 0], sizes = [1, 1], strides = [1, 1]} : vector<1x64xf32> to vector<1x1xf32>
    %squeeze3A_33 = vector.extract %slice3A_32[0, 0] : f32 from vector<1x1xf32>
    %mul3A_34 = vector.broadcast %squeeze3A_33 : f32 to vector<80x128xf32>
    %mul3A_35 = arith.mulf %get3A_26, %mul3A_34 : vector<80x128xf32>
    %add3A = arith.addf %mul3A_31, %mul3A_35 : vector<80x128xf32>
    %max3A_36 = arith.constant 0.000000e+00 : f32
    %max3A_37 = vector.broadcast %max3A_36 : f32 to vector<80x128xf32>
    %max3A_38 = arith.maximumf %add3A, %max3A_37 : vector<80x128xf32>
    %slice3A_39 = vector.extract_strided_slice %get3A_29 {offsets = [0, 0], sizes = [1, 1], strides = [1, 1]} : vector<64x1xf32> to vector<1x1xf32>
    %squeeze3A_40 = vector.extract %slice3A_39[0, 0] : f32 from vector<1x1xf32>
    %mul3A_41 = vector.broadcast %squeeze3A_40 : f32 to vector<80x128xf32>
    %mul3A_42 = arith.mulf %max3A_38, %mul3A_41 : vector<80x128xf32>
    %add3A_43 = arith.addf %broadcast_in_dim3A_30, %mul3A_42 : vector<80x128xf32>
    %slice3A_44 = vector.extract_strided_slice %dot_general3A_15 {offsets = [0, 1], sizes = [1, 1], strides = [1, 1]} : vector<1x64xf32> to vector<1x1xf32>
    %squeeze3A_45 = vector.extract %slice3A_44[0, 0] : f32 from vector<1x1xf32>
    %mul3A_46 = vector.broadcast %squeeze3A_45 : f32 to vector<80x128xf32>
    %mul3A_47 = arith.mulf %get3A_23, %mul3A_46 : vector<80x128xf32>
    %slice3A_48 = vector.extract_strided_slice %dot_general3A_20 {offsets = [0, 1], sizes = [1, 1], strides = [1, 1]} : vector<1x64xf32> to vector<1x1xf32>
    %squeeze3A_49 = vector.extract %slice3A_48[0, 0] : f32 from vector<1x1xf32>
    %mul3A_50 = vector.broadcast %squeeze3A_49 : f32 to vector<80x128xf32>
    %mul3A_51 = arith.mulf %get3A_26, %mul3A_50 : vector<80x128xf32>
    %add3A_52 = arith.addf %mul3A_47, %mul3A_51 : vector<80x128xf32>
    %max3A_53 = arith.constant 0.000000e+00 : f32
    %max3A_54 = vector.broadcast %max3A_53 : f32 to vector<80x128xf32>
    %max3A_55 = arith.maximumf %add3A_52, %max3A_54 : vector<80x128xf32>
    %slice3A_56 = vector.extract_strided_slice %get3A_29 {offsets = [1, 0], sizes = [1, 1], strides = [1, 1]} : vector<64x1xf32> to vector<1x1xf32>
    %squeeze3A_57 = vector.extract %slice3A_56[0, 0] : f32 from vector<1x1xf32>
    %mul3A_58 = vector.broadcast %squeeze3A_57 : f32 to vector<80x128xf32>
    %mul3A_59 = arith.mulf %max3A_55, %mul3A_58 : vector<80x128xf32>
    %add3A_60 = arith.addf %add3A_43, %mul3A_59 : vector<80x128xf32>
    %slice3A_61 = vector.extract_strided_slice %dot_general3A_15 {offsets = [0, 2], sizes = [1, 1], strides = [1, 1]} : vector<1x64xf32> to vector<1x1xf32>
    %squeeze3A_62 = vector.extract %slice3A_61[0, 0] : f32 from vector<1x1xf32>
    %mul3A_63 = vector.broadcast %squeeze3A_62 : f32 to vector<80x128xf32>
    %mul3A_64 = arith.mulf %get3A_23, %mul3A_63 : vector<80x128xf32>
    %slice3A_65 = vector.extract_strided_slice %dot_general3A_20 {offsets = [0, 2], sizes = [1, 1], strides = [1, 1]} : vector<1x64xf32> to vector<1x1xf32>
    %squeeze3A_66 = vector.extract %slice3A_65[0, 0] : f32 from vector<1x1xf32>
    %mul3A_67 = vector.broadcast %squeeze3A_66 : f32 to vector<80x128xf32>
    %mul3A_68 = arith.mulf %get3A_26, %mul3A_67 : vector<80x128xf32>
    %add3A_69 = arith.addf %mul3A_64, %mul3A_68 : vector<80x128xf32>
    %max3A_70 = arith.constant 0.000000e+00 : f32
    %max3A_71 = vector.broadcast %max3A_70 : f32 to vector<80x128xf32>
    %max3A_72 = arith.maximumf %add3A_69, %max3A_71 : vector<80x128xf32>
    %slice3A_73 = vector.extract_strided_slice %get3A_29 {offsets = [2, 0], sizes = [1, 1], strides = [1, 1]} : vector<64x1xf32> to vector<1x1xf32>
    %squeeze3A_74 = vector.extract %slice3A_73[0, 0] : f32 from vector<1x1xf32>
    %mul3A_75 = vector.broadcast %squeeze3A_74 : f32 to vector<80x128xf32>
    %mul3A_76 = arith.mulf %max3A_72, %mul3A_75 : vector<80x128xf32>
    %add3A_77 = arith.addf %add3A_60, %mul3A_76 : vector<80x128xf32>
    %slice3A_78 = vector.extract_strided_slice %dot_general3A_15 {offsets = [0, 3], sizes = [1, 1], strides = [1, 1]} : vector<1x64xf32> to vector<1x1xf32>
    %squeeze3A_79 = vector.extract %slice3A_78[0, 0] : f32 from vector<1x1xf32>
    %mul3A_80 = vector.broadcast %squeeze3A_79 : f32 to vector<80x128xf32>
    %mul3A_81 = arith.mulf %get3A_23, %mul3A_80 : vector<80x128xf32>
    %slice3A_82 = vector.extract_strided_slice %dot_general3A_20 {offsets = [0, 3], sizes = [1, 1], strides = [1, 1]} : vector<1x64xf32> to vector<1x1xf32>
    %squeeze3A_83 = vector.extract %slice3A_82[0, 0] : f32 from vector<1x1xf32>
    %mul3A_84 = vector.broadcast %squeeze3A_83 : f32 to vector<80x128xf32>
    %mul3A_85 = arith.mulf %get3A_26, %mul3A_84 : vector<80x128xf32>
    %add3A_86 = arith.addf %mul3A_81, %mul3A_85 : vector<80x128xf32>
    %max3A_87 = arith.constant 0.000000e+00 : f32
    %max3A_88 = vector.broadcast %max3A_87 : f32 to vector<80x128xf32>
    %max3A_89 = arith.maximumf %add3A_86, %max3A_88 : vector<80x128xf32>
    %slice3A_90 = vector.extract_strided_slice %get3A_29 {offsets = [3, 0], sizes = [1, 1], strides = [1, 1]} : vector<64x1xf32> to vector<1x1xf32>
    %squeeze3A_91 = vector.extract %slice3A_90[0, 0] : f32 from vector<1x1xf32>
    %mul3A_92 = vector.broadcast %squeeze3A_91 : f32 to vector<80x128xf32>
    %mul3A_93 = arith.mulf %max3A_89, %mul3A_92 : vector<80x128xf32>
    %add3A_94 = arith.addf %add3A_77, %mul3A_93 : vector<80x128xf32>
    %slice3A_95 = vector.extract_strided_slice %dot_general3A_15 {offsets = [0, 4], sizes = [1, 1], strides = [1, 1]} : vector<1x64xf32> to vector<1x1xf32>
    %squeeze3A_96 = vector.extract %slice3A_95[0, 0] : f32 from vector<1x1xf32>
    %mul3A_97 = vector.broadcast %squeeze3A_96 : f32 to vector<80x128xf32>
    %mul3A_98 = arith.mulf %get3A_23, %mul3A_97 : vector<80x128xf32>
    %slice3A_99 = vector.extract_strided_slice %dot_general3A_20 {offsets = [0, 4], sizes = [1, 1], strides = [1, 1]} : vector<1x64xf32> to vector<1x1xf32>
    %squeeze3A_100 = vector.extract %slice3A_99[0, 0] : f32 from vector<1x1xf32>
    %mul3A_101 = vector.broadcast %squeeze3A_100 : f32 to vector<80x128xf32>
    %mul3A_102 = arith.mulf %get3A_26, %mul3A_101 : vector<80x128xf32>
    %add3A_103 = arith.addf %mul3A_98, %mul3A_102 : vector<80x128xf32>
    %max3A_104 = arith.constant 0.000000e+00 : f32
    %max3A_105 = vector.broadcast %max3A_104 : f32 to vector<80x128xf32>
    %max3A_106 = arith.maximumf %add3A_103, %max3A_105 : vector<80x128xf32>
    %slice3A_107 = vector.extract_strided_slice %get3A_29 {offsets = [4, 0], sizes = [1, 1], strides = [1, 1]} : vector<64x1xf32> to vector<1x1xf32>
    %squeeze3A_108 = vector.extract %slice3A_107[0, 0] : f32 from vector<1x1xf32>
    %mul3A_109 = vector.broadcast %squeeze3A_108 : f32 to vector<80x128xf32>
    %mul3A_110 = arith.mulf %max3A_106, %mul3A_109 : vector<80x128xf32>
    %add3A_111 = arith.addf %add3A_94, %mul3A_110 : vector<80x128xf32>
    %slice3A_112 = vector.extract_strided_slice %dot_general3A_15 {offsets = [0, 5], sizes = [1, 1], strides = [1, 1]} : vector<1x64xf32> to vector<1x1xf32>
    %squeeze3A_113 = vector.extract %slice3A_112[0, 0] : f32 from vector<1x1xf32>
    %mul3A_114 = vector.broadcast %squeeze3A_113 : f32 to vector<80x128xf32>
    %mul3A_115 = arith.mulf %get3A_23, %mul3A_114 : vector<80x128xf32>
    %slice3A_116 = vector.extract_strided_slice %dot_general3A_20 {offsets = [0, 5], sizes = [1, 1], strides = [1, 1]} : vector<1x64xf32> to vector<1x1xf32>
    %squeeze3A_117 = vector.extract %slice3A_116[0, 0] : f32 from vector<1x1xf32>
    %mul3A_118 = vector.broadcast %squeeze3A_117 : f32 to vector<80x128xf32>
    %mul3A_119 = arith.mulf %get3A_26, %mul3A_118 : vector<80x128xf32>
    %add3A_120 = arith.addf %mul3A_115, %mul3A_119 : vector<80x128xf32>
    %max3A_121 = arith.constant 0.000000e+00 : f32
    %max3A_122 = vector.broadcast %max3A_121 : f32 to vector<80x128xf32>
    %max3A_123 = arith.maximumf %add3A_120, %max3A_122 : vector<80x128xf32>
    %slice3A_124 = vector.extract_strided_slice %get3A_29 {offsets = [5, 0], sizes = [1, 1], strides = [1, 1]} : vector<64x1xf32> to vector<1x1xf32>
    %squeeze3A_125 = vector.extract %slice3A_124[0, 0] : f32 from vector<1x1xf32>
    %mul3A_126 = vector.broadcast %squeeze3A_125 : f32 to vector<80x128xf32>
    %mul3A_127 = arith.mulf %max3A_123, %mul3A_126 : vector<80x128xf32>
    %add3A_128 = arith.addf %add3A_111, %mul3A_127 : vector<80x128xf32>
    %slice3A_129 = vector.extract_strided_slice %dot_general3A_15 {offsets = [0, 6], sizes = [1, 1], strides = [1, 1]} : vector<1x64xf32> to vector<1x1xf32>
    %squeeze3A_130 = vector.extract %slice3A_129[0, 0] : f32 from vector<1x1xf32>
    %mul3A_131 = vector.broadcast %squeeze3A_130 : f32 to vector<80x128xf32>
    %mul3A_132 = arith.mulf %get3A_23, %mul3A_131 : vector<80x128xf32>
    %slice3A_133 = vector.extract_strided_slice %dot_general3A_20 {offsets = [0, 6], sizes = [1, 1], strides = [1, 1]} : vector<1x64xf32> to vector<1x1xf32>
    %squeeze3A_134 = vector.extract %slice3A_133[0, 0] : f32 from vector<1x1xf32>
    %mul3A_135 = vector.broadcast %squeeze3A_134 : f32 to vector<80x128xf32>
    %mul3A_136 = arith.mulf %get3A_26, %mul3A_135 : vector<80x128xf32>
    %add3A_137 = arith.addf %mul3A_132, %mul3A_136 : vector<80x128xf32>
    %max3A_138 = arith.constant 0.000000e+00 : f32
    %max3A_139 = vector.broadcast %max3A_138 : f32 to vector<80x128xf32>
    %max3A_140 = arith.maximumf %add3A_137, %max3A_139 : vector<80x128xf32>
    %slice3A_141 = vector.extract_strided_slice %get3A_29 {offsets = [6, 0], sizes = [1, 1], strides = [1, 1]} : vector<64x1xf32> to vector<1x1xf32>
    %squeeze3A_142 = vector.extract %slice3A_141[0, 0] : f32 from vector<1x1xf32>
    %mul3A_143 = vector.broadcast %squeeze3A_142 : f32 to vector<80x128xf32>
    %mul3A_144 = arith.mulf %max3A_140, %mul3A_143 : vector<80x128xf32>
    %add3A_145 = arith.addf %add3A_128, %mul3A_144 : vector<80x128xf32>
    %slice3A_146 = vector.extract_strided_slice %dot_general3A_15 {offsets = [0, 7], sizes = [1, 1], strides = [1, 1]} : vector<1x64xf32> to vector<1x1xf32>
    %squeeze3A_147 = vector.extract %slice3A_146[0, 0] : f32 from vector<1x1xf32>
    %mul3A_148 = vector.broadcast %squeeze3A_147 : f32 to vector<80x128xf32>
    %mul3A_149 = arith.mulf %get3A_23, %mul3A_148 : vector<80x128xf32>
    %slice3A_150 = vector.extract_strided_slice %dot_general3A_20 {offsets = [0, 7], sizes = [1, 1], strides = [1, 1]} : vector<1x64xf32> to vector<1x1xf32>
    %squeeze3A_151 = vector.extract %slice3A_150[0, 0] : f32 from vector<1x1xf32>
    %mul3A_152 = vector.broadcast %squeeze3A_151 : f32 to vector<80x128xf32>
    %mul3A_153 = arith.mulf %get3A_26, %mul3A_152 : vector<80x128xf32>
    %add3A_154 = arith.addf %mul3A_149, %mul3A_153 : vector<80x128xf32>
    %max3A_155 = arith.constant 0.000000e+00 : f32
    %max3A_156 = vector.broadcast %max3A_155 : f32 to vector<80x128xf32>
    %max3A_157 = arith.maximumf %add3A_154, %max3A_156 : vector<80x128xf32>
    %slice3A_158 = vector.extract_strided_slice %get3A_29 {offsets = [7, 0], sizes = [1, 1], strides = [1, 1]} : vector<64x1xf32> to vector<1x1xf32>
    %squeeze3A_159 = vector.extract %slice3A_158[0, 0] : f32 from vector<1x1xf32>
    %mul3A_160 = vector.broadcast %squeeze3A_159 : f32 to vector<80x128xf32>
    %mul3A_161 = arith.mulf %max3A_157, %mul3A_160 : vector<80x128xf32>
    %add3A_162 = arith.addf %add3A_145, %mul3A_161 : vector<80x128xf32>
    %slice3A_163 = vector.extract_strided_slice %dot_general3A_15 {offsets = [0, 8], sizes = [1, 1], strides = [1, 1]} : vector<1x64xf32> to vector<1x1xf32>
    %squeeze3A_164 = vector.extract %slice3A_163[0, 0] : f32 from vector<1x1xf32>
    %mul3A_165 = vector.broadcast %squeeze3A_164 : f32 to vector<80x128xf32>
    %mul3A_166 = arith.mulf %get3A_23, %mul3A_165 : vector<80x128xf32>
    %slice3A_167 = vector.extract_strided_slice %dot_general3A_20 {offsets = [0, 8], sizes = [1, 1], strides = [1, 1]} : vector<1x64xf32> to vector<1x1xf32>
    %squeeze3A_168 = vector.extract %slice3A_167[0, 0] : f32 from vector<1x1xf32>
    %mul3A_169 = vector.broadcast %squeeze3A_168 : f32 to vector<80x128xf32>
    %mul3A_170 = arith.mulf %get3A_26, %mul3A_169 : vector<80x128xf32>
    %add3A_171 = arith.addf %mul3A_166, %mul3A_170 : vector<80x128xf32>
    %max3A_172 = arith.constant 0.000000e+00 : f32
    %max3A_173 = vector.broadcast %max3A_172 : f32 to vector<80x128xf32>
    %max3A_174 = arith.maximumf %add3A_171, %max3A_173 : vector<80x128xf32>
    %slice3A_175 = vector.extract_strided_slice %get3A_29 {offsets = [8, 0], sizes = [1, 1], strides = [1, 1]} : vector<64x1xf32> to vector<1x1xf32>
    %squeeze3A_176 = vector.extract %slice3A_175[0, 0] : f32 from vector<1x1xf32>
    %mul3A_177 = vector.broadcast %squeeze3A_176 : f32 to vector<80x128xf32>
    %mul3A_178 = arith.mulf %max3A_174, %mul3A_177 : vector<80x128xf32>
    %add3A_179 = arith.addf %add3A_162, %mul3A_178 : vector<80x128xf32>
    %slice3A_180 = vector.extract_strided_slice %dot_general3A_15 {offsets = [0, 9], sizes = [1, 1], strides = [1, 1]} : vector<1x64xf32> to vector<1x1xf32>
    %squeeze3A_181 = vector.extract %slice3A_180[0, 0] : f32 from vector<1x1xf32>
    %mul3A_182 = vector.broadcast %squeeze3A_181 : f32 to vector<80x128xf32>
    %mul3A_183 = arith.mulf %get3A_23, %mul3A_182 : vector<80x128xf32>
    %slice3A_184 = vector.extract_strided_slice %dot_general3A_20 {offsets = [0, 9], sizes = [1, 1], strides = [1, 1]} : vector<1x64xf32> to vector<1x1xf32>
    %squeeze3A_185 = vector.extract %slice3A_184[0, 0] : f32 from vector<1x1xf32>
    %mul3A_186 = vector.broadcast %squeeze3A_185 : f32 to vector<80x128xf32>
    %mul3A_187 = arith.mulf %get3A_26, %mul3A_186 : vector<80x128xf32>
    %add3A_188 = arith.addf %mul3A_183, %mul3A_187 : vector<80x128xf32>
    %max3A_189 = arith.constant 0.000000e+00 : f32
    %max3A_190 = vector.broadcast %max3A_189 : f32 to vector<80x128xf32>
    %max3A_191 = arith.maximumf %add3A_188, %max3A_190 : vector<80x128xf32>
    %slice3A_192 = vector.extract_strided_slice %get3A_29 {offsets = [9, 0], sizes = [1, 1], strides = [1, 1]} : vector<64x1xf32> to vector<1x1xf32>
    %squeeze3A_193 = vector.extract %slice3A_192[0, 0] : f32 from vector<1x1xf32>
    %mul3A_194 = vector.broadcast %squeeze3A_193 : f32 to vector<80x128xf32>
    %mul3A_195 = arith.mulf %max3A_191, %mul3A_194 : vector<80x128xf32>
    %add3A_196 = arith.addf %add3A_179, %mul3A_195 : vector<80x128xf32>
    %slice3A_197 = vector.extract_strided_slice %dot_general3A_15 {offsets = [0, 10], sizes = [1, 1], strides = [1, 1]} : vector<1x64xf32> to vector<1x1xf32>
    %squeeze3A_198 = vector.extract %slice3A_197[0, 0] : f32 from vector<1x1xf32>
    %mul3A_199 = vector.broadcast %squeeze3A_198 : f32 to vector<80x128xf32>
    %mul3A_200 = arith.mulf %get3A_23, %mul3A_199 : vector<80x128xf32>
    %slice3A_201 = vector.extract_strided_slice %dot_general3A_20 {offsets = [0, 10], sizes = [1, 1], strides = [1, 1]} : vector<1x64xf32> to vector<1x1xf32>
    %squeeze3A_202 = vector.extract %slice3A_201[0, 0] : f32 from vector<1x1xf32>
    %mul3A_203 = vector.broadcast %squeeze3A_202 : f32 to vector<80x128xf32>
    %mul3A_204 = arith.mulf %get3A_26, %mul3A_203 : vector<80x128xf32>
    %add3A_205 = arith.addf %mul3A_200, %mul3A_204 : vector<80x128xf32>
    %max3A_206 = arith.constant 0.000000e+00 : f32
    %max3A_207 = vector.broadcast %max3A_206 : f32 to vector<80x128xf32>
    %max3A_208 = arith.maximumf %add3A_205, %max3A_207 : vector<80x128xf32>
    %slice3A_209 = vector.extract_strided_slice %get3A_29 {offsets = [10, 0], sizes = [1, 1], strides = [1, 1]} : vector<64x1xf32> to vector<1x1xf32>
    %squeeze3A_210 = vector.extract %slice3A_209[0, 0] : f32 from vector<1x1xf32>
    %mul3A_211 = vector.broadcast %squeeze3A_210 : f32 to vector<80x128xf32>
    %mul3A_212 = arith.mulf %max3A_208, %mul3A_211 : vector<80x128xf32>
    %add3A_213 = arith.addf %add3A_196, %mul3A_212 : vector<80x128xf32>
    %slice3A_214 = vector.extract_strided_slice %dot_general3A_15 {offsets = [0, 11], sizes = [1, 1], strides = [1, 1]} : vector<1x64xf32> to vector<1x1xf32>
    %squeeze3A_215 = vector.extract %slice3A_214[0, 0] : f32 from vector<1x1xf32>
    %mul3A_216 = vector.broadcast %squeeze3A_215 : f32 to vector<80x128xf32>
    %mul3A_217 = arith.mulf %get3A_23, %mul3A_216 : vector<80x128xf32>
    %slice3A_218 = vector.extract_strided_slice %dot_general3A_20 {offsets = [0, 11], sizes = [1, 1], strides = [1, 1]} : vector<1x64xf32> to vector<1x1xf32>
    %squeeze3A_219 = vector.extract %slice3A_218[0, 0] : f32 from vector<1x1xf32>
    %mul3A_220 = vector.broadcast %squeeze3A_219 : f32 to vector<80x128xf32>
    %mul3A_221 = arith.mulf %get3A_26, %mul3A_220 : vector<80x128xf32>
    %add3A_222 = arith.addf %mul3A_217, %mul3A_221 : vector<80x128xf32>
    %max3A_223 = arith.constant 0.000000e+00 : f32
    %max3A_224 = vector.broadcast %max3A_223 : f32 to vector<80x128xf32>
    %max3A_225 = arith.maximumf %add3A_222, %max3A_224 : vector<80x128xf32>
    %slice3A_226 = vector.extract_strided_slice %get3A_29 {offsets = [11, 0], sizes = [1, 1], strides = [1, 1]} : vector<64x1xf32> to vector<1x1xf32>
    %squeeze3A_227 = vector.extract %slice3A_226[0, 0] : f32 from vector<1x1xf32>
    %mul3A_228 = vector.broadcast %squeeze3A_227 : f32 to vector<80x128xf32>
    %mul3A_229 = arith.mulf %max3A_225, %mul3A_228 : vector<80x128xf32>
    %add3A_230 = arith.addf %add3A_213, %mul3A_229 : vector<80x128xf32>
    %slice3A_231 = vector.extract_strided_slice %dot_general3A_15 {offsets = [0, 12], sizes = [1, 1], strides = [1, 1]} : vector<1x64xf32> to vector<1x1xf32>
    %squeeze3A_232 = vector.extract %slice3A_231[0, 0] : f32 from vector<1x1xf32>
    %mul3A_233 = vector.broadcast %squeeze3A_232 : f32 to vector<80x128xf32>
    %mul3A_234 = arith.mulf %get3A_23, %mul3A_233 : vector<80x128xf32>
    %slice3A_235 = vector.extract_strided_slice %dot_general3A_20 {offsets = [0, 12], sizes = [1, 1], strides = [1, 1]} : vector<1x64xf32> to vector<1x1xf32>
    %squeeze3A_236 = vector.extract %slice3A_235[0, 0] : f32 from vector<1x1xf32>
    %mul3A_237 = vector.broadcast %squeeze3A_236 : f32 to vector<80x128xf32>
    %mul3A_238 = arith.mulf %get3A_26, %mul3A_237 : vector<80x128xf32>
    %add3A_239 = arith.addf %mul3A_234, %mul3A_238 : vector<80x128xf32>
    %max3A_240 = arith.constant 0.000000e+00 : f32
    %max3A_241 = vector.broadcast %max3A_240 : f32 to vector<80x128xf32>
    %max3A_242 = arith.maximumf %add3A_239, %max3A_241 : vector<80x128xf32>
    %slice3A_243 = vector.extract_strided_slice %get3A_29 {offsets = [12, 0], sizes = [1, 1], strides = [1, 1]} : vector<64x1xf32> to vector<1x1xf32>
    %squeeze3A_244 = vector.extract %slice3A_243[0, 0] : f32 from vector<1x1xf32>
    %mul3A_245 = vector.broadcast %squeeze3A_244 : f32 to vector<80x128xf32>
    %mul3A_246 = arith.mulf %max3A_242, %mul3A_245 : vector<80x128xf32>
    %add3A_247 = arith.addf %add3A_230, %mul3A_246 : vector<80x128xf32>
    %slice3A_248 = vector.extract_strided_slice %dot_general3A_15 {offsets = [0, 13], sizes = [1, 1], strides = [1, 1]} : vector<1x64xf32> to vector<1x1xf32>
    %squeeze3A_249 = vector.extract %slice3A_248[0, 0] : f32 from vector<1x1xf32>
    %mul3A_250 = vector.broadcast %squeeze3A_249 : f32 to vector<80x128xf32>
    %mul3A_251 = arith.mulf %get3A_23, %mul3A_250 : vector<80x128xf32>
    %slice3A_252 = vector.extract_strided_slice %dot_general3A_20 {offsets = [0, 13], sizes = [1, 1], strides = [1, 1]} : vector<1x64xf32> to vector<1x1xf32>
    %squeeze3A_253 = vector.extract %slice3A_252[0, 0] : f32 from vector<1x1xf32>
    %mul3A_254 = vector.broadcast %squeeze3A_253 : f32 to vector<80x128xf32>
    %mul3A_255 = arith.mulf %get3A_26, %mul3A_254 : vector<80x128xf32>
    %add3A_256 = arith.addf %mul3A_251, %mul3A_255 : vector<80x128xf32>
    %max3A_257 = arith.constant 0.000000e+00 : f32
    %max3A_258 = vector.broadcast %max3A_257 : f32 to vector<80x128xf32>
    %max3A_259 = arith.maximumf %add3A_256, %max3A_258 : vector<80x128xf32>
    %slice3A_260 = vector.extract_strided_slice %get3A_29 {offsets = [13, 0], sizes = [1, 1], strides = [1, 1]} : vector<64x1xf32> to vector<1x1xf32>
    %squeeze3A_261 = vector.extract %slice3A_260[0, 0] : f32 from vector<1x1xf32>
    %mul3A_262 = vector.broadcast %squeeze3A_261 : f32 to vector<80x128xf32>
    %mul3A_263 = arith.mulf %max3A_259, %mul3A_262 : vector<80x128xf32>
    %add3A_264 = arith.addf %add3A_247, %mul3A_263 : vector<80x128xf32>
    %slice3A_265 = vector.extract_strided_slice %dot_general3A_15 {offsets = [0, 14], sizes = [1, 1], strides = [1, 1]} : vector<1x64xf32> to vector<1x1xf32>
    %squeeze3A_266 = vector.extract %slice3A_265[0, 0] : f32 from vector<1x1xf32>
    %mul3A_267 = vector.broadcast %squeeze3A_266 : f32 to vector<80x128xf32>
    %mul3A_268 = arith.mulf %get3A_23, %mul3A_267 : vector<80x128xf32>
    %slice3A_269 = vector.extract_strided_slice %dot_general3A_20 {offsets = [0, 14], sizes = [1, 1], strides = [1, 1]} : vector<1x64xf32> to vector<1x1xf32>
    %squeeze3A_270 = vector.extract %slice3A_269[0, 0] : f32 from vector<1x1xf32>
    %mul3A_271 = vector.broadcast %squeeze3A_270 : f32 to vector<80x128xf32>
    %mul3A_272 = arith.mulf %get3A_26, %mul3A_271 : vector<80x128xf32>
    %add3A_273 = arith.addf %mul3A_268, %mul3A_272 : vector<80x128xf32>
    %max3A_274 = arith.constant 0.000000e+00 : f32
    %max3A_275 = vector.broadcast %max3A_274 : f32 to vector<80x128xf32>
    %max3A_276 = arith.maximumf %add3A_273, %max3A_275 : vector<80x128xf32>
    %slice3A_277 = vector.extract_strided_slice %get3A_29 {offsets = [14, 0], sizes = [1, 1], strides = [1, 1]} : vector<64x1xf32> to vector<1x1xf32>
    %squeeze3A_278 = vector.extract %slice3A_277[0, 0] : f32 from vector<1x1xf32>
    %mul3A_279 = vector.broadcast %squeeze3A_278 : f32 to vector<80x128xf32>
    %mul3A_280 = arith.mulf %max3A_276, %mul3A_279 : vector<80x128xf32>
    %add3A_281 = arith.addf %add3A_264, %mul3A_280 : vector<80x128xf32>
    %slice3A_282 = vector.extract_strided_slice %dot_general3A_15 {offsets = [0, 15], sizes = [1, 1], strides = [1, 1]} : vector<1x64xf32> to vector<1x1xf32>
    %squeeze3A_283 = vector.extract %slice3A_282[0, 0] : f32 from vector<1x1xf32>
    %mul3A_284 = vector.broadcast %squeeze3A_283 : f32 to vector<80x128xf32>
    %mul3A_285 = arith.mulf %get3A_23, %mul3A_284 : vector<80x128xf32>
    %slice3A_286 = vector.extract_strided_slice %dot_general3A_20 {offsets = [0, 15], sizes = [1, 1], strides = [1, 1]} : vector<1x64xf32> to vector<1x1xf32>
    %squeeze3A_287 = vector.extract %slice3A_286[0, 0] : f32 from vector<1x1xf32>
    %mul3A_288 = vector.broadcast %squeeze3A_287 : f32 to vector<80x128xf32>
    %mul3A_289 = arith.mulf %get3A_26, %mul3A_288 : vector<80x128xf32>
    %add3A_290 = arith.addf %mul3A_285, %mul3A_289 : vector<80x128xf32>
    %max3A_291 = arith.constant 0.000000e+00 : f32
    %max3A_292 = vector.broadcast %max3A_291 : f32 to vector<80x128xf32>
    %max3A_293 = arith.maximumf %add3A_290, %max3A_292 : vector<80x128xf32>
    %slice3A_294 = vector.extract_strided_slice %get3A_29 {offsets = [15, 0], sizes = [1, 1], strides = [1, 1]} : vector<64x1xf32> to vector<1x1xf32>
    %squeeze3A_295 = vector.extract %slice3A_294[0, 0] : f32 from vector<1x1xf32>
    %mul3A_296 = vector.broadcast %squeeze3A_295 : f32 to vector<80x128xf32>
    %mul3A_297 = arith.mulf %max3A_293, %mul3A_296 : vector<80x128xf32>
    %add3A_298 = arith.addf %add3A_281, %mul3A_297 : vector<80x128xf32>
    %slice3A_299 = vector.extract_strided_slice %dot_general3A_15 {offsets = [0, 16], sizes = [1, 1], strides = [1, 1]} : vector<1x64xf32> to vector<1x1xf32>
    %squeeze3A_300 = vector.extract %slice3A_299[0, 0] : f32 from vector<1x1xf32>
    %mul3A_301 = vector.broadcast %squeeze3A_300 : f32 to vector<80x128xf32>
    %mul3A_302 = arith.mulf %get3A_23, %mul3A_301 : vector<80x128xf32>
    %slice3A_303 = vector.extract_strided_slice %dot_general3A_20 {offsets = [0, 16], sizes = [1, 1], strides = [1, 1]} : vector<1x64xf32> to vector<1x1xf32>
    %squeeze3A_304 = vector.extract %slice3A_303[0, 0] : f32 from vector<1x1xf32>
    %mul3A_305 = vector.broadcast %squeeze3A_304 : f32 to vector<80x128xf32>
    %mul3A_306 = arith.mulf %get3A_26, %mul3A_305 : vector<80x128xf32>
    %add3A_307 = arith.addf %mul3A_302, %mul3A_306 : vector<80x128xf32>
    %max3A_308 = arith.constant 0.000000e+00 : f32
    %max3A_309 = vector.broadcast %max3A_308 : f32 to vector<80x128xf32>
    %max3A_310 = arith.maximumf %add3A_307, %max3A_309 : vector<80x128xf32>
    %slice3A_311 = vector.extract_strided_slice %get3A_29 {offsets = [16, 0], sizes = [1, 1], strides = [1, 1]} : vector<64x1xf32> to vector<1x1xf32>
    %squeeze3A_312 = vector.extract %slice3A_311[0, 0] : f32 from vector<1x1xf32>
    %mul3A_313 = vector.broadcast %squeeze3A_312 : f32 to vector<80x128xf32>
    %mul3A_314 = arith.mulf %max3A_310, %mul3A_313 : vector<80x128xf32>
    %add3A_315 = arith.addf %add3A_298, %mul3A_314 : vector<80x128xf32>
    %slice3A_316 = vector.extract_strided_slice %dot_general3A_15 {offsets = [0, 17], sizes = [1, 1], strides = [1, 1]} : vector<1x64xf32> to vector<1x1xf32>
    %squeeze3A_317 = vector.extract %slice3A_316[0, 0] : f32 from vector<1x1xf32>
    %mul3A_318 = vector.broadcast %squeeze3A_317 : f32 to vector<80x128xf32>
    %mul3A_319 = arith.mulf %get3A_23, %mul3A_318 : vector<80x128xf32>
    %slice3A_320 = vector.extract_strided_slice %dot_general3A_20 {offsets = [0, 17], sizes = [1, 1], strides = [1, 1]} : vector<1x64xf32> to vector<1x1xf32>
    %squeeze3A_321 = vector.extract %slice3A_320[0, 0] : f32 from vector<1x1xf32>
    %mul3A_322 = vector.broadcast %squeeze3A_321 : f32 to vector<80x128xf32>
    %mul3A_323 = arith.mulf %get3A_26, %mul3A_322 : vector<80x128xf32>
    %add3A_324 = arith.addf %mul3A_319, %mul3A_323 : vector<80x128xf32>
    %max3A_325 = arith.constant 0.000000e+00 : f32
    %max3A_326 = vector.broadcast %max3A_325 : f32 to vector<80x128xf32>
    %max3A_327 = arith.maximumf %add3A_324, %max3A_326 : vector<80x128xf32>
    %slice3A_328 = vector.extract_strided_slice %get3A_29 {offsets = [17, 0], sizes = [1, 1], strides = [1, 1]} : vector<64x1xf32> to vector<1x1xf32>
    %squeeze3A_329 = vector.extract %slice3A_328[0, 0] : f32 from vector<1x1xf32>
    %mul3A_330 = vector.broadcast %squeeze3A_329 : f32 to vector<80x128xf32>
    %mul3A_331 = arith.mulf %max3A_327, %mul3A_330 : vector<80x128xf32>
    %add3A_332 = arith.addf %add3A_315, %mul3A_331 : vector<80x128xf32>
    %slice3A_333 = vector.extract_strided_slice %dot_general3A_15 {offsets = [0, 18], sizes = [1, 1], strides = [1, 1]} : vector<1x64xf32> to vector<1x1xf32>
    %squeeze3A_334 = vector.extract %slice3A_333[0, 0] : f32 from vector<1x1xf32>
    %mul3A_335 = vector.broadcast %squeeze3A_334 : f32 to vector<80x128xf32>
    %mul3A_336 = arith.mulf %get3A_23, %mul3A_335 : vector<80x128xf32>
    %slice3A_337 = vector.extract_strided_slice %dot_general3A_20 {offsets = [0, 18], sizes = [1, 1], strides = [1, 1]} : vector<1x64xf32> to vector<1x1xf32>
    %squeeze3A_338 = vector.extract %slice3A_337[0, 0] : f32 from vector<1x1xf32>
    %mul3A_339 = vector.broadcast %squeeze3A_338 : f32 to vector<80x128xf32>
    %mul3A_340 = arith.mulf %get3A_26, %mul3A_339 : vector<80x128xf32>
    %add3A_341 = arith.addf %mul3A_336, %mul3A_340 : vector<80x128xf32>
    %max3A_342 = arith.constant 0.000000e+00 : f32
    %max3A_343 = vector.broadcast %max3A_342 : f32 to vector<80x128xf32>
    %max3A_344 = arith.maximumf %add3A_341, %max3A_343 : vector<80x128xf32>
    %slice3A_345 = vector.extract_strided_slice %get3A_29 {offsets = [18, 0], sizes = [1, 1], strides = [1, 1]} : vector<64x1xf32> to vector<1x1xf32>
    %squeeze3A_346 = vector.extract %slice3A_345[0, 0] : f32 from vector<1x1xf32>
    %mul3A_347 = vector.broadcast %squeeze3A_346 : f32 to vector<80x128xf32>
    %mul3A_348 = arith.mulf %max3A_344, %mul3A_347 : vector<80x128xf32>
    %add3A_349 = arith.addf %add3A_332, %mul3A_348 : vector<80x128xf32>
    %slice3A_350 = vector.extract_strided_slice %dot_general3A_15 {offsets = [0, 19], sizes = [1, 1], strides = [1, 1]} : vector<1x64xf32> to vector<1x1xf32>
    %squeeze3A_351 = vector.extract %slice3A_350[0, 0] : f32 from vector<1x1xf32>
    %mul3A_352 = vector.broadcast %squeeze3A_351 : f32 to vector<80x128xf32>
    %mul3A_353 = arith.mulf %get3A_23, %mul3A_352 : vector<80x128xf32>
    %slice3A_354 = vector.extract_strided_slice %dot_general3A_20 {offsets = [0, 19], sizes = [1, 1], strides = [1, 1]} : vector<1x64xf32> to vector<1x1xf32>
    %squeeze3A_355 = vector.extract %slice3A_354[0, 0] : f32 from vector<1x1xf32>
    %mul3A_356 = vector.broadcast %squeeze3A_355 : f32 to vector<80x128xf32>
    %mul3A_357 = arith.mulf %get3A_26, %mul3A_356 : vector<80x128xf32>
    %add3A_358 = arith.addf %mul3A_353, %mul3A_357 : vector<80x128xf32>
    %max3A_359 = arith.constant 0.000000e+00 : f32
    %max3A_360 = vector.broadcast %max3A_359 : f32 to vector<80x128xf32>
    %max3A_361 = arith.maximumf %add3A_358, %max3A_360 : vector<80x128xf32>
    %slice3A_362 = vector.extract_strided_slice %get3A_29 {offsets = [19, 0], sizes = [1, 1], strides = [1, 1]} : vector<64x1xf32> to vector<1x1xf32>
    %squeeze3A_363 = vector.extract %slice3A_362[0, 0] : f32 from vector<1x1xf32>
    %mul3A_364 = vector.broadcast %squeeze3A_363 : f32 to vector<80x128xf32>
    %mul3A_365 = arith.mulf %max3A_361, %mul3A_364 : vector<80x128xf32>
    %add3A_366 = arith.addf %add3A_349, %mul3A_365 : vector<80x128xf32>
    %slice3A_367 = vector.extract_strided_slice %dot_general3A_15 {offsets = [0, 20], sizes = [1, 1], strides = [1, 1]} : vector<1x64xf32> to vector<1x1xf32>
    %squeeze3A_368 = vector.extract %slice3A_367[0, 0] : f32 from vector<1x1xf32>
    %mul3A_369 = vector.broadcast %squeeze3A_368 : f32 to vector<80x128xf32>
    %mul3A_370 = arith.mulf %get3A_23, %mul3A_369 : vector<80x128xf32>
    %slice3A_371 = vector.extract_strided_slice %dot_general3A_20 {offsets = [0, 20], sizes = [1, 1], strides = [1, 1]} : vector<1x64xf32> to vector<1x1xf32>
    %squeeze3A_372 = vector.extract %slice3A_371[0, 0] : f32 from vector<1x1xf32>
    %mul3A_373 = vector.broadcast %squeeze3A_372 : f32 to vector<80x128xf32>
    %mul3A_374 = arith.mulf %get3A_26, %mul3A_373 : vector<80x128xf32>
    %add3A_375 = arith.addf %mul3A_370, %mul3A_374 : vector<80x128xf32>
    %max3A_376 = arith.constant 0.000000e+00 : f32
    %max3A_377 = vector.broadcast %max3A_376 : f32 to vector<80x128xf32>
    %max3A_378 = arith.maximumf %add3A_375, %max3A_377 : vector<80x128xf32>
    %slice3A_379 = vector.extract_strided_slice %get3A_29 {offsets = [20, 0], sizes = [1, 1], strides = [1, 1]} : vector<64x1xf32> to vector<1x1xf32>
    %squeeze3A_380 = vector.extract %slice3A_379[0, 0] : f32 from vector<1x1xf32>
    %mul3A_381 = vector.broadcast %squeeze3A_380 : f32 to vector<80x128xf32>
    %mul3A_382 = arith.mulf %max3A_378, %mul3A_381 : vector<80x128xf32>
    %add3A_383 = arith.addf %add3A_366, %mul3A_382 : vector<80x128xf32>
    %slice3A_384 = vector.extract_strided_slice %dot_general3A_15 {offsets = [0, 21], sizes = [1, 1], strides = [1, 1]} : vector<1x64xf32> to vector<1x1xf32>
    %squeeze3A_385 = vector.extract %slice3A_384[0, 0] : f32 from vector<1x1xf32>
    %mul3A_386 = vector.broadcast %squeeze3A_385 : f32 to vector<80x128xf32>
    %mul3A_387 = arith.mulf %get3A_23, %mul3A_386 : vector<80x128xf32>
    %slice3A_388 = vector.extract_strided_slice %dot_general3A_20 {offsets = [0, 21], sizes = [1, 1], strides = [1, 1]} : vector<1x64xf32> to vector<1x1xf32>
    %squeeze3A_389 = vector.extract %slice3A_388[0, 0] : f32 from vector<1x1xf32>
    %mul3A_390 = vector.broadcast %squeeze3A_389 : f32 to vector<80x128xf32>
    %mul3A_391 = arith.mulf %get3A_26, %mul3A_390 : vector<80x128xf32>
    %add3A_392 = arith.addf %mul3A_387, %mul3A_391 : vector<80x128xf32>
    %max3A_393 = arith.constant 0.000000e+00 : f32
    %max3A_394 = vector.broadcast %max3A_393 : f32 to vector<80x128xf32>
    %max3A_395 = arith.maximumf %add3A_392, %max3A_394 : vector<80x128xf32>
    %slice3A_396 = vector.extract_strided_slice %get3A_29 {offsets = [21, 0], sizes = [1, 1], strides = [1, 1]} : vector<64x1xf32> to vector<1x1xf32>
    %squeeze3A_397 = vector.extract %slice3A_396[0, 0] : f32 from vector<1x1xf32>
    %mul3A_398 = vector.broadcast %squeeze3A_397 : f32 to vector<80x128xf32>
    %mul3A_399 = arith.mulf %max3A_395, %mul3A_398 : vector<80x128xf32>
    %add3A_400 = arith.addf %add3A_383, %mul3A_399 : vector<80x128xf32>
    %slice3A_401 = vector.extract_strided_slice %dot_general3A_15 {offsets = [0, 22], sizes = [1, 1], strides = [1, 1]} : vector<1x64xf32> to vector<1x1xf32>
    %squeeze3A_402 = vector.extract %slice3A_401[0, 0] : f32 from vector<1x1xf32>
    %mul3A_403 = vector.broadcast %squeeze3A_402 : f32 to vector<80x128xf32>
    %mul3A_404 = arith.mulf %get3A_23, %mul3A_403 : vector<80x128xf32>
    %slice3A_405 = vector.extract_strided_slice %dot_general3A_20 {offsets = [0, 22], sizes = [1, 1], strides = [1, 1]} : vector<1x64xf32> to vector<1x1xf32>
    %squeeze3A_406 = vector.extract %slice3A_405[0, 0] : f32 from vector<1x1xf32>
    %mul3A_407 = vector.broadcast %squeeze3A_406 : f32 to vector<80x128xf32>
    %mul3A_408 = arith.mulf %get3A_26, %mul3A_407 : vector<80x128xf32>
    %add3A_409 = arith.addf %mul3A_404, %mul3A_408 : vector<80x128xf32>
    %max3A_410 = arith.constant 0.000000e+00 : f32
    %max3A_411 = vector.broadcast %max3A_410 : f32 to vector<80x128xf32>
    %max3A_412 = arith.maximumf %add3A_409, %max3A_411 : vector<80x128xf32>
    %slice3A_413 = vector.extract_strided_slice %get3A_29 {offsets = [22, 0], sizes = [1, 1], strides = [1, 1]} : vector<64x1xf32> to vector<1x1xf32>
    %squeeze3A_414 = vector.extract %slice3A_413[0, 0] : f32 from vector<1x1xf32>
    %mul3A_415 = vector.broadcast %squeeze3A_414 : f32 to vector<80x128xf32>
    %mul3A_416 = arith.mulf %max3A_412, %mul3A_415 : vector<80x128xf32>
    %add3A_417 = arith.addf %add3A_400, %mul3A_416 : vector<80x128xf32>
    %slice3A_418 = vector.extract_strided_slice %dot_general3A_15 {offsets = [0, 23], sizes = [1, 1], strides = [1, 1]} : vector<1x64xf32> to vector<1x1xf32>
    %squeeze3A_419 = vector.extract %slice3A_418[0, 0] : f32 from vector<1x1xf32>
    %mul3A_420 = vector.broadcast %squeeze3A_419 : f32 to vector<80x128xf32>
    %mul3A_421 = arith.mulf %get3A_23, %mul3A_420 : vector<80x128xf32>
    %slice3A_422 = vector.extract_strided_slice %dot_general3A_20 {offsets = [0, 23], sizes = [1, 1], strides = [1, 1]} : vector<1x64xf32> to vector<1x1xf32>
    %squeeze3A_423 = vector.extract %slice3A_422[0, 0] : f32 from vector<1x1xf32>
    %mul3A_424 = vector.broadcast %squeeze3A_423 : f32 to vector<80x128xf32>
    %mul3A_425 = arith.mulf %get3A_26, %mul3A_424 : vector<80x128xf32>
    %add3A_426 = arith.addf %mul3A_421, %mul3A_425 : vector<80x128xf32>
    %max3A_427 = arith.constant 0.000000e+00 : f32
    %max3A_428 = vector.broadcast %max3A_427 : f32 to vector<80x128xf32>
    %max3A_429 = arith.maximumf %add3A_426, %max3A_428 : vector<80x128xf32>
    %slice3A_430 = vector.extract_strided_slice %get3A_29 {offsets = [23, 0], sizes = [1, 1], strides = [1, 1]} : vector<64x1xf32> to vector<1x1xf32>
    %squeeze3A_431 = vector.extract %slice3A_430[0, 0] : f32 from vector<1x1xf32>
    %mul3A_432 = vector.broadcast %squeeze3A_431 : f32 to vector<80x128xf32>
    %mul3A_433 = arith.mulf %max3A_429, %mul3A_432 : vector<80x128xf32>
    %add3A_434 = arith.addf %add3A_417, %mul3A_433 : vector<80x128xf32>
    %slice3A_435 = vector.extract_strided_slice %dot_general3A_15 {offsets = [0, 24], sizes = [1, 1], strides = [1, 1]} : vector<1x64xf32> to vector<1x1xf32>
    %squeeze3A_436 = vector.extract %slice3A_435[0, 0] : f32 from vector<1x1xf32>
    %mul3A_437 = vector.broadcast %squeeze3A_436 : f32 to vector<80x128xf32>
    %mul3A_438 = arith.mulf %get3A_23, %mul3A_437 : vector<80x128xf32>
    %slice3A_439 = vector.extract_strided_slice %dot_general3A_20 {offsets = [0, 24], sizes = [1, 1], strides = [1, 1]} : vector<1x64xf32> to vector<1x1xf32>
    %squeeze3A_440 = vector.extract %slice3A_439[0, 0] : f32 from vector<1x1xf32>
    %mul3A_441 = vector.broadcast %squeeze3A_440 : f32 to vector<80x128xf32>
    %mul3A_442 = arith.mulf %get3A_26, %mul3A_441 : vector<80x128xf32>
    %add3A_443 = arith.addf %mul3A_438, %mul3A_442 : vector<80x128xf32>
    %max3A_444 = arith.constant 0.000000e+00 : f32
    %max3A_445 = vector.broadcast %max3A_444 : f32 to vector<80x128xf32>
    %max3A_446 = arith.maximumf %add3A_443, %max3A_445 : vector<80x128xf32>
    %slice3A_447 = vector.extract_strided_slice %get3A_29 {offsets = [24, 0], sizes = [1, 1], strides = [1, 1]} : vector<64x1xf32> to vector<1x1xf32>
    %squeeze3A_448 = vector.extract %slice3A_447[0, 0] : f32 from vector<1x1xf32>
    %mul3A_449 = vector.broadcast %squeeze3A_448 : f32 to vector<80x128xf32>
    %mul3A_450 = arith.mulf %max3A_446, %mul3A_449 : vector<80x128xf32>
    %add3A_451 = arith.addf %add3A_434, %mul3A_450 : vector<80x128xf32>
    %slice3A_452 = vector.extract_strided_slice %dot_general3A_15 {offsets = [0, 25], sizes = [1, 1], strides = [1, 1]} : vector<1x64xf32> to vector<1x1xf32>
    %squeeze3A_453 = vector.extract %slice3A_452[0, 0] : f32 from vector<1x1xf32>
    %mul3A_454 = vector.broadcast %squeeze3A_453 : f32 to vector<80x128xf32>
    %mul3A_455 = arith.mulf %get3A_23, %mul3A_454 : vector<80x128xf32>
    %slice3A_456 = vector.extract_strided_slice %dot_general3A_20 {offsets = [0, 25], sizes = [1, 1], strides = [1, 1]} : vector<1x64xf32> to vector<1x1xf32>
    %squeeze3A_457 = vector.extract %slice3A_456[0, 0] : f32 from vector<1x1xf32>
    %mul3A_458 = vector.broadcast %squeeze3A_457 : f32 to vector<80x128xf32>
    %mul3A_459 = arith.mulf %get3A_26, %mul3A_458 : vector<80x128xf32>
    %add3A_460 = arith.addf %mul3A_455, %mul3A_459 : vector<80x128xf32>
    %max3A_461 = arith.constant 0.000000e+00 : f32
    %max3A_462 = vector.broadcast %max3A_461 : f32 to vector<80x128xf32>
    %max3A_463 = arith.maximumf %add3A_460, %max3A_462 : vector<80x128xf32>
    %slice3A_464 = vector.extract_strided_slice %get3A_29 {offsets = [25, 0], sizes = [1, 1], strides = [1, 1]} : vector<64x1xf32> to vector<1x1xf32>
    %squeeze3A_465 = vector.extract %slice3A_464[0, 0] : f32 from vector<1x1xf32>
    %mul3A_466 = vector.broadcast %squeeze3A_465 : f32 to vector<80x128xf32>
    %mul3A_467 = arith.mulf %max3A_463, %mul3A_466 : vector<80x128xf32>
    %add3A_468 = arith.addf %add3A_451, %mul3A_467 : vector<80x128xf32>
    %slice3A_469 = vector.extract_strided_slice %dot_general3A_15 {offsets = [0, 26], sizes = [1, 1], strides = [1, 1]} : vector<1x64xf32> to vector<1x1xf32>
    %squeeze3A_470 = vector.extract %slice3A_469[0, 0] : f32 from vector<1x1xf32>
    %mul3A_471 = vector.broadcast %squeeze3A_470 : f32 to vector<80x128xf32>
    %mul3A_472 = arith.mulf %get3A_23, %mul3A_471 : vector<80x128xf32>
    %slice3A_473 = vector.extract_strided_slice %dot_general3A_20 {offsets = [0, 26], sizes = [1, 1], strides = [1, 1]} : vector<1x64xf32> to vector<1x1xf32>
    %squeeze3A_474 = vector.extract %slice3A_473[0, 0] : f32 from vector<1x1xf32>
    %mul3A_475 = vector.broadcast %squeeze3A_474 : f32 to vector<80x128xf32>
    %mul3A_476 = arith.mulf %get3A_26, %mul3A_475 : vector<80x128xf32>
    %add3A_477 = arith.addf %mul3A_472, %mul3A_476 : vector<80x128xf32>
    %max3A_478 = arith.constant 0.000000e+00 : f32
    %max3A_479 = vector.broadcast %max3A_478 : f32 to vector<80x128xf32>
    %max3A_480 = arith.maximumf %add3A_477, %max3A_479 : vector<80x128xf32>
    %slice3A_481 = vector.extract_strided_slice %get3A_29 {offsets = [26, 0], sizes = [1, 1], strides = [1, 1]} : vector<64x1xf32> to vector<1x1xf32>
    %squeeze3A_482 = vector.extract %slice3A_481[0, 0] : f32 from vector<1x1xf32>
    %mul3A_483 = vector.broadcast %squeeze3A_482 : f32 to vector<80x128xf32>
    %mul3A_484 = arith.mulf %max3A_480, %mul3A_483 : vector<80x128xf32>
    %add3A_485 = arith.addf %add3A_468, %mul3A_484 : vector<80x128xf32>
    %slice3A_486 = vector.extract_strided_slice %dot_general3A_15 {offsets = [0, 27], sizes = [1, 1], strides = [1, 1]} : vector<1x64xf32> to vector<1x1xf32>
    %squeeze3A_487 = vector.extract %slice3A_486[0, 0] : f32 from vector<1x1xf32>
    %mul3A_488 = vector.broadcast %squeeze3A_487 : f32 to vector<80x128xf32>
    %mul3A_489 = arith.mulf %get3A_23, %mul3A_488 : vector<80x128xf32>
    %slice3A_490 = vector.extract_strided_slice %dot_general3A_20 {offsets = [0, 27], sizes = [1, 1], strides = [1, 1]} : vector<1x64xf32> to vector<1x1xf32>
    %squeeze3A_491 = vector.extract %slice3A_490[0, 0] : f32 from vector<1x1xf32>
    %mul3A_492 = vector.broadcast %squeeze3A_491 : f32 to vector<80x128xf32>
    %mul3A_493 = arith.mulf %get3A_26, %mul3A_492 : vector<80x128xf32>
    %add3A_494 = arith.addf %mul3A_489, %mul3A_493 : vector<80x128xf32>
    %max3A_495 = arith.constant 0.000000e+00 : f32
    %max3A_496 = vector.broadcast %max3A_495 : f32 to vector<80x128xf32>
    %max3A_497 = arith.maximumf %add3A_494, %max3A_496 : vector<80x128xf32>
    %slice3A_498 = vector.extract_strided_slice %get3A_29 {offsets = [27, 0], sizes = [1, 1], strides = [1, 1]} : vector<64x1xf32> to vector<1x1xf32>
    %squeeze3A_499 = vector.extract %slice3A_498[0, 0] : f32 from vector<1x1xf32>
    %mul3A_500 = vector.broadcast %squeeze3A_499 : f32 to vector<80x128xf32>
    %mul3A_501 = arith.mulf %max3A_497, %mul3A_500 : vector<80x128xf32>
    %add3A_502 = arith.addf %add3A_485, %mul3A_501 : vector<80x128xf32>
    %slice3A_503 = vector.extract_strided_slice %dot_general3A_15 {offsets = [0, 28], sizes = [1, 1], strides = [1, 1]} : vector<1x64xf32> to vector<1x1xf32>
    %squeeze3A_504 = vector.extract %slice3A_503[0, 0] : f32 from vector<1x1xf32>
    %mul3A_505 = vector.broadcast %squeeze3A_504 : f32 to vector<80x128xf32>
    %mul3A_506 = arith.mulf %get3A_23, %mul3A_505 : vector<80x128xf32>
    %slice3A_507 = vector.extract_strided_slice %dot_general3A_20 {offsets = [0, 28], sizes = [1, 1], strides = [1, 1]} : vector<1x64xf32> to vector<1x1xf32>
    %squeeze3A_508 = vector.extract %slice3A_507[0, 0] : f32 from vector<1x1xf32>
    %mul3A_509 = vector.broadcast %squeeze3A_508 : f32 to vector<80x128xf32>
    %mul3A_510 = arith.mulf %get3A_26, %mul3A_509 : vector<80x128xf32>
    %add3A_511 = arith.addf %mul3A_506, %mul3A_510 : vector<80x128xf32>
    %max3A_512 = arith.constant 0.000000e+00 : f32
    %max3A_513 = vector.broadcast %max3A_512 : f32 to vector<80x128xf32>
    %max3A_514 = arith.maximumf %add3A_511, %max3A_513 : vector<80x128xf32>
    %slice3A_515 = vector.extract_strided_slice %get3A_29 {offsets = [28, 0], sizes = [1, 1], strides = [1, 1]} : vector<64x1xf32> to vector<1x1xf32>
    %squeeze3A_516 = vector.extract %slice3A_515[0, 0] : f32 from vector<1x1xf32>
    %mul3A_517 = vector.broadcast %squeeze3A_516 : f32 to vector<80x128xf32>
    %mul3A_518 = arith.mulf %max3A_514, %mul3A_517 : vector<80x128xf32>
    %add3A_519 = arith.addf %add3A_502, %mul3A_518 : vector<80x128xf32>
    %slice3A_520 = vector.extract_strided_slice %dot_general3A_15 {offsets = [0, 29], sizes = [1, 1], strides = [1, 1]} : vector<1x64xf32> to vector<1x1xf32>
    %squeeze3A_521 = vector.extract %slice3A_520[0, 0] : f32 from vector<1x1xf32>
    %mul3A_522 = vector.broadcast %squeeze3A_521 : f32 to vector<80x128xf32>
    %mul3A_523 = arith.mulf %get3A_23, %mul3A_522 : vector<80x128xf32>
    %slice3A_524 = vector.extract_strided_slice %dot_general3A_20 {offsets = [0, 29], sizes = [1, 1], strides = [1, 1]} : vector<1x64xf32> to vector<1x1xf32>
    %squeeze3A_525 = vector.extract %slice3A_524[0, 0] : f32 from vector<1x1xf32>
    %mul3A_526 = vector.broadcast %squeeze3A_525 : f32 to vector<80x128xf32>
    %mul3A_527 = arith.mulf %get3A_26, %mul3A_526 : vector<80x128xf32>
    %add3A_528 = arith.addf %mul3A_523, %mul3A_527 : vector<80x128xf32>
    %max3A_529 = arith.constant 0.000000e+00 : f32
    %max3A_530 = vector.broadcast %max3A_529 : f32 to vector<80x128xf32>
    %max3A_531 = arith.maximumf %add3A_528, %max3A_530 : vector<80x128xf32>
    %slice3A_532 = vector.extract_strided_slice %get3A_29 {offsets = [29, 0], sizes = [1, 1], strides = [1, 1]} : vector<64x1xf32> to vector<1x1xf32>
    %squeeze3A_533 = vector.extract %slice3A_532[0, 0] : f32 from vector<1x1xf32>
    %mul3A_534 = vector.broadcast %squeeze3A_533 : f32 to vector<80x128xf32>
    %mul3A_535 = arith.mulf %max3A_531, %mul3A_534 : vector<80x128xf32>
    %add3A_536 = arith.addf %add3A_519, %mul3A_535 : vector<80x128xf32>
    %slice3A_537 = vector.extract_strided_slice %dot_general3A_15 {offsets = [0, 30], sizes = [1, 1], strides = [1, 1]} : vector<1x64xf32> to vector<1x1xf32>
    %squeeze3A_538 = vector.extract %slice3A_537[0, 0] : f32 from vector<1x1xf32>
    %mul3A_539 = vector.broadcast %squeeze3A_538 : f32 to vector<80x128xf32>
    %mul3A_540 = arith.mulf %get3A_23, %mul3A_539 : vector<80x128xf32>
    %slice3A_541 = vector.extract_strided_slice %dot_general3A_20 {offsets = [0, 30], sizes = [1, 1], strides = [1, 1]} : vector<1x64xf32> to vector<1x1xf32>
    %squeeze3A_542 = vector.extract %slice3A_541[0, 0] : f32 from vector<1x1xf32>
    %mul3A_543 = vector.broadcast %squeeze3A_542 : f32 to vector<80x128xf32>
    %mul3A_544 = arith.mulf %get3A_26, %mul3A_543 : vector<80x128xf32>
    %add3A_545 = arith.addf %mul3A_540, %mul3A_544 : vector<80x128xf32>
    %max3A_546 = arith.constant 0.000000e+00 : f32
    %max3A_547 = vector.broadcast %max3A_546 : f32 to vector<80x128xf32>
    %max3A_548 = arith.maximumf %add3A_545, %max3A_547 : vector<80x128xf32>
    %slice3A_549 = vector.extract_strided_slice %get3A_29 {offsets = [30, 0], sizes = [1, 1], strides = [1, 1]} : vector<64x1xf32> to vector<1x1xf32>
    %squeeze3A_550 = vector.extract %slice3A_549[0, 0] : f32 from vector<1x1xf32>
    %mul3A_551 = vector.broadcast %squeeze3A_550 : f32 to vector<80x128xf32>
    %mul3A_552 = arith.mulf %max3A_548, %mul3A_551 : vector<80x128xf32>
    %add3A_553 = arith.addf %add3A_536, %mul3A_552 : vector<80x128xf32>
    %slice3A_554 = vector.extract_strided_slice %dot_general3A_15 {offsets = [0, 31], sizes = [1, 1], strides = [1, 1]} : vector<1x64xf32> to vector<1x1xf32>
    %squeeze3A_555 = vector.extract %slice3A_554[0, 0] : f32 from vector<1x1xf32>
    %mul3A_556 = vector.broadcast %squeeze3A_555 : f32 to vector<80x128xf32>
    %mul3A_557 = arith.mulf %get3A_23, %mul3A_556 : vector<80x128xf32>
    %slice3A_558 = vector.extract_strided_slice %dot_general3A_20 {offsets = [0, 31], sizes = [1, 1], strides = [1, 1]} : vector<1x64xf32> to vector<1x1xf32>
    %squeeze3A_559 = vector.extract %slice3A_558[0, 0] : f32 from vector<1x1xf32>
    %mul3A_560 = vector.broadcast %squeeze3A_559 : f32 to vector<80x128xf32>
    %mul3A_561 = arith.mulf %get3A_26, %mul3A_560 : vector<80x128xf32>
    %add3A_562 = arith.addf %mul3A_557, %mul3A_561 : vector<80x128xf32>
    %max3A_563 = arith.constant 0.000000e+00 : f32
    %max3A_564 = vector.broadcast %max3A_563 : f32 to vector<80x128xf32>
    %max3A_565 = arith.maximumf %add3A_562, %max3A_564 : vector<80x128xf32>
    %slice3A_566 = vector.extract_strided_slice %get3A_29 {offsets = [31, 0], sizes = [1, 1], strides = [1, 1]} : vector<64x1xf32> to vector<1x1xf32>
    %squeeze3A_567 = vector.extract %slice3A_566[0, 0] : f32 from vector<1x1xf32>
    %mul3A_568 = vector.broadcast %squeeze3A_567 : f32 to vector<80x128xf32>
    %mul3A_569 = arith.mulf %max3A_565, %mul3A_568 : vector<80x128xf32>
    %add3A_570 = arith.addf %add3A_553, %mul3A_569 : vector<80x128xf32>
    %slice3A_571 = vector.extract_strided_slice %dot_general3A_15 {offsets = [0, 32], sizes = [1, 1], strides = [1, 1]} : vector<1x64xf32> to vector<1x1xf32>
    %squeeze3A_572 = vector.extract %slice3A_571[0, 0] : f32 from vector<1x1xf32>
    %mul3A_573 = vector.broadcast %squeeze3A_572 : f32 to vector<80x128xf32>
    %mul3A_574 = arith.mulf %get3A_23, %mul3A_573 : vector<80x128xf32>
    %slice3A_575 = vector.extract_strided_slice %dot_general3A_20 {offsets = [0, 32], sizes = [1, 1], strides = [1, 1]} : vector<1x64xf32> to vector<1x1xf32>
    %squeeze3A_576 = vector.extract %slice3A_575[0, 0] : f32 from vector<1x1xf32>
    %mul3A_577 = vector.broadcast %squeeze3A_576 : f32 to vector<80x128xf32>
    %mul3A_578 = arith.mulf %get3A_26, %mul3A_577 : vector<80x128xf32>
    %add3A_579 = arith.addf %mul3A_574, %mul3A_578 : vector<80x128xf32>
    %max3A_580 = arith.constant 0.000000e+00 : f32
    %max3A_581 = vector.broadcast %max3A_580 : f32 to vector<80x128xf32>
    %max3A_582 = arith.maximumf %add3A_579, %max3A_581 : vector<80x128xf32>
    %slice3A_583 = vector.extract_strided_slice %get3A_29 {offsets = [32, 0], sizes = [1, 1], strides = [1, 1]} : vector<64x1xf32> to vector<1x1xf32>
    %squeeze3A_584 = vector.extract %slice3A_583[0, 0] : f32 from vector<1x1xf32>
    %mul3A_585 = vector.broadcast %squeeze3A_584 : f32 to vector<80x128xf32>
    %mul3A_586 = arith.mulf %max3A_582, %mul3A_585 : vector<80x128xf32>
    %add3A_587 = arith.addf %add3A_570, %mul3A_586 : vector<80x128xf32>
    %slice3A_588 = vector.extract_strided_slice %dot_general3A_15 {offsets = [0, 33], sizes = [1, 1], strides = [1, 1]} : vector<1x64xf32> to vector<1x1xf32>
    %squeeze3A_589 = vector.extract %slice3A_588[0, 0] : f32 from vector<1x1xf32>
    %mul3A_590 = vector.broadcast %squeeze3A_589 : f32 to vector<80x128xf32>
    %mul3A_591 = arith.mulf %get3A_23, %mul3A_590 : vector<80x128xf32>
    %slice3A_592 = vector.extract_strided_slice %dot_general3A_20 {offsets = [0, 33], sizes = [1, 1], strides = [1, 1]} : vector<1x64xf32> to vector<1x1xf32>
    %squeeze3A_593 = vector.extract %slice3A_592[0, 0] : f32 from vector<1x1xf32>
    %mul3A_594 = vector.broadcast %squeeze3A_593 : f32 to vector<80x128xf32>
    %mul3A_595 = arith.mulf %get3A_26, %mul3A_594 : vector<80x128xf32>
    %add3A_596 = arith.addf %mul3A_591, %mul3A_595 : vector<80x128xf32>
    %max3A_597 = arith.constant 0.000000e+00 : f32
    %max3A_598 = vector.broadcast %max3A_597 : f32 to vector<80x128xf32>
    %max3A_599 = arith.maximumf %add3A_596, %max3A_598 : vector<80x128xf32>
    %slice3A_600 = vector.extract_strided_slice %get3A_29 {offsets = [33, 0], sizes = [1, 1], strides = [1, 1]} : vector<64x1xf32> to vector<1x1xf32>
    %squeeze3A_601 = vector.extract %slice3A_600[0, 0] : f32 from vector<1x1xf32>
    %mul3A_602 = vector.broadcast %squeeze3A_601 : f32 to vector<80x128xf32>
    %mul3A_603 = arith.mulf %max3A_599, %mul3A_602 : vector<80x128xf32>
    %add3A_604 = arith.addf %add3A_587, %mul3A_603 : vector<80x128xf32>
    %slice3A_605 = vector.extract_strided_slice %dot_general3A_15 {offsets = [0, 34], sizes = [1, 1], strides = [1, 1]} : vector<1x64xf32> to vector<1x1xf32>
    %squeeze3A_606 = vector.extract %slice3A_605[0, 0] : f32 from vector<1x1xf32>
    %mul3A_607 = vector.broadcast %squeeze3A_606 : f32 to vector<80x128xf32>
    %mul3A_608 = arith.mulf %get3A_23, %mul3A_607 : vector<80x128xf32>
    %slice3A_609 = vector.extract_strided_slice %dot_general3A_20 {offsets = [0, 34], sizes = [1, 1], strides = [1, 1]} : vector<1x64xf32> to vector<1x1xf32>
    %squeeze3A_610 = vector.extract %slice3A_609[0, 0] : f32 from vector<1x1xf32>
    %mul3A_611 = vector.broadcast %squeeze3A_610 : f32 to vector<80x128xf32>
    %mul3A_612 = arith.mulf %get3A_26, %mul3A_611 : vector<80x128xf32>
    %add3A_613 = arith.addf %mul3A_608, %mul3A_612 : vector<80x128xf32>
    %max3A_614 = arith.constant 0.000000e+00 : f32
    %max3A_615 = vector.broadcast %max3A_614 : f32 to vector<80x128xf32>
    %max3A_616 = arith.maximumf %add3A_613, %max3A_615 : vector<80x128xf32>
    %slice3A_617 = vector.extract_strided_slice %get3A_29 {offsets = [34, 0], sizes = [1, 1], strides = [1, 1]} : vector<64x1xf32> to vector<1x1xf32>
    %squeeze3A_618 = vector.extract %slice3A_617[0, 0] : f32 from vector<1x1xf32>
    %mul3A_619 = vector.broadcast %squeeze3A_618 : f32 to vector<80x128xf32>
    %mul3A_620 = arith.mulf %max3A_616, %mul3A_619 : vector<80x128xf32>
    %add3A_621 = arith.addf %add3A_604, %mul3A_620 : vector<80x128xf32>
    %slice3A_622 = vector.extract_strided_slice %dot_general3A_15 {offsets = [0, 35], sizes = [1, 1], strides = [1, 1]} : vector<1x64xf32> to vector<1x1xf32>
    %squeeze3A_623 = vector.extract %slice3A_622[0, 0] : f32 from vector<1x1xf32>
    %mul3A_624 = vector.broadcast %squeeze3A_623 : f32 to vector<80x128xf32>
    %mul3A_625 = arith.mulf %get3A_23, %mul3A_624 : vector<80x128xf32>
    %slice3A_626 = vector.extract_strided_slice %dot_general3A_20 {offsets = [0, 35], sizes = [1, 1], strides = [1, 1]} : vector<1x64xf32> to vector<1x1xf32>
    %squeeze3A_627 = vector.extract %slice3A_626[0, 0] : f32 from vector<1x1xf32>
    %mul3A_628 = vector.broadcast %squeeze3A_627 : f32 to vector<80x128xf32>
    %mul3A_629 = arith.mulf %get3A_26, %mul3A_628 : vector<80x128xf32>
    %add3A_630 = arith.addf %mul3A_625, %mul3A_629 : vector<80x128xf32>
    %max3A_631 = arith.constant 0.000000e+00 : f32
    %max3A_632 = vector.broadcast %max3A_631 : f32 to vector<80x128xf32>
    %max3A_633 = arith.maximumf %add3A_630, %max3A_632 : vector<80x128xf32>
    %slice3A_634 = vector.extract_strided_slice %get3A_29 {offsets = [35, 0], sizes = [1, 1], strides = [1, 1]} : vector<64x1xf32> to vector<1x1xf32>
    %squeeze3A_635 = vector.extract %slice3A_634[0, 0] : f32 from vector<1x1xf32>
    %mul3A_636 = vector.broadcast %squeeze3A_635 : f32 to vector<80x128xf32>
    %mul3A_637 = arith.mulf %max3A_633, %mul3A_636 : vector<80x128xf32>
    %add3A_638 = arith.addf %add3A_621, %mul3A_637 : vector<80x128xf32>
    %slice3A_639 = vector.extract_strided_slice %dot_general3A_15 {offsets = [0, 36], sizes = [1, 1], strides = [1, 1]} : vector<1x64xf32> to vector<1x1xf32>
    %squeeze3A_640 = vector.extract %slice3A_639[0, 0] : f32 from vector<1x1xf32>
    %mul3A_641 = vector.broadcast %squeeze3A_640 : f32 to vector<80x128xf32>
    %mul3A_642 = arith.mulf %get3A_23, %mul3A_641 : vector<80x128xf32>
    %slice3A_643 = vector.extract_strided_slice %dot_general3A_20 {offsets = [0, 36], sizes = [1, 1], strides = [1, 1]} : vector<1x64xf32> to vector<1x1xf32>
    %squeeze3A_644 = vector.extract %slice3A_643[0, 0] : f32 from vector<1x1xf32>
    %mul3A_645 = vector.broadcast %squeeze3A_644 : f32 to vector<80x128xf32>
    %mul3A_646 = arith.mulf %get3A_26, %mul3A_645 : vector<80x128xf32>
    %add3A_647 = arith.addf %mul3A_642, %mul3A_646 : vector<80x128xf32>
    %max3A_648 = arith.constant 0.000000e+00 : f32
    %max3A_649 = vector.broadcast %max3A_648 : f32 to vector<80x128xf32>
    %max3A_650 = arith.maximumf %add3A_647, %max3A_649 : vector<80x128xf32>
    %slice3A_651 = vector.extract_strided_slice %get3A_29 {offsets = [36, 0], sizes = [1, 1], strides = [1, 1]} : vector<64x1xf32> to vector<1x1xf32>
    %squeeze3A_652 = vector.extract %slice3A_651[0, 0] : f32 from vector<1x1xf32>
    %mul3A_653 = vector.broadcast %squeeze3A_652 : f32 to vector<80x128xf32>
    %mul3A_654 = arith.mulf %max3A_650, %mul3A_653 : vector<80x128xf32>
    %add3A_655 = arith.addf %add3A_638, %mul3A_654 : vector<80x128xf32>
    %slice3A_656 = vector.extract_strided_slice %dot_general3A_15 {offsets = [0, 37], sizes = [1, 1], strides = [1, 1]} : vector<1x64xf32> to vector<1x1xf32>
    %squeeze3A_657 = vector.extract %slice3A_656[0, 0] : f32 from vector<1x1xf32>
    %mul3A_658 = vector.broadcast %squeeze3A_657 : f32 to vector<80x128xf32>
    %mul3A_659 = arith.mulf %get3A_23, %mul3A_658 : vector<80x128xf32>
    %slice3A_660 = vector.extract_strided_slice %dot_general3A_20 {offsets = [0, 37], sizes = [1, 1], strides = [1, 1]} : vector<1x64xf32> to vector<1x1xf32>
    %squeeze3A_661 = vector.extract %slice3A_660[0, 0] : f32 from vector<1x1xf32>
    %mul3A_662 = vector.broadcast %squeeze3A_661 : f32 to vector<80x128xf32>
    %mul3A_663 = arith.mulf %get3A_26, %mul3A_662 : vector<80x128xf32>
    %add3A_664 = arith.addf %mul3A_659, %mul3A_663 : vector<80x128xf32>
    %max3A_665 = arith.constant 0.000000e+00 : f32
    %max3A_666 = vector.broadcast %max3A_665 : f32 to vector<80x128xf32>
    %max3A_667 = arith.maximumf %add3A_664, %max3A_666 : vector<80x128xf32>
    %slice3A_668 = vector.extract_strided_slice %get3A_29 {offsets = [37, 0], sizes = [1, 1], strides = [1, 1]} : vector<64x1xf32> to vector<1x1xf32>
    %squeeze3A_669 = vector.extract %slice3A_668[0, 0] : f32 from vector<1x1xf32>
    %mul3A_670 = vector.broadcast %squeeze3A_669 : f32 to vector<80x128xf32>
    %mul3A_671 = arith.mulf %max3A_667, %mul3A_670 : vector<80x128xf32>
    %add3A_672 = arith.addf %add3A_655, %mul3A_671 : vector<80x128xf32>
    %slice3A_673 = vector.extract_strided_slice %dot_general3A_15 {offsets = [0, 38], sizes = [1, 1], strides = [1, 1]} : vector<1x64xf32> to vector<1x1xf32>
    %squeeze3A_674 = vector.extract %slice3A_673[0, 0] : f32 from vector<1x1xf32>
    %mul3A_675 = vector.broadcast %squeeze3A_674 : f32 to vector<80x128xf32>
    %mul3A_676 = arith.mulf %get3A_23, %mul3A_675 : vector<80x128xf32>
    %slice3A_677 = vector.extract_strided_slice %dot_general3A_20 {offsets = [0, 38], sizes = [1, 1], strides = [1, 1]} : vector<1x64xf32> to vector<1x1xf32>
    %squeeze3A_678 = vector.extract %slice3A_677[0, 0] : f32 from vector<1x1xf32>
    %mul3A_679 = vector.broadcast %squeeze3A_678 : f32 to vector<80x128xf32>
    %mul3A_680 = arith.mulf %get3A_26, %mul3A_679 : vector<80x128xf32>
    %add3A_681 = arith.addf %mul3A_676, %mul3A_680 : vector<80x128xf32>
    %max3A_682 = arith.constant 0.000000e+00 : f32
    %max3A_683 = vector.broadcast %max3A_682 : f32 to vector<80x128xf32>
    %max3A_684 = arith.maximumf %add3A_681, %max3A_683 : vector<80x128xf32>
    %slice3A_685 = vector.extract_strided_slice %get3A_29 {offsets = [38, 0], sizes = [1, 1], strides = [1, 1]} : vector<64x1xf32> to vector<1x1xf32>
    %squeeze3A_686 = vector.extract %slice3A_685[0, 0] : f32 from vector<1x1xf32>
    %mul3A_687 = vector.broadcast %squeeze3A_686 : f32 to vector<80x128xf32>
    %mul3A_688 = arith.mulf %max3A_684, %mul3A_687 : vector<80x128xf32>
    %add3A_689 = arith.addf %add3A_672, %mul3A_688 : vector<80x128xf32>
    %slice3A_690 = vector.extract_strided_slice %dot_general3A_15 {offsets = [0, 39], sizes = [1, 1], strides = [1, 1]} : vector<1x64xf32> to vector<1x1xf32>
    %squeeze3A_691 = vector.extract %slice3A_690[0, 0] : f32 from vector<1x1xf32>
    %mul3A_692 = vector.broadcast %squeeze3A_691 : f32 to vector<80x128xf32>
    %mul3A_693 = arith.mulf %get3A_23, %mul3A_692 : vector<80x128xf32>
    %slice3A_694 = vector.extract_strided_slice %dot_general3A_20 {offsets = [0, 39], sizes = [1, 1], strides = [1, 1]} : vector<1x64xf32> to vector<1x1xf32>
    %squeeze3A_695 = vector.extract %slice3A_694[0, 0] : f32 from vector<1x1xf32>
    %mul3A_696 = vector.broadcast %squeeze3A_695 : f32 to vector<80x128xf32>
    %mul3A_697 = arith.mulf %get3A_26, %mul3A_696 : vector<80x128xf32>
    %add3A_698 = arith.addf %mul3A_693, %mul3A_697 : vector<80x128xf32>
    %max3A_699 = arith.constant 0.000000e+00 : f32
    %max3A_700 = vector.broadcast %max3A_699 : f32 to vector<80x128xf32>
    %max3A_701 = arith.maximumf %add3A_698, %max3A_700 : vector<80x128xf32>
    %slice3A_702 = vector.extract_strided_slice %get3A_29 {offsets = [39, 0], sizes = [1, 1], strides = [1, 1]} : vector<64x1xf32> to vector<1x1xf32>
    %squeeze3A_703 = vector.extract %slice3A_702[0, 0] : f32 from vector<1x1xf32>
    %mul3A_704 = vector.broadcast %squeeze3A_703 : f32 to vector<80x128xf32>
    %mul3A_705 = arith.mulf %max3A_701, %mul3A_704 : vector<80x128xf32>
    %add3A_706 = arith.addf %add3A_689, %mul3A_705 : vector<80x128xf32>
    %slice3A_707 = vector.extract_strided_slice %dot_general3A_15 {offsets = [0, 40], sizes = [1, 1], strides = [1, 1]} : vector<1x64xf32> to vector<1x1xf32>
    %squeeze3A_708 = vector.extract %slice3A_707[0, 0] : f32 from vector<1x1xf32>
    %mul3A_709 = vector.broadcast %squeeze3A_708 : f32 to vector<80x128xf32>
    %mul3A_710 = arith.mulf %get3A_23, %mul3A_709 : vector<80x128xf32>
    %slice3A_711 = vector.extract_strided_slice %dot_general3A_20 {offsets = [0, 40], sizes = [1, 1], strides = [1, 1]} : vector<1x64xf32> to vector<1x1xf32>
    %squeeze3A_712 = vector.extract %slice3A_711[0, 0] : f32 from vector<1x1xf32>
    %mul3A_713 = vector.broadcast %squeeze3A_712 : f32 to vector<80x128xf32>
    %mul3A_714 = arith.mulf %get3A_26, %mul3A_713 : vector<80x128xf32>
    %add3A_715 = arith.addf %mul3A_710, %mul3A_714 : vector<80x128xf32>
    %max3A_716 = arith.constant 0.000000e+00 : f32
    %max3A_717 = vector.broadcast %max3A_716 : f32 to vector<80x128xf32>
    %max3A_718 = arith.maximumf %add3A_715, %max3A_717 : vector<80x128xf32>
    %slice3A_719 = vector.extract_strided_slice %get3A_29 {offsets = [40, 0], sizes = [1, 1], strides = [1, 1]} : vector<64x1xf32> to vector<1x1xf32>
    %squeeze3A_720 = vector.extract %slice3A_719[0, 0] : f32 from vector<1x1xf32>
    %mul3A_721 = vector.broadcast %squeeze3A_720 : f32 to vector<80x128xf32>
    %mul3A_722 = arith.mulf %max3A_718, %mul3A_721 : vector<80x128xf32>
    %add3A_723 = arith.addf %add3A_706, %mul3A_722 : vector<80x128xf32>
    %slice3A_724 = vector.extract_strided_slice %dot_general3A_15 {offsets = [0, 41], sizes = [1, 1], strides = [1, 1]} : vector<1x64xf32> to vector<1x1xf32>
    %squeeze3A_725 = vector.extract %slice3A_724[0, 0] : f32 from vector<1x1xf32>
    %mul3A_726 = vector.broadcast %squeeze3A_725 : f32 to vector<80x128xf32>
    %mul3A_727 = arith.mulf %get3A_23, %mul3A_726 : vector<80x128xf32>
    %slice3A_728 = vector.extract_strided_slice %dot_general3A_20 {offsets = [0, 41], sizes = [1, 1], strides = [1, 1]} : vector<1x64xf32> to vector<1x1xf32>
    %squeeze3A_729 = vector.extract %slice3A_728[0, 0] : f32 from vector<1x1xf32>
    %mul3A_730 = vector.broadcast %squeeze3A_729 : f32 to vector<80x128xf32>
    %mul3A_731 = arith.mulf %get3A_26, %mul3A_730 : vector<80x128xf32>
    %add3A_732 = arith.addf %mul3A_727, %mul3A_731 : vector<80x128xf32>
    %max3A_733 = arith.constant 0.000000e+00 : f32
    %max3A_734 = vector.broadcast %max3A_733 : f32 to vector<80x128xf32>
    %max3A_735 = arith.maximumf %add3A_732, %max3A_734 : vector<80x128xf32>
    %slice3A_736 = vector.extract_strided_slice %get3A_29 {offsets = [41, 0], sizes = [1, 1], strides = [1, 1]} : vector<64x1xf32> to vector<1x1xf32>
    %squeeze3A_737 = vector.extract %slice3A_736[0, 0] : f32 from vector<1x1xf32>
    %mul3A_738 = vector.broadcast %squeeze3A_737 : f32 to vector<80x128xf32>
    %mul3A_739 = arith.mulf %max3A_735, %mul3A_738 : vector<80x128xf32>
    %add3A_740 = arith.addf %add3A_723, %mul3A_739 : vector<80x128xf32>
    %slice3A_741 = vector.extract_strided_slice %dot_general3A_15 {offsets = [0, 42], sizes = [1, 1], strides = [1, 1]} : vector<1x64xf32> to vector<1x1xf32>
    %squeeze3A_742 = vector.extract %slice3A_741[0, 0] : f32 from vector<1x1xf32>
    %mul3A_743 = vector.broadcast %squeeze3A_742 : f32 to vector<80x128xf32>
    %mul3A_744 = arith.mulf %get3A_23, %mul3A_743 : vector<80x128xf32>
    %slice3A_745 = vector.extract_strided_slice %dot_general3A_20 {offsets = [0, 42], sizes = [1, 1], strides = [1, 1]} : vector<1x64xf32> to vector<1x1xf32>
    %squeeze3A_746 = vector.extract %slice3A_745[0, 0] : f32 from vector<1x1xf32>
    %mul3A_747 = vector.broadcast %squeeze3A_746 : f32 to vector<80x128xf32>
    %mul3A_748 = arith.mulf %get3A_26, %mul3A_747 : vector<80x128xf32>
    %add3A_749 = arith.addf %mul3A_744, %mul3A_748 : vector<80x128xf32>
    %max3A_750 = arith.constant 0.000000e+00 : f32
    %max3A_751 = vector.broadcast %max3A_750 : f32 to vector<80x128xf32>
    %max3A_752 = arith.maximumf %add3A_749, %max3A_751 : vector<80x128xf32>
    %slice3A_753 = vector.extract_strided_slice %get3A_29 {offsets = [42, 0], sizes = [1, 1], strides = [1, 1]} : vector<64x1xf32> to vector<1x1xf32>
    %squeeze3A_754 = vector.extract %slice3A_753[0, 0] : f32 from vector<1x1xf32>
    %mul3A_755 = vector.broadcast %squeeze3A_754 : f32 to vector<80x128xf32>
    %mul3A_756 = arith.mulf %max3A_752, %mul3A_755 : vector<80x128xf32>
    %add3A_757 = arith.addf %add3A_740, %mul3A_756 : vector<80x128xf32>
    %slice3A_758 = vector.extract_strided_slice %dot_general3A_15 {offsets = [0, 43], sizes = [1, 1], strides = [1, 1]} : vector<1x64xf32> to vector<1x1xf32>
    %squeeze3A_759 = vector.extract %slice3A_758[0, 0] : f32 from vector<1x1xf32>
    %mul3A_760 = vector.broadcast %squeeze3A_759 : f32 to vector<80x128xf32>
    %mul3A_761 = arith.mulf %get3A_23, %mul3A_760 : vector<80x128xf32>
    %slice3A_762 = vector.extract_strided_slice %dot_general3A_20 {offsets = [0, 43], sizes = [1, 1], strides = [1, 1]} : vector<1x64xf32> to vector<1x1xf32>
    %squeeze3A_763 = vector.extract %slice3A_762[0, 0] : f32 from vector<1x1xf32>
    %mul3A_764 = vector.broadcast %squeeze3A_763 : f32 to vector<80x128xf32>
    %mul3A_765 = arith.mulf %get3A_26, %mul3A_764 : vector<80x128xf32>
    %add3A_766 = arith.addf %mul3A_761, %mul3A_765 : vector<80x128xf32>
    %max3A_767 = arith.constant 0.000000e+00 : f32
    %max3A_768 = vector.broadcast %max3A_767 : f32 to vector<80x128xf32>
    %max3A_769 = arith.maximumf %add3A_766, %max3A_768 : vector<80x128xf32>
    %slice3A_770 = vector.extract_strided_slice %get3A_29 {offsets = [43, 0], sizes = [1, 1], strides = [1, 1]} : vector<64x1xf32> to vector<1x1xf32>
    %squeeze3A_771 = vector.extract %slice3A_770[0, 0] : f32 from vector<1x1xf32>
    %mul3A_772 = vector.broadcast %squeeze3A_771 : f32 to vector<80x128xf32>
    %mul3A_773 = arith.mulf %max3A_769, %mul3A_772 : vector<80x128xf32>
    %add3A_774 = arith.addf %add3A_757, %mul3A_773 : vector<80x128xf32>
    %slice3A_775 = vector.extract_strided_slice %dot_general3A_15 {offsets = [0, 44], sizes = [1, 1], strides = [1, 1]} : vector<1x64xf32> to vector<1x1xf32>
    %squeeze3A_776 = vector.extract %slice3A_775[0, 0] : f32 from vector<1x1xf32>
    %mul3A_777 = vector.broadcast %squeeze3A_776 : f32 to vector<80x128xf32>
    %mul3A_778 = arith.mulf %get3A_23, %mul3A_777 : vector<80x128xf32>
    %slice3A_779 = vector.extract_strided_slice %dot_general3A_20 {offsets = [0, 44], sizes = [1, 1], strides = [1, 1]} : vector<1x64xf32> to vector<1x1xf32>
    %squeeze3A_780 = vector.extract %slice3A_779[0, 0] : f32 from vector<1x1xf32>
    %mul3A_781 = vector.broadcast %squeeze3A_780 : f32 to vector<80x128xf32>
    %mul3A_782 = arith.mulf %get3A_26, %mul3A_781 : vector<80x128xf32>
    %add3A_783 = arith.addf %mul3A_778, %mul3A_782 : vector<80x128xf32>
    %max3A_784 = arith.constant 0.000000e+00 : f32
    %max3A_785 = vector.broadcast %max3A_784 : f32 to vector<80x128xf32>
    %max3A_786 = arith.maximumf %add3A_783, %max3A_785 : vector<80x128xf32>
    %slice3A_787 = vector.extract_strided_slice %get3A_29 {offsets = [44, 0], sizes = [1, 1], strides = [1, 1]} : vector<64x1xf32> to vector<1x1xf32>
    %squeeze3A_788 = vector.extract %slice3A_787[0, 0] : f32 from vector<1x1xf32>
    %mul3A_789 = vector.broadcast %squeeze3A_788 : f32 to vector<80x128xf32>
    %mul3A_790 = arith.mulf %max3A_786, %mul3A_789 : vector<80x128xf32>
    %add3A_791 = arith.addf %add3A_774, %mul3A_790 : vector<80x128xf32>
    %slice3A_792 = vector.extract_strided_slice %dot_general3A_15 {offsets = [0, 45], sizes = [1, 1], strides = [1, 1]} : vector<1x64xf32> to vector<1x1xf32>
    %squeeze3A_793 = vector.extract %slice3A_792[0, 0] : f32 from vector<1x1xf32>
    %mul3A_794 = vector.broadcast %squeeze3A_793 : f32 to vector<80x128xf32>
    %mul3A_795 = arith.mulf %get3A_23, %mul3A_794 : vector<80x128xf32>
    %slice3A_796 = vector.extract_strided_slice %dot_general3A_20 {offsets = [0, 45], sizes = [1, 1], strides = [1, 1]} : vector<1x64xf32> to vector<1x1xf32>
    %squeeze3A_797 = vector.extract %slice3A_796[0, 0] : f32 from vector<1x1xf32>
    %mul3A_798 = vector.broadcast %squeeze3A_797 : f32 to vector<80x128xf32>
    %mul3A_799 = arith.mulf %get3A_26, %mul3A_798 : vector<80x128xf32>
    %add3A_800 = arith.addf %mul3A_795, %mul3A_799 : vector<80x128xf32>
    %max3A_801 = arith.constant 0.000000e+00 : f32
    %max3A_802 = vector.broadcast %max3A_801 : f32 to vector<80x128xf32>
    %max3A_803 = arith.maximumf %add3A_800, %max3A_802 : vector<80x128xf32>
    %slice3A_804 = vector.extract_strided_slice %get3A_29 {offsets = [45, 0], sizes = [1, 1], strides = [1, 1]} : vector<64x1xf32> to vector<1x1xf32>
    %squeeze3A_805 = vector.extract %slice3A_804[0, 0] : f32 from vector<1x1xf32>
    %mul3A_806 = vector.broadcast %squeeze3A_805 : f32 to vector<80x128xf32>
    %mul3A_807 = arith.mulf %max3A_803, %mul3A_806 : vector<80x128xf32>
    %add3A_808 = arith.addf %add3A_791, %mul3A_807 : vector<80x128xf32>
    %slice3A_809 = vector.extract_strided_slice %dot_general3A_15 {offsets = [0, 46], sizes = [1, 1], strides = [1, 1]} : vector<1x64xf32> to vector<1x1xf32>
    %squeeze3A_810 = vector.extract %slice3A_809[0, 0] : f32 from vector<1x1xf32>
    %mul3A_811 = vector.broadcast %squeeze3A_810 : f32 to vector<80x128xf32>
    %mul3A_812 = arith.mulf %get3A_23, %mul3A_811 : vector<80x128xf32>
    %slice3A_813 = vector.extract_strided_slice %dot_general3A_20 {offsets = [0, 46], sizes = [1, 1], strides = [1, 1]} : vector<1x64xf32> to vector<1x1xf32>
    %squeeze3A_814 = vector.extract %slice3A_813[0, 0] : f32 from vector<1x1xf32>
    %mul3A_815 = vector.broadcast %squeeze3A_814 : f32 to vector<80x128xf32>
    %mul3A_816 = arith.mulf %get3A_26, %mul3A_815 : vector<80x128xf32>
    %add3A_817 = arith.addf %mul3A_812, %mul3A_816 : vector<80x128xf32>
    %max3A_818 = arith.constant 0.000000e+00 : f32
    %max3A_819 = vector.broadcast %max3A_818 : f32 to vector<80x128xf32>
    %max3A_820 = arith.maximumf %add3A_817, %max3A_819 : vector<80x128xf32>
    %slice3A_821 = vector.extract_strided_slice %get3A_29 {offsets = [46, 0], sizes = [1, 1], strides = [1, 1]} : vector<64x1xf32> to vector<1x1xf32>
    %squeeze3A_822 = vector.extract %slice3A_821[0, 0] : f32 from vector<1x1xf32>
    %mul3A_823 = vector.broadcast %squeeze3A_822 : f32 to vector<80x128xf32>
    %mul3A_824 = arith.mulf %max3A_820, %mul3A_823 : vector<80x128xf32>
    %add3A_825 = arith.addf %add3A_808, %mul3A_824 : vector<80x128xf32>
    %slice3A_826 = vector.extract_strided_slice %dot_general3A_15 {offsets = [0, 47], sizes = [1, 1], strides = [1, 1]} : vector<1x64xf32> to vector<1x1xf32>
    %squeeze3A_827 = vector.extract %slice3A_826[0, 0] : f32 from vector<1x1xf32>
    %mul3A_828 = vector.broadcast %squeeze3A_827 : f32 to vector<80x128xf32>
    %mul3A_829 = arith.mulf %get3A_23, %mul3A_828 : vector<80x128xf32>
    %slice3A_830 = vector.extract_strided_slice %dot_general3A_20 {offsets = [0, 47], sizes = [1, 1], strides = [1, 1]} : vector<1x64xf32> to vector<1x1xf32>
    %squeeze3A_831 = vector.extract %slice3A_830[0, 0] : f32 from vector<1x1xf32>
    %mul3A_832 = vector.broadcast %squeeze3A_831 : f32 to vector<80x128xf32>
    %mul3A_833 = arith.mulf %get3A_26, %mul3A_832 : vector<80x128xf32>
    %add3A_834 = arith.addf %mul3A_829, %mul3A_833 : vector<80x128xf32>
    %max3A_835 = arith.constant 0.000000e+00 : f32
    %max3A_836 = vector.broadcast %max3A_835 : f32 to vector<80x128xf32>
    %max3A_837 = arith.maximumf %add3A_834, %max3A_836 : vector<80x128xf32>
    %slice3A_838 = vector.extract_strided_slice %get3A_29 {offsets = [47, 0], sizes = [1, 1], strides = [1, 1]} : vector<64x1xf32> to vector<1x1xf32>
    %squeeze3A_839 = vector.extract %slice3A_838[0, 0] : f32 from vector<1x1xf32>
    %mul3A_840 = vector.broadcast %squeeze3A_839 : f32 to vector<80x128xf32>
    %mul3A_841 = arith.mulf %max3A_837, %mul3A_840 : vector<80x128xf32>
    %add3A_842 = arith.addf %add3A_825, %mul3A_841 : vector<80x128xf32>
    %slice3A_843 = vector.extract_strided_slice %dot_general3A_15 {offsets = [0, 48], sizes = [1, 1], strides = [1, 1]} : vector<1x64xf32> to vector<1x1xf32>
    %squeeze3A_844 = vector.extract %slice3A_843[0, 0] : f32 from vector<1x1xf32>
    %mul3A_845 = vector.broadcast %squeeze3A_844 : f32 to vector<80x128xf32>
    %mul3A_846 = arith.mulf %get3A_23, %mul3A_845 : vector<80x128xf32>
    %slice3A_847 = vector.extract_strided_slice %dot_general3A_20 {offsets = [0, 48], sizes = [1, 1], strides = [1, 1]} : vector<1x64xf32> to vector<1x1xf32>
    %squeeze3A_848 = vector.extract %slice3A_847[0, 0] : f32 from vector<1x1xf32>
    %mul3A_849 = vector.broadcast %squeeze3A_848 : f32 to vector<80x128xf32>
    %mul3A_850 = arith.mulf %get3A_26, %mul3A_849 : vector<80x128xf32>
    %add3A_851 = arith.addf %mul3A_846, %mul3A_850 : vector<80x128xf32>
    %max3A_852 = arith.constant 0.000000e+00 : f32
    %max3A_853 = vector.broadcast %max3A_852 : f32 to vector<80x128xf32>
    %max3A_854 = arith.maximumf %add3A_851, %max3A_853 : vector<80x128xf32>
    %slice3A_855 = vector.extract_strided_slice %get3A_29 {offsets = [48, 0], sizes = [1, 1], strides = [1, 1]} : vector<64x1xf32> to vector<1x1xf32>
    %squeeze3A_856 = vector.extract %slice3A_855[0, 0] : f32 from vector<1x1xf32>
    %mul3A_857 = vector.broadcast %squeeze3A_856 : f32 to vector<80x128xf32>
    %mul3A_858 = arith.mulf %max3A_854, %mul3A_857 : vector<80x128xf32>
    %add3A_859 = arith.addf %add3A_842, %mul3A_858 : vector<80x128xf32>
    %slice3A_860 = vector.extract_strided_slice %dot_general3A_15 {offsets = [0, 49], sizes = [1, 1], strides = [1, 1]} : vector<1x64xf32> to vector<1x1xf32>
    %squeeze3A_861 = vector.extract %slice3A_860[0, 0] : f32 from vector<1x1xf32>
    %mul3A_862 = vector.broadcast %squeeze3A_861 : f32 to vector<80x128xf32>
    %mul3A_863 = arith.mulf %get3A_23, %mul3A_862 : vector<80x128xf32>
    %slice3A_864 = vector.extract_strided_slice %dot_general3A_20 {offsets = [0, 49], sizes = [1, 1], strides = [1, 1]} : vector<1x64xf32> to vector<1x1xf32>
    %squeeze3A_865 = vector.extract %slice3A_864[0, 0] : f32 from vector<1x1xf32>
    %mul3A_866 = vector.broadcast %squeeze3A_865 : f32 to vector<80x128xf32>
    %mul3A_867 = arith.mulf %get3A_26, %mul3A_866 : vector<80x128xf32>
    %add3A_868 = arith.addf %mul3A_863, %mul3A_867 : vector<80x128xf32>
    %max3A_869 = arith.constant 0.000000e+00 : f32
    %max3A_870 = vector.broadcast %max3A_869 : f32 to vector<80x128xf32>
    %max3A_871 = arith.maximumf %add3A_868, %max3A_870 : vector<80x128xf32>
    %slice3A_872 = vector.extract_strided_slice %get3A_29 {offsets = [49, 0], sizes = [1, 1], strides = [1, 1]} : vector<64x1xf32> to vector<1x1xf32>
    %squeeze3A_873 = vector.extract %slice3A_872[0, 0] : f32 from vector<1x1xf32>
    %mul3A_874 = vector.broadcast %squeeze3A_873 : f32 to vector<80x128xf32>
    %mul3A_875 = arith.mulf %max3A_871, %mul3A_874 : vector<80x128xf32>
    %add3A_876 = arith.addf %add3A_859, %mul3A_875 : vector<80x128xf32>
    %slice3A_877 = vector.extract_strided_slice %dot_general3A_15 {offsets = [0, 50], sizes = [1, 1], strides = [1, 1]} : vector<1x64xf32> to vector<1x1xf32>
    %squeeze3A_878 = vector.extract %slice3A_877[0, 0] : f32 from vector<1x1xf32>
    %mul3A_879 = vector.broadcast %squeeze3A_878 : f32 to vector<80x128xf32>
    %mul3A_880 = arith.mulf %get3A_23, %mul3A_879 : vector<80x128xf32>
    %slice3A_881 = vector.extract_strided_slice %dot_general3A_20 {offsets = [0, 50], sizes = [1, 1], strides = [1, 1]} : vector<1x64xf32> to vector<1x1xf32>
    %squeeze3A_882 = vector.extract %slice3A_881[0, 0] : f32 from vector<1x1xf32>
    %mul3A_883 = vector.broadcast %squeeze3A_882 : f32 to vector<80x128xf32>
    %mul3A_884 = arith.mulf %get3A_26, %mul3A_883 : vector<80x128xf32>
    %add3A_885 = arith.addf %mul3A_880, %mul3A_884 : vector<80x128xf32>
    %max3A_886 = arith.constant 0.000000e+00 : f32
    %max3A_887 = vector.broadcast %max3A_886 : f32 to vector<80x128xf32>
    %max3A_888 = arith.maximumf %add3A_885, %max3A_887 : vector<80x128xf32>
    %slice3A_889 = vector.extract_strided_slice %get3A_29 {offsets = [50, 0], sizes = [1, 1], strides = [1, 1]} : vector<64x1xf32> to vector<1x1xf32>
    %squeeze3A_890 = vector.extract %slice3A_889[0, 0] : f32 from vector<1x1xf32>
    %mul3A_891 = vector.broadcast %squeeze3A_890 : f32 to vector<80x128xf32>
    %mul3A_892 = arith.mulf %max3A_888, %mul3A_891 : vector<80x128xf32>
    %add3A_893 = arith.addf %add3A_876, %mul3A_892 : vector<80x128xf32>
    %slice3A_894 = vector.extract_strided_slice %dot_general3A_15 {offsets = [0, 51], sizes = [1, 1], strides = [1, 1]} : vector<1x64xf32> to vector<1x1xf32>
    %squeeze3A_895 = vector.extract %slice3A_894[0, 0] : f32 from vector<1x1xf32>
    %mul3A_896 = vector.broadcast %squeeze3A_895 : f32 to vector<80x128xf32>
    %mul3A_897 = arith.mulf %get3A_23, %mul3A_896 : vector<80x128xf32>
    %slice3A_898 = vector.extract_strided_slice %dot_general3A_20 {offsets = [0, 51], sizes = [1, 1], strides = [1, 1]} : vector<1x64xf32> to vector<1x1xf32>
    %squeeze3A_899 = vector.extract %slice3A_898[0, 0] : f32 from vector<1x1xf32>
    %mul3A_900 = vector.broadcast %squeeze3A_899 : f32 to vector<80x128xf32>
    %mul3A_901 = arith.mulf %get3A_26, %mul3A_900 : vector<80x128xf32>
    %add3A_902 = arith.addf %mul3A_897, %mul3A_901 : vector<80x128xf32>
    %max3A_903 = arith.constant 0.000000e+00 : f32
    %max3A_904 = vector.broadcast %max3A_903 : f32 to vector<80x128xf32>
    %max3A_905 = arith.maximumf %add3A_902, %max3A_904 : vector<80x128xf32>
    %slice3A_906 = vector.extract_strided_slice %get3A_29 {offsets = [51, 0], sizes = [1, 1], strides = [1, 1]} : vector<64x1xf32> to vector<1x1xf32>
    %squeeze3A_907 = vector.extract %slice3A_906[0, 0] : f32 from vector<1x1xf32>
    %mul3A_908 = vector.broadcast %squeeze3A_907 : f32 to vector<80x128xf32>
    %mul3A_909 = arith.mulf %max3A_905, %mul3A_908 : vector<80x128xf32>
    %add3A_910 = arith.addf %add3A_893, %mul3A_909 : vector<80x128xf32>
    %slice3A_911 = vector.extract_strided_slice %dot_general3A_15 {offsets = [0, 52], sizes = [1, 1], strides = [1, 1]} : vector<1x64xf32> to vector<1x1xf32>
    %squeeze3A_912 = vector.extract %slice3A_911[0, 0] : f32 from vector<1x1xf32>
    %mul3A_913 = vector.broadcast %squeeze3A_912 : f32 to vector<80x128xf32>
    %mul3A_914 = arith.mulf %get3A_23, %mul3A_913 : vector<80x128xf32>
    %slice3A_915 = vector.extract_strided_slice %dot_general3A_20 {offsets = [0, 52], sizes = [1, 1], strides = [1, 1]} : vector<1x64xf32> to vector<1x1xf32>
    %squeeze3A_916 = vector.extract %slice3A_915[0, 0] : f32 from vector<1x1xf32>
    %mul3A_917 = vector.broadcast %squeeze3A_916 : f32 to vector<80x128xf32>
    %mul3A_918 = arith.mulf %get3A_26, %mul3A_917 : vector<80x128xf32>
    %add3A_919 = arith.addf %mul3A_914, %mul3A_918 : vector<80x128xf32>
    %max3A_920 = arith.constant 0.000000e+00 : f32
    %max3A_921 = vector.broadcast %max3A_920 : f32 to vector<80x128xf32>
    %max3A_922 = arith.maximumf %add3A_919, %max3A_921 : vector<80x128xf32>
    %slice3A_923 = vector.extract_strided_slice %get3A_29 {offsets = [52, 0], sizes = [1, 1], strides = [1, 1]} : vector<64x1xf32> to vector<1x1xf32>
    %squeeze3A_924 = vector.extract %slice3A_923[0, 0] : f32 from vector<1x1xf32>
    %mul3A_925 = vector.broadcast %squeeze3A_924 : f32 to vector<80x128xf32>
    %mul3A_926 = arith.mulf %max3A_922, %mul3A_925 : vector<80x128xf32>
    %add3A_927 = arith.addf %add3A_910, %mul3A_926 : vector<80x128xf32>
    %slice3A_928 = vector.extract_strided_slice %dot_general3A_15 {offsets = [0, 53], sizes = [1, 1], strides = [1, 1]} : vector<1x64xf32> to vector<1x1xf32>
    %squeeze3A_929 = vector.extract %slice3A_928[0, 0] : f32 from vector<1x1xf32>
    %mul3A_930 = vector.broadcast %squeeze3A_929 : f32 to vector<80x128xf32>
    %mul3A_931 = arith.mulf %get3A_23, %mul3A_930 : vector<80x128xf32>
    %slice3A_932 = vector.extract_strided_slice %dot_general3A_20 {offsets = [0, 53], sizes = [1, 1], strides = [1, 1]} : vector<1x64xf32> to vector<1x1xf32>
    %squeeze3A_933 = vector.extract %slice3A_932[0, 0] : f32 from vector<1x1xf32>
    %mul3A_934 = vector.broadcast %squeeze3A_933 : f32 to vector<80x128xf32>
    %mul3A_935 = arith.mulf %get3A_26, %mul3A_934 : vector<80x128xf32>
    %add3A_936 = arith.addf %mul3A_931, %mul3A_935 : vector<80x128xf32>
    %max3A_937 = arith.constant 0.000000e+00 : f32
    %max3A_938 = vector.broadcast %max3A_937 : f32 to vector<80x128xf32>
    %max3A_939 = arith.maximumf %add3A_936, %max3A_938 : vector<80x128xf32>
    %slice3A_940 = vector.extract_strided_slice %get3A_29 {offsets = [53, 0], sizes = [1, 1], strides = [1, 1]} : vector<64x1xf32> to vector<1x1xf32>
    %squeeze3A_941 = vector.extract %slice3A_940[0, 0] : f32 from vector<1x1xf32>
    %mul3A_942 = vector.broadcast %squeeze3A_941 : f32 to vector<80x128xf32>
    %mul3A_943 = arith.mulf %max3A_939, %mul3A_942 : vector<80x128xf32>
    %add3A_944 = arith.addf %add3A_927, %mul3A_943 : vector<80x128xf32>
    %slice3A_945 = vector.extract_strided_slice %dot_general3A_15 {offsets = [0, 54], sizes = [1, 1], strides = [1, 1]} : vector<1x64xf32> to vector<1x1xf32>
    %squeeze3A_946 = vector.extract %slice3A_945[0, 0] : f32 from vector<1x1xf32>
    %mul3A_947 = vector.broadcast %squeeze3A_946 : f32 to vector<80x128xf32>
    %mul3A_948 = arith.mulf %get3A_23, %mul3A_947 : vector<80x128xf32>
    %slice3A_949 = vector.extract_strided_slice %dot_general3A_20 {offsets = [0, 54], sizes = [1, 1], strides = [1, 1]} : vector<1x64xf32> to vector<1x1xf32>
    %squeeze3A_950 = vector.extract %slice3A_949[0, 0] : f32 from vector<1x1xf32>
    %mul3A_951 = vector.broadcast %squeeze3A_950 : f32 to vector<80x128xf32>
    %mul3A_952 = arith.mulf %get3A_26, %mul3A_951 : vector<80x128xf32>
    %add3A_953 = arith.addf %mul3A_948, %mul3A_952 : vector<80x128xf32>
    %max3A_954 = arith.constant 0.000000e+00 : f32
    %max3A_955 = vector.broadcast %max3A_954 : f32 to vector<80x128xf32>
    %max3A_956 = arith.maximumf %add3A_953, %max3A_955 : vector<80x128xf32>
    %slice3A_957 = vector.extract_strided_slice %get3A_29 {offsets = [54, 0], sizes = [1, 1], strides = [1, 1]} : vector<64x1xf32> to vector<1x1xf32>
    %squeeze3A_958 = vector.extract %slice3A_957[0, 0] : f32 from vector<1x1xf32>
    %mul3A_959 = vector.broadcast %squeeze3A_958 : f32 to vector<80x128xf32>
    %mul3A_960 = arith.mulf %max3A_956, %mul3A_959 : vector<80x128xf32>
    %add3A_961 = arith.addf %add3A_944, %mul3A_960 : vector<80x128xf32>
    %slice3A_962 = vector.extract_strided_slice %dot_general3A_15 {offsets = [0, 55], sizes = [1, 1], strides = [1, 1]} : vector<1x64xf32> to vector<1x1xf32>
    %squeeze3A_963 = vector.extract %slice3A_962[0, 0] : f32 from vector<1x1xf32>
    %mul3A_964 = vector.broadcast %squeeze3A_963 : f32 to vector<80x128xf32>
    %mul3A_965 = arith.mulf %get3A_23, %mul3A_964 : vector<80x128xf32>
    %slice3A_966 = vector.extract_strided_slice %dot_general3A_20 {offsets = [0, 55], sizes = [1, 1], strides = [1, 1]} : vector<1x64xf32> to vector<1x1xf32>
    %squeeze3A_967 = vector.extract %slice3A_966[0, 0] : f32 from vector<1x1xf32>
    %mul3A_968 = vector.broadcast %squeeze3A_967 : f32 to vector<80x128xf32>
    %mul3A_969 = arith.mulf %get3A_26, %mul3A_968 : vector<80x128xf32>
    %add3A_970 = arith.addf %mul3A_965, %mul3A_969 : vector<80x128xf32>
    %max3A_971 = arith.constant 0.000000e+00 : f32
    %max3A_972 = vector.broadcast %max3A_971 : f32 to vector<80x128xf32>
    %max3A_973 = arith.maximumf %add3A_970, %max3A_972 : vector<80x128xf32>
    %slice3A_974 = vector.extract_strided_slice %get3A_29 {offsets = [55, 0], sizes = [1, 1], strides = [1, 1]} : vector<64x1xf32> to vector<1x1xf32>
    %squeeze3A_975 = vector.extract %slice3A_974[0, 0] : f32 from vector<1x1xf32>
    %mul3A_976 = vector.broadcast %squeeze3A_975 : f32 to vector<80x128xf32>
    %mul3A_977 = arith.mulf %max3A_973, %mul3A_976 : vector<80x128xf32>
    %add3A_978 = arith.addf %add3A_961, %mul3A_977 : vector<80x128xf32>
    %slice3A_979 = vector.extract_strided_slice %dot_general3A_15 {offsets = [0, 56], sizes = [1, 1], strides = [1, 1]} : vector<1x64xf32> to vector<1x1xf32>
    %squeeze3A_980 = vector.extract %slice3A_979[0, 0] : f32 from vector<1x1xf32>
    %mul3A_981 = vector.broadcast %squeeze3A_980 : f32 to vector<80x128xf32>
    %mul3A_982 = arith.mulf %get3A_23, %mul3A_981 : vector<80x128xf32>
    %slice3A_983 = vector.extract_strided_slice %dot_general3A_20 {offsets = [0, 56], sizes = [1, 1], strides = [1, 1]} : vector<1x64xf32> to vector<1x1xf32>
    %squeeze3A_984 = vector.extract %slice3A_983[0, 0] : f32 from vector<1x1xf32>
    %mul3A_985 = vector.broadcast %squeeze3A_984 : f32 to vector<80x128xf32>
    %mul3A_986 = arith.mulf %get3A_26, %mul3A_985 : vector<80x128xf32>
    %add3A_987 = arith.addf %mul3A_982, %mul3A_986 : vector<80x128xf32>
    %max3A_988 = arith.constant 0.000000e+00 : f32
    %max3A_989 = vector.broadcast %max3A_988 : f32 to vector<80x128xf32>
    %max3A_990 = arith.maximumf %add3A_987, %max3A_989 : vector<80x128xf32>
    %slice3A_991 = vector.extract_strided_slice %get3A_29 {offsets = [56, 0], sizes = [1, 1], strides = [1, 1]} : vector<64x1xf32> to vector<1x1xf32>
    %squeeze3A_992 = vector.extract %slice3A_991[0, 0] : f32 from vector<1x1xf32>
    %mul3A_993 = vector.broadcast %squeeze3A_992 : f32 to vector<80x128xf32>
    %mul3A_994 = arith.mulf %max3A_990, %mul3A_993 : vector<80x128xf32>
    %add3A_995 = arith.addf %add3A_978, %mul3A_994 : vector<80x128xf32>
    %slice3A_996 = vector.extract_strided_slice %dot_general3A_15 {offsets = [0, 57], sizes = [1, 1], strides = [1, 1]} : vector<1x64xf32> to vector<1x1xf32>
    %squeeze3A_997 = vector.extract %slice3A_996[0, 0] : f32 from vector<1x1xf32>
    %mul3A_998 = vector.broadcast %squeeze3A_997 : f32 to vector<80x128xf32>
    %mul3A_999 = arith.mulf %get3A_23, %mul3A_998 : vector<80x128xf32>
    %slice3A_1000 = vector.extract_strided_slice %dot_general3A_20 {offsets = [0, 57], sizes = [1, 1], strides = [1, 1]} : vector<1x64xf32> to vector<1x1xf32>
    %squeeze3A_1001 = vector.extract %slice3A_1000[0, 0] : f32 from vector<1x1xf32>
    %mul3A_1002 = vector.broadcast %squeeze3A_1001 : f32 to vector<80x128xf32>
    %mul3A_1003 = arith.mulf %get3A_26, %mul3A_1002 : vector<80x128xf32>
    %add3A_1004 = arith.addf %mul3A_999, %mul3A_1003 : vector<80x128xf32>
    %max3A_1005 = arith.constant 0.000000e+00 : f32
    %max3A_1006 = vector.broadcast %max3A_1005 : f32 to vector<80x128xf32>
    %max3A_1007 = arith.maximumf %add3A_1004, %max3A_1006 : vector<80x128xf32>
    %slice3A_1008 = vector.extract_strided_slice %get3A_29 {offsets = [57, 0], sizes = [1, 1], strides = [1, 1]} : vector<64x1xf32> to vector<1x1xf32>
    %squeeze3A_1009 = vector.extract %slice3A_1008[0, 0] : f32 from vector<1x1xf32>
    %mul3A_1010 = vector.broadcast %squeeze3A_1009 : f32 to vector<80x128xf32>
    %mul3A_1011 = arith.mulf %max3A_1007, %mul3A_1010 : vector<80x128xf32>
    %add3A_1012 = arith.addf %add3A_995, %mul3A_1011 : vector<80x128xf32>
    %slice3A_1013 = vector.extract_strided_slice %dot_general3A_15 {offsets = [0, 58], sizes = [1, 1], strides = [1, 1]} : vector<1x64xf32> to vector<1x1xf32>
    %squeeze3A_1014 = vector.extract %slice3A_1013[0, 0] : f32 from vector<1x1xf32>
    %mul3A_1015 = vector.broadcast %squeeze3A_1014 : f32 to vector<80x128xf32>
    %mul3A_1016 = arith.mulf %get3A_23, %mul3A_1015 : vector<80x128xf32>
    %slice3A_1017 = vector.extract_strided_slice %dot_general3A_20 {offsets = [0, 58], sizes = [1, 1], strides = [1, 1]} : vector<1x64xf32> to vector<1x1xf32>
    %squeeze3A_1018 = vector.extract %slice3A_1017[0, 0] : f32 from vector<1x1xf32>
    %mul3A_1019 = vector.broadcast %squeeze3A_1018 : f32 to vector<80x128xf32>
    %mul3A_1020 = arith.mulf %get3A_26, %mul3A_1019 : vector<80x128xf32>
    %add3A_1021 = arith.addf %mul3A_1016, %mul3A_1020 : vector<80x128xf32>
    %max3A_1022 = arith.constant 0.000000e+00 : f32
    %max3A_1023 = vector.broadcast %max3A_1022 : f32 to vector<80x128xf32>
    %max3A_1024 = arith.maximumf %add3A_1021, %max3A_1023 : vector<80x128xf32>
    %slice3A_1025 = vector.extract_strided_slice %get3A_29 {offsets = [58, 0], sizes = [1, 1], strides = [1, 1]} : vector<64x1xf32> to vector<1x1xf32>
    %squeeze3A_1026 = vector.extract %slice3A_1025[0, 0] : f32 from vector<1x1xf32>
    %mul3A_1027 = vector.broadcast %squeeze3A_1026 : f32 to vector<80x128xf32>
    %mul3A_1028 = arith.mulf %max3A_1024, %mul3A_1027 : vector<80x128xf32>
    %add3A_1029 = arith.addf %add3A_1012, %mul3A_1028 : vector<80x128xf32>
    %slice3A_1030 = vector.extract_strided_slice %dot_general3A_15 {offsets = [0, 59], sizes = [1, 1], strides = [1, 1]} : vector<1x64xf32> to vector<1x1xf32>
    %squeeze3A_1031 = vector.extract %slice3A_1030[0, 0] : f32 from vector<1x1xf32>
    %mul3A_1032 = vector.broadcast %squeeze3A_1031 : f32 to vector<80x128xf32>
    %mul3A_1033 = arith.mulf %get3A_23, %mul3A_1032 : vector<80x128xf32>
    %slice3A_1034 = vector.extract_strided_slice %dot_general3A_20 {offsets = [0, 59], sizes = [1, 1], strides = [1, 1]} : vector<1x64xf32> to vector<1x1xf32>
    %squeeze3A_1035 = vector.extract %slice3A_1034[0, 0] : f32 from vector<1x1xf32>
    %mul3A_1036 = vector.broadcast %squeeze3A_1035 : f32 to vector<80x128xf32>
    %mul3A_1037 = arith.mulf %get3A_26, %mul3A_1036 : vector<80x128xf32>
    %add3A_1038 = arith.addf %mul3A_1033, %mul3A_1037 : vector<80x128xf32>
    %max3A_1039 = arith.constant 0.000000e+00 : f32
    %max3A_1040 = vector.broadcast %max3A_1039 : f32 to vector<80x128xf32>
    %max3A_1041 = arith.maximumf %add3A_1038, %max3A_1040 : vector<80x128xf32>
    %slice3A_1042 = vector.extract_strided_slice %get3A_29 {offsets = [59, 0], sizes = [1, 1], strides = [1, 1]} : vector<64x1xf32> to vector<1x1xf32>
    %squeeze3A_1043 = vector.extract %slice3A_1042[0, 0] : f32 from vector<1x1xf32>
    %mul3A_1044 = vector.broadcast %squeeze3A_1043 : f32 to vector<80x128xf32>
    %mul3A_1045 = arith.mulf %max3A_1041, %mul3A_1044 : vector<80x128xf32>
    %add3A_1046 = arith.addf %add3A_1029, %mul3A_1045 : vector<80x128xf32>
    %slice3A_1047 = vector.extract_strided_slice %dot_general3A_15 {offsets = [0, 60], sizes = [1, 1], strides = [1, 1]} : vector<1x64xf32> to vector<1x1xf32>
    %squeeze3A_1048 = vector.extract %slice3A_1047[0, 0] : f32 from vector<1x1xf32>
    %mul3A_1049 = vector.broadcast %squeeze3A_1048 : f32 to vector<80x128xf32>
    %mul3A_1050 = arith.mulf %get3A_23, %mul3A_1049 : vector<80x128xf32>
    %slice3A_1051 = vector.extract_strided_slice %dot_general3A_20 {offsets = [0, 60], sizes = [1, 1], strides = [1, 1]} : vector<1x64xf32> to vector<1x1xf32>
    %squeeze3A_1052 = vector.extract %slice3A_1051[0, 0] : f32 from vector<1x1xf32>
    %mul3A_1053 = vector.broadcast %squeeze3A_1052 : f32 to vector<80x128xf32>
    %mul3A_1054 = arith.mulf %get3A_26, %mul3A_1053 : vector<80x128xf32>
    %add3A_1055 = arith.addf %mul3A_1050, %mul3A_1054 : vector<80x128xf32>
    %max3A_1056 = arith.constant 0.000000e+00 : f32
    %max3A_1057 = vector.broadcast %max3A_1056 : f32 to vector<80x128xf32>
    %max3A_1058 = arith.maximumf %add3A_1055, %max3A_1057 : vector<80x128xf32>
    %slice3A_1059 = vector.extract_strided_slice %get3A_29 {offsets = [60, 0], sizes = [1, 1], strides = [1, 1]} : vector<64x1xf32> to vector<1x1xf32>
    %squeeze3A_1060 = vector.extract %slice3A_1059[0, 0] : f32 from vector<1x1xf32>
    %mul3A_1061 = vector.broadcast %squeeze3A_1060 : f32 to vector<80x128xf32>
    %mul3A_1062 = arith.mulf %max3A_1058, %mul3A_1061 : vector<80x128xf32>
    %add3A_1063 = arith.addf %add3A_1046, %mul3A_1062 : vector<80x128xf32>
    %slice3A_1064 = vector.extract_strided_slice %dot_general3A_15 {offsets = [0, 61], sizes = [1, 1], strides = [1, 1]} : vector<1x64xf32> to vector<1x1xf32>
    %squeeze3A_1065 = vector.extract %slice3A_1064[0, 0] : f32 from vector<1x1xf32>
    %mul3A_1066 = vector.broadcast %squeeze3A_1065 : f32 to vector<80x128xf32>
    %mul3A_1067 = arith.mulf %get3A_23, %mul3A_1066 : vector<80x128xf32>
    %slice3A_1068 = vector.extract_strided_slice %dot_general3A_20 {offsets = [0, 61], sizes = [1, 1], strides = [1, 1]} : vector<1x64xf32> to vector<1x1xf32>
    %squeeze3A_1069 = vector.extract %slice3A_1068[0, 0] : f32 from vector<1x1xf32>
    %mul3A_1070 = vector.broadcast %squeeze3A_1069 : f32 to vector<80x128xf32>
    %mul3A_1071 = arith.mulf %get3A_26, %mul3A_1070 : vector<80x128xf32>
    %add3A_1072 = arith.addf %mul3A_1067, %mul3A_1071 : vector<80x128xf32>
    %max3A_1073 = arith.constant 0.000000e+00 : f32
    %max3A_1074 = vector.broadcast %max3A_1073 : f32 to vector<80x128xf32>
    %max3A_1075 = arith.maximumf %add3A_1072, %max3A_1074 : vector<80x128xf32>
    %slice3A_1076 = vector.extract_strided_slice %get3A_29 {offsets = [61, 0], sizes = [1, 1], strides = [1, 1]} : vector<64x1xf32> to vector<1x1xf32>
    %squeeze3A_1077 = vector.extract %slice3A_1076[0, 0] : f32 from vector<1x1xf32>
    %mul3A_1078 = vector.broadcast %squeeze3A_1077 : f32 to vector<80x128xf32>
    %mul3A_1079 = arith.mulf %max3A_1075, %mul3A_1078 : vector<80x128xf32>
    %add3A_1080 = arith.addf %add3A_1063, %mul3A_1079 : vector<80x128xf32>
    %slice3A_1081 = vector.extract_strided_slice %dot_general3A_15 {offsets = [0, 62], sizes = [1, 1], strides = [1, 1]} : vector<1x64xf32> to vector<1x1xf32>
    %squeeze3A_1082 = vector.extract %slice3A_1081[0, 0] : f32 from vector<1x1xf32>
    %mul3A_1083 = vector.broadcast %squeeze3A_1082 : f32 to vector<80x128xf32>
    %mul3A_1084 = arith.mulf %get3A_23, %mul3A_1083 : vector<80x128xf32>
    %slice3A_1085 = vector.extract_strided_slice %dot_general3A_20 {offsets = [0, 62], sizes = [1, 1], strides = [1, 1]} : vector<1x64xf32> to vector<1x1xf32>
    %squeeze3A_1086 = vector.extract %slice3A_1085[0, 0] : f32 from vector<1x1xf32>
    %mul3A_1087 = vector.broadcast %squeeze3A_1086 : f32 to vector<80x128xf32>
    %mul3A_1088 = arith.mulf %get3A_26, %mul3A_1087 : vector<80x128xf32>
    %add3A_1089 = arith.addf %mul3A_1084, %mul3A_1088 : vector<80x128xf32>
    %max3A_1090 = arith.constant 0.000000e+00 : f32
    %max3A_1091 = vector.broadcast %max3A_1090 : f32 to vector<80x128xf32>
    %max3A_1092 = arith.maximumf %add3A_1089, %max3A_1091 : vector<80x128xf32>
    %slice3A_1093 = vector.extract_strided_slice %get3A_29 {offsets = [62, 0], sizes = [1, 1], strides = [1, 1]} : vector<64x1xf32> to vector<1x1xf32>
    %squeeze3A_1094 = vector.extract %slice3A_1093[0, 0] : f32 from vector<1x1xf32>
    %mul3A_1095 = vector.broadcast %squeeze3A_1094 : f32 to vector<80x128xf32>
    %mul3A_1096 = arith.mulf %max3A_1092, %mul3A_1095 : vector<80x128xf32>
    %add3A_1097 = arith.addf %add3A_1080, %mul3A_1096 : vector<80x128xf32>
    %slice3A_1098 = vector.extract_strided_slice %dot_general3A_15 {offsets = [0, 63], sizes = [1, 1], strides = [1, 1]} : vector<1x64xf32> to vector<1x1xf32>
    %squeeze3A_1099 = vector.extract %slice3A_1098[0, 0] : f32 from vector<1x1xf32>
    %mul3A_1100 = vector.broadcast %squeeze3A_1099 : f32 to vector<80x128xf32>
    %mul3A_1101 = arith.mulf %get3A_23, %mul3A_1100 : vector<80x128xf32>
    %slice3A_1102 = vector.extract_strided_slice %dot_general3A_20 {offsets = [0, 63], sizes = [1, 1], strides = [1, 1]} : vector<1x64xf32> to vector<1x1xf32>
    %squeeze3A_1103 = vector.extract %slice3A_1102[0, 0] : f32 from vector<1x1xf32>
    %mul3A_1104 = vector.broadcast %squeeze3A_1103 : f32 to vector<80x128xf32>
    %mul3A_1105 = arith.mulf %get3A_26, %mul3A_1104 : vector<80x128xf32>
    %add3A_1106 = arith.addf %mul3A_1101, %mul3A_1105 : vector<80x128xf32>
    %max3A_1107 = arith.constant 0.000000e+00 : f32
    %max3A_1108 = vector.broadcast %max3A_1107 : f32 to vector<80x128xf32>
    %max3A_1109 = arith.maximumf %add3A_1106, %max3A_1108 : vector<80x128xf32>
    %slice3A_1110 = vector.extract_strided_slice %get3A_29 {offsets = [63, 0], sizes = [1, 1], strides = [1, 1]} : vector<64x1xf32> to vector<1x1xf32>
    %squeeze3A_1111 = vector.extract %slice3A_1110[0, 0] : f32 from vector<1x1xf32>
    %mul3A_1112 = vector.broadcast %squeeze3A_1111 : f32 to vector<80x128xf32>
    %mul3A_1113 = arith.mulf %max3A_1109, %mul3A_1112 : vector<80x128xf32>
    %add3A_1114 = arith.addf %add3A_1097, %mul3A_1113 : vector<80x128xf32>
    %get3A_1115 = arith.constant 0 : index
    %get3A_1116 = arith.constant 0 : index
    %get3A_1117 = vector.load %arg5[%get3A_1115, %get3A_1116] : memref<1x1xf32, #tpu.memory_space<vmem>>, vector<1x1xf32>
    %get3A_1118 = vector.extract %get3A_1117[0, 0] : f32 from vector<1x1xf32>
    %add3A_1119 = vector.broadcast %get3A_1118 : f32 to vector<80x128xf32>
    %add3A_1120 = arith.addf %add3A_1114, %add3A_1119 : vector<80x128xf32>
    %swap3A = arith.constant 0 : index
    %swap3A_1121 = arith.constant 0 : index
    %swap3A_1122 = vector.load %arg6[%swap3A, %swap3A_1121] : memref<80x128xf32, #tpu.memory_space<vmem>>, vector<80x128xf32>
    tpu.vector_store %arg6[%swap3A, %swap3A_1121], %add3A_1120 {strides = array<i32>} : memref<80x128xf32, #tpu.memory_space<vmem>>, vector<80x128xf32>,
    return
  }
}

</mosaic_0001>

<sc_bundles>
// kernel: kernel.4.cloned.1.call-start
scs
__scs_entry_jumppad:
0x0: {  	(pc) =	sbr.rel $0x88, $3  }
0x1: {  	(tag) =	ssettag $0x0;
	lr =	simm.s32 $0x1  }
0x2: {  	[smem:$0x3F9A] =	sst lr;
	_ =	strace $0xD0000000  }
0x3: {  	_ = 	snop  }
0x4: {  	_ = 	snop  }
0x5: {  	_ = 	snop  }
0x6: {  	_ = 	snop  }
0x7: {  	_ = 	snop  }
__scs_overlays_trampoline_lowered:
0x8: {  	[smem:$0x3FA9] =	sst s0  }
0x9: {  	[smem:$0x3FAA] =	sst s1  }
0xa: {  	[smem:$0x3FAB] =	sst s2  }
0xb: {  	[smem:$0x3FAC] =	sst s3  }
0xc: {  	[smem:$0x3FAD] =	sst s4  }
0xd: {  	[smem:$0x3FAE] =	sst s5  }
0xe: {  	[smem:$0x3FAF] =	sst s6  }
0xf: {  	[smem:$0x3FB0] =	sst s7  }
0x10: {  	[smem:$0x3FB1] =	sst s8  }
0x11: {  	[smem:$0x3FB2] =	sst s9;
	s0 =	simm.s32 @!p0 $0x0  }
0x12: {  	s1 =	sld [smem:$0x3F98];
	s0 =	simm.s32 @p0 $0x1  }
0x13: {  	[smem:$0x3FB3] =	sst s0;
	s0 =	simm.s32 @!p1 $0x0  }
0x14: {  	s2 =	sld [smem:$0x3F97];
	s0 =	simm.s32 @p1 $0x1  }
0x15: {  	[smem:$0x3FB4] =	sst s0;
	s0 =	simm.s32 @!p2 $0x0  }
0x16: {  	s3 =	sld [smem:$0x3FDB];
	s0 =	simm.s32 @p2 $0x1  }
0x17: {  	s4 =	simm.s32 $0x1BF5;
	[smem:$0x3FB6] =	sst s0  }
0x18: {  	s0 =	sld [smem:$0x3F99];
	_ =	swait.ge [sflag:s4], $0x0  }
0x19: {  	s7 =	sld [smem:$0x3F9A]  }
0x1a: {  	s8 =	sadd.s32 $0xFFFFE003, lr  }
0x1b: {  	s9 =	sadd.s32 $0xFFFFFEF7, lr;
	s5 =	simm.s32 $0xFFFFFFFF;
	p2 =	slt.u32 s8, $0xFFFFF086  }
0x1c: {  	p1 =	slt.u32 s9, $0xF7A;
	s5 =	simm.s32 @!p2 $0x0  }
0x1d: {  	s5 =	simm.s32 @p1 $0x1;
	p0 =	seq.s32 s7, s2  }
0x1e: {  	s7 =	smul.u32 @!p0 $0xF7A, s2;
	p2 =	seq.s32 @!p0 s5, $0x0  }
0x1f: {  	s9 =	smul.u32 $0xF7A, s1;
	s8 =	simm.s32 @!p0 $0x1BF5;
	p2 =	por !p2, p0  }
0x20: {  	[sflag:s8] =	ssyncset.s32 @!p0 $0xFFFFF086;
	s6 =	sadd.s32 @!p0 s3, s7;
	s7 =	simm.s32 @!p0 $0x108  }
0x21: {  	s3 =	sadd.s32 s3, s9;
	s6 =	sadd.s32 @!p0 $0x88, s6;
	s7 =	simm.s32 @p2 $0x1082  }
0x22: {  	[simem:s7], [sflag:s8] =	dma.local @!p0 [hbm:s6], $0xF7A  }
0x23: {  	s9 =	sor.u32 $0xD0000000, s2;
	s6 =	simm.s32 $0x108;
	_ =	swait.ge @!p0 [sflag:s8], $0x0  }
0x24: {  	s3 =	sadd.s32 $0x88, s3;
	s6 =	simm.s32 @!p1 $0x1082;
	[sflag:s4] =	ssyncset.s32 $0xFFFFF086  }
0x25: {  	[simem:s6], [sflag:s4] =	dma.local [hbm:s3], $0xF7A  }
0x26: {  	[smem:$0x3F9A] =	sst s1;
	(tag) =	ssettag s2;
	_ =	strace s9  }
0x27: {  	s1 =	sld [smem:$0x3FAA]  }
0x28: {  	s2 =	sld [smem:$0x3FAB]  }
0x29: {  	s4 =	sld [smem:$0x3FAD]  }
0x2a: {  	p0 =	seq.s32 s5, $0x0;
	s5 =	sld [smem:$0x3FAE]  }
0x2b: {  	s6 =	sld [smem:$0x3FAF]  }
0x2c: {  	s7 =	sld [smem:$0x3FB0]  }
0x2d: {  	s3 =	simm.s32 $0x108;
	s8 =	sld [smem:$0x3FB1]  }
0x2e: {  	s3 =	simm.s32 @!p0 $0x1082;
	s9 =	sld [smem:$0x3FB2]  }
0x2f: {  	lr =	sadd.s32 s0, s3;
	s0 =	sld [smem:$0x3FA9]  }
0x30: {  	s3 =	sld [smem:$0x3FAC]  }
0x31: {  	[smem:$0x3FB5] =	sst s10  }
0x32: {  	s10 =	sld [smem:$0x3FB3];
	_ =	sdelay $0x3  }
0x33: {  	p0 =	seq.s32 s10, $0x1;
	s10 =	sld [smem:$0x3FB5];
	_ =	sdelay $0x3  }
0x34: {  	[smem:$0x3FB5] =	sst s10  }
0x35: {  	s10 =	sld [smem:$0x3FB4];
	_ =	sdelay $0x3  }
0x36: {  	p1 =	seq.s32 s10, $0x1;
	s10 =	sld [smem:$0x3FB5];
	_ =	sdelay $0x3  }
0x37: {  	[smem:$0x3FB5] =	sst s10  }
0x38: {  	s10 =	sld [smem:$0x3FB6]  }
0x39: {  	_ = 	snop;
	(pc) =	sbr.ind lr, $3  }
0x3a: {  	_ = 	snop  }
0x3b: {  	_ = 	snop  }
0x3c: {  	p2 =	seq.s32 s10, $0x1;
	s10 =	sld [smem:$0x3FB5]  }
0x3d: {  	_ =	shalt  }
0x3e: {  	_ =	shalt  }
0x3f: {  	_ =	shalt  }
0x40: {  	_ =	shalt  }
0x41: {  	_ =	shalt  }
0x42: {  	_ =	shalt  }
0x43: {  	_ =	shalt  }
0x44: {  	_ =	shalt  }
0x45: {  	_ =	shalt  }
0x46: {  	_ =	shalt  }
0x47: {  	_ =	shalt  }
0x48: {  	_ =	shalt  }
0x49: {  	_ =	shalt  }
0x4a: {  	_ =	shalt  }
0x4b: {  	_ =	shalt  }
0x4c: {  	_ =	shalt  }
0x4d: {  	_ =	shalt  }
0x4e: {  	_ =	shalt  }
0x4f: {  	_ =	shalt  }
0x50: {  	_ =	shalt  }
0x51: {  	_ =	shalt  }
0x52: {  	_ =	shalt  }
0x53: {  	_ =	shalt  }
0x54: {  	_ =	shalt  }
0x55: {  	_ =	shalt  }
0x56: {  	_ =	shalt  }
0x57: {  	_ =	shalt  }
0x58: {  	_ =	shalt  }
0x59: {  	_ =	shalt  }
0x5a: {  	_ =	shalt  }
0x5b: {  	_ =	shalt  }
0x5c: {  	_ =	shalt  }
0x5d: {  	_ =	shalt  }
0x5e: {  	_ =	shalt  }
0x5f: {  	_ =	shalt  }
0x60: {  	_ =	shalt  }
0x61: {  	_ =	shalt  }
0x62: {  	_ =	shalt  }
0x63: {  	_ =	shalt  }
0x64: {  	_ =	shalt  }
0x65: {  	_ =	shalt  }
0x66: {  	_ =	shalt  }
0x67: {  	_ =	shalt  }
0x68: {  	_ =	shalt  }
0x69: {  	_ =	shalt  }
0x6a: {  	_ =	shalt  }
0x6b: {  	_ =	shalt  }
0x6c: {  	_ =	shalt  }
0x6d: {  	_ =	shalt  }
0x6e: {  	_ =	shalt  }
0x6f: {  	_ =	shalt  }
0x70: {  	_ =	shalt  }
0x71: {  	_ =	shalt  }
0x72: {  	_ =	shalt  }
0x73: {  	_ =	shalt  }
0x74: {  	_ =	shalt  }
0x75: {  	_ =	shalt  }
0x76: {  	_ =	shalt  }
0x77: {  	_ =	shalt  }
0x78: {  	_ =	shalt  }
0x79: {  	_ =	shalt  }
0x7a: {  	_ =	shalt  }
0x7b: {  	_ =	shalt  }
0x7c: {  	_ =	shalt  }
0x7d: {  	_ =	shalt  }
0x7e: {  	_ =	shalt  }
0x7f: {  	_ =	shalt  }
0x80: {  	_ =	shalt  }
0x81: {  	_ =	shalt  }
0x82: {  	_ =	shalt  }
0x83: {  	_ =	shalt  }
0x84: {  	_ =	shalt  }
0x85: {  	_ =	shalt  }
0x86: {  	_ =	shalt  }
0x87: {  	_ =	shalt  }
.Lfunc_end0:
.L_simem_size_0:
called_computation_lowered:
.L_overlay_start_0:
0x88: {  	s2 =	sld [smem:$0x3FD9]  }
0x89: {  	s3 =	sld [smem:$0x3FFE];
	_ =	sdelay $0x1  }
0x8a: {  	s1 =	srdreg.scid  }
0x8b: {  	s0 =	sand.u32 $0x1, s1  }
0x8c: {  	s17 =	sshll.u32 s0, $0xA;
	s2 =	sadd.s32 s3, s2  }
0x8d: {  	s2 =	sadd.s32 s2, s17  }
0x8e: {  	[smem:$0x3FC1] =	sst s2  }
0x8f: {  	_ = 	snop  }
0x90: {  	s2 =	sld [smem:$0x3FD0];
	(tm) =	ssettm $0x1  }
0x91: {  	s18 =	sld [smem:$0x3FFB];
	_ =	sdelay $0x3  }
0x92: {  	_ =	strace s18  }
0x93: {  	s3 =	sld [smem:$0x3FFC];
	_ =	sdelay $0x3  }
0x94: {  	_ =	strace s3  }
0x95: {  	s3 =	sld [smem:$0x3FFD];
	_ =	sdelay $0x3  }
0x96: {  	_ =	strace s3  }
0x97: {  	_ =	strace $0x8FFFFFFF  }
0x98: {  	s19 =	sld [smem:$0x3FDB];
	_ =	sdelay $0x1  }
0x99: {  	s4 =	simm.s32 $_scs_section_size  }
0x9a: {  	s5 =	simm.s32 $_size__tile_overlayer_lowered;
	s6 =	simm.s32 $_tile_overlayer_lowered  }
0x9b: {  	s22 =	simm.s32 $0x1BFF;
	s21 =	sshll.u32 s6, $0x1;
	s3 =	sadd.s32 s4, s19  }
0x9c: {  	s7 =	simm.s32 $0x0;
	s20 =	sshll.u32 s5, $0x1;
	s5 =	sadd.s32 s21, s3  }
0x9d: {  	[timem:s7], [sflag:s22] =	dma.local [hbm:s5], s20  }
0x9e: {  	_ =	swait.ge [sflag:s22], s20  }
0x9f: {  	s4 =	ssub.s32 $0x0, s20;
	[sflag:s22] =	ssyncset.done $0x0  }
0xa0: {  	[sflag:s22] =	ssyncadd.s32 s4;
	_ =	sdelay $0x1  }
0xa1: {  	s23 =	simm.s32 $0x1B8B  }
0xa2: {  	_ =	swait.ge [sflag:s23], $0x1  }
0xa3: {  	[sflag:s23] =	ssyncset.done $0x0  }
0xa4: {  	s25 =	simm.s32 $0x1B8E;
	s24 =	sld [smem:$0x3FFE];
	[sflag:s23] =	ssyncadd.s32 $0xFFFFFFFF  }
0xa5: {  	s26 =	simm.s32 $execute0_lowered;
	[smem:$0x3FD2] =	sst s25  }
0xa6: {  	s5 =	sshll.u32 s26, $0x1;
	_ =	strace $0x80000046;
	[dreg:$0x1] =	wrdreg $0xFFFFFFFF  }
0xa7: {  	s28 =	simm.s32 $_size_execute0_lowered;
	s3 =	sadd.s32 s3, s5;
	[dreg:$0x0] =	wrdreg $0x0  }
0xa8: {  	s5 =	sshll.u32 s28, $0x1;
	[dreg:$0x2] =	wrdreg s3  }
0xa9: {  	[dreg:$0x3] =	wrdreg s5  }
0xaa: {  	[dreg:$0x4] =	wrdreg $0xC0  }
0xab: {  	_ =	task [dreg:s7], $0x5FFFF  }
0xac: {  	[dreg:$0x1] =	wrdreg $0xFFFFFFFF  }
0xad: {  	[dreg:$0x0] =	wrdreg $0x60  }
0xae: {  	[dreg:$0x2] =	wrdreg s24  }
0xaf: {  	[dreg:$0x3] =	wrdreg s2  }
0xb0: {  	[dreg:$0x4] =	wrdreg $0x1C0800  }
0xb1: {  	[dreg:$0x5] =	wrdreg $0x1BE000  }
0xb2: {  	[dreg:$0x6] =	wrdreg $0x9  }
0xb3: {  	_ =	task.clear_ibuf [dreg:s7], $0x7FFFF;
	_ =	strace $0x90000046  }
0xb4: {  	s29 =	simm.s32 $0x9;
	_ =	strace $0x80000048  }
0xb5: {  	_ =	swait.ge [sflag:s29], $0x1  }
0xb6: {  	[sflag:s29] =	ssyncadd.s32 $0xFFFFFFFF  }
0xb7: {  	_ =	strace $0x90000048  }
0xb8: {  	_ =	sfence  }
0xb9: {  	s30 =	sld [smem:$0x0];
	_ =	sdelay $0x2  }
0xba: {  	s31 =	sshll.u32 s1, $0xD;
	s1 =	sshrl.u32 s1, $0x2  }
0xbb: {  	s3 =	sand.u32 $0x4000, s31;
	s1 =	sadd.s32 s1, s30  }
0xbc: {  	s0 =	sor.u32 s3, s0;
	s1 =	sshll.u32 s1, $0x11  }
0xbd: {  	s0 =	sor.u32 s1, s0  }
0xbe: {  	s0 =	sadd.s32 $0x8F2B, s0  }
0xbf: {  	[sflag:s0] =	ssyncadd.remote.s32 $0x1  }
0xc0: {  	_ =	sfence.sel $0xFFFF  }
0xc1: {  	[dreg:$0x0] =	wrdreg $0xFFFFFFFF;
	(pc) =	sbr.abs _section_cstart, $3  }
0xc2: {  	[dreg:$0x1] =	wrdreg $0xFFFFFFFF  }
0xc3: {  	_ =	task.clear_ibuf [dreg:s7], $0x2FFFF;
	_ =	strace $0x9FFFFFFF  }
0xc4: {  	(tm) =	ssettm $0x7FFFFFFF  }
0xc5: {  	_ =	shalt  }
tec
execute0_lowered:
.L_overlay_start_1:
0x0: {  	(tag) =	ssettag $0x1  }
0x1: {  	s0 =	rddreg [dreg:$0x0]  }
0x2: {  	s1 =	rddreg [dreg:$0x2]  }
0x3: {  	s3 =	rddreg [dreg:$0x3];
	s10 =	stileid.u32  }
0x4: {  	s4 =	simm.s32 $0x0;
	s6 =	srdreg.scid;
	s13 =	simm.s32 $0x2  }
0x5: {  	s17 =	simm.s32 $0x16100;
	s18 =	simm.s32 $0x80;
	s19 =	simm.s32 $0x400  }
0x6: {  	s28 =	simm.s32 $0x0;
	s2 =	smul.u32 $0x9C40, s10;
	[smem:$0x7FF] =	sst s4  }
0x7: {  	s5 =	smul.u32 $0x280, s10;
	s6 =	sand.u32 $0x1, s6;
	s9 =	sshrl.u32 s10, $0x3  }
0x8: {  	s22 =	sshll.u32 s10, $0x7;
	s24 =	smul.u32 $0x5000, s10;
	_ =	strace $0x80000047  }
0x9: {  	s8 =	ssub.s32 $0x2, s6;
	s9 =	smul.u32 $0x50000, s9;
	s29 =	sshll.u32 s6, $0x1  }
0xa: {  	p0 =	seq.s32 s6, $0x1;
	s6 =	simm.s32 $0x29400;
	s2 =	sshrl.u32 s2, $0x3  }
0xb: {  	s7 =	sshrl.u32 s5, $0x3;
	s20 =	sshrl.u32 s8, $0x1;
	s26 =	sshrl.u32 s24, $0x2  }
0xc: {  	s12 =	scvt.s32.f32 s29;
	s10 =	sadd.s32 s5, s3;
	s6 =	simm.s32 @!p0 $0x28E00  }
0xd: {  	s24 =	simm.s32 $0x13900;
	s2 =	sadd.s32 s2, s0;
	s0 =	sadd.s32 s7, s0  }
0xe: {  	s11 =	ssub.s32 s8, s20;
	s23 =	sshrl.u32 s9, $0x2;
	s9 =	sadd.s32 s26, s1  }
0xf: {  	s20 =	simm.s32 $0x1400;
	s21 =	sadd.s32 $0x1600, s2;
	s30 =	ssub.f32 $1.000000000e+00, s12  }
0x10: {  	s2 =	sadd.s32 $0x14E80, s2;
	s25 =	sadd.s32 $0x28800, s0;
	[dreg:$0x5] =	wrdreg s21  }
0x11: {  	s8 =	sadd.s32 s23, s1;
	s31 =	smax.u32 s11, $0x1;
	[dreg:$0x6] =	wrdreg s2  }
0x12: {  	s12 =	sadd.s32 s6, s0;
	s23 =	simm.s32 $0x1BB00;
	[dreg:$0x7] =	wrdreg s25  }
0x13: {  	v1 =	vimm.f32 $0.0e+00;
	v2 =	vimm.f32 $1.000000000e+00;
	s2 =	sand.u32 $0x380, s22;
	[dreg:$0x8] =	wrdreg s31;
	s21 =	simm.s32 $0x14000  }
0x14: {  	vm0 =	vcmask $0x272C;
	v3 =	vlaneseq.u32;
	s22 =	simm.s32 $0x18B80;
	s25 =	simm.s32 $0x1;
	s8 =	sadd.s32 s2, s8;
	v0 =	vmov s30  }
.LBB2_1:
0x15: {  	s0 =	rddreg [dreg:$0x5]  }
0x16: {  	[tilespmem:s4], [sflag:$0x2] =	stream.linear.gather [hbm4b:s0+s4], $0x9C40, $0x38;
	[tilespmem:$0x1E880] =	vst v63  }
0x17: {  	_ =	swait.ge [sflag:s13], $0x9C40  }
0x18: {  	[sflag:s13] =	ssyncset.done $0x0  }
0x19: {  	s1 =	simm.s32 $0x9C80;
	s31 =	rddreg [dreg:$0x6];
	[sflag:s13] =	ssyncadd.s32 $0xFFFF63C0  }
0x1a: {  	[tilespmem:s1], [sflag:$0x2] =	stream.linear.gather [hbm4b:s31+s4], $0x9C40, $0x38;
	[tilespmem:$0x1E880] =	vst v63  }
0x1b: {  	_ =	swait.ge [sflag:s13], $0x9C40  }
0x1c: {  	[sflag:s13] =	ssyncset.done $0x0  }
0x1d: {  	s0 =	simm.s32 $0x40;
	[sflag:s13] =	ssyncadd.s32 $0xFFFF63C0  }
0x1e: {  	s1 =	simm.s32 $0x9CC0;
	v4 =	vld [tilespmem:s0+$0x30]  }
0x1f: {  	v5 =	vld [tilespmem:s1+$0x30]  }
0x20: {  	v6 =	vld [tilespmem:s0+$0xFFFFFFD0]  }
0x21: {  	v7 =	vld [tilespmem:s0+$0xFFFFFFE0]  }
0x22: {  	v12 =	vld [tilespmem:s0+$0xFFFFFFF0]  }
0x23: {  	v13 =	vld [tilespmem:s0+$0x0]  }
0x24: {  	v14 =	vld [tilespmem:s0+$0x10]  }
0x25: {  	v15 =	vld [tilespmem:s0+$0x20]  }
0x26: {  	v10 =	vld [tilespmem:s0+$0xFFFFFFC0]  }
0x27: {  	v16 =	vld [tilespmem:s1+$0xFFFFFFC0]  }
0x28: {  	v17 =	vld [tilespmem:s1+$0xFFFFFFD0]  }
0x29: {  	v11 =	vld [tilespmem:s1+$0xFFFFFFE0]  }
0x2a: {  	v9 =	vld [tilespmem:s1+$0xFFFFFFF0];
	v4 =	vshll.u32 v4, $0xE;
	v18 =	vshll.u32 v6, $0xE  }
0x2b: {  	v8 =	vshll.u32 v7, $0xE;
	v6 =	vshll.u32 v10, $0xE;
	v10 =	vld [tilespmem:s1+$0x0];
	v4 =	vadd.s32 v5, v4  }
0x2c: {  	v7 =	vshll.u32 v12, $0xE;
	v12 =	vld [tilespmem:s1+$0x10];
	v5 =	vshll.u32 v13, $0xE;
	v13 =	vadd.s32 v16, v6;
	[tilespmem:s0+$0x30] =	vst v4  }
0x2d: {  	s2 =	simm.s32 $0x0;
	s14 =	simm.s32 $0xC0;
	v6 =	vshll.u32 v14, $0xE;
	v14 =	vadd.s32 v17, v18;
	v4 =	vshll.u32 v15, $0xE;
	[tilespmem:s0+$0xFFFFFFC0] =	vst v13;
	v13 =	vld [tilespmem:s1+$0x20]  }
.LBB2_2:
0x2e: {  	v15 =	vld [tilespmem:s14+$0x30];
	s2 =	sadd.s32 $0x8, s2;
	[tilespmem:s0+$0xFFFFFFD0] =	vst v14;
	v8 =	vadd.s32 v11, v8;
	s1 =	sadd.s32 $0x80, s1  }
0x2f: {  	v11 =	vld [tilespmem:s1+$0x30];
	p0 =	slt.u32 s2, $0x9B8;
	[tilespmem:s0+$0xFFFFFFE0] =	vst v8;
	v7 =	vadd.s32 v9, v7  }
0x30: {  	v8 =	vld [tilespmem:s14+$0xFFFFFFD0];
	[tilespmem:s0+$0xFFFFFFF0] =	vst v7;
	v5 =	vadd.s32 v10, v5  }
0x31: {  	v7 =	vld [tilespmem:s14+$0xFFFFFFE0];
	[tilespmem:s0+$0x0] =	vst v5;
	v5 =	vadd.s32 v12, v6  }
0x32: {  	v6 =	vld [tilespmem:s14+$0xFFFFFFF0];
	[tilespmem:s0+$0x10] =	vst v5;
	v4 =	vadd.s32 v13, v4  }
0x33: {  	v5 =	vld [tilespmem:s14+$0x0];
	v9 =	vshll.u32 v15, $0xE;
	[tilespmem:s0+$0x20] =	vst v4;
	s0 =	smov.u32 s14  }
0x34: {  	v4 =	vld [tilespmem:s14+$0x10];
	v9 =	vadd.s32 v11, v9  }
0x35: {  	s15 =	simm.s32 $0x0;
	v13 =	vshll.u32 v8, $0xE;
	v10 =	vld [tilespmem:s14+$0x20];
	[tilespmem:s14+$0x30] =	vst v9  }
0x36: {  	v12 =	vld [tilespmem:s14+$0xFFFFFFC0];
	v8 =	vshll.u32 v7, $0xE  }
0x37: {  	v14 =	vld [tilespmem:s1+$0xFFFFFFC0];
	v7 =	vshll.u32 v6, $0xE  }
0x38: {  	v15 =	vld [tilespmem:s1+$0xFFFFFFD0];
	v5 =	vshll.u32 v5, $0xE  }
.Ltmp0:
0x39: {  	v11 =	vld [tilespmem:s1+$0xFFFFFFE0];
	v6 =	vshll.u32 v4, $0xE;
	(pc) =	sbr.rel @p0 .LBB2_2-.Ltmp0, $4  }
0x3a: {  	v9 =	vld [tilespmem:s1+$0xFFFFFFF0];
	v4 =	vshll.u32 v10, $0xE  }
0x3b: {  	v12 =	vshll.u32 v12, $0xE;
	v10 =	vld [tilespmem:s1+$0x0]  }
0x3c: {  	v14 =	vadd.s32 v14, v12;
	v12 =	vld [tilespmem:s1+$0x10]  }
0x3d: {  	s14 =	sadd.s32 $0x80, s14;
	[tilespmem:s0+$0xFFFFFFC0] =	vst v14;
	v14 =	vadd.s32 v15, v13;
	v13 =	vld [tilespmem:s1+$0x20]  }
0x3e: {  	[tilespmem:s0+$0xFFFFFFD0] =	vst v14;
	v8 =	vadd.s32 v11, v8  }
0x3f: {  	[tilespmem:s0+$0xFFFFFFE0] =	vst v8;
	v7 =	vadd.s32 v9, v7  }
0x40: {  	[tilespmem:s0+$0xFFFFFFF0] =	vst v7;
	v5 =	vadd.s32 v10, v5  }
0x41: {  	[tilespmem:s0+$0x0] =	vst v5;
	v5 =	vadd.s32 v12, v6  }
0x42: {  	[tilespmem:s0+$0x10] =	vst v5;
	v4 =	vadd.s32 v13, v4  }
0x43: {  	[tilespmem:s0+$0x20] =	vst v4  }
.LBB2_4:
0x44: {  	s0 =	sshra.s32 s15, $0x2  }
0x45: {  	v4 =	vld [tilespmem:s0+$0x9C00]  }
0x46: {  	v5 =	vld [tilespmem:s0+$0x13880]  }
0x47: {  	p0 =	sne.s32 s15, $0xC0  }
.Ltmp1:
0x48: {  	_ = 	snop;
	(pc) =	sbr.rel @p0 .LBB2_4-.Ltmp1, $4  }
0x49: {  	_ = 	snop  }
0x4a: {  	v4 =	vshll.u32 v4, $0xE  }
0x4b: {  	v4 =	vadd.s32 v5, v4  }
0x4c: {  	s15 =	sadd.s32 $0x40, s15;
	[tilespmem:s0+$0x9C00] =	vst v4  }
0x4d: {  	s0 =	rddreg [dreg:$0x1];
	s1 =	simm.s32 $0x1BD80  }
0x4e: {  	[tilespmem:s1], [sflag:$0x2] =	stream.linear.gather [hbm4b:s0+s4], $0x80, $0x38;
	[tilespmem:$0x1E880] =	vst v63  }
0x4f: {  	_ =	swait.ge [sflag:s13], $0x80  }
0x50: {  	[sflag:s13] =	ssyncset.done $0x0  }
0x51: {  	s31 =	simm.s32 $0x18900;
	s30 =	rddreg [dreg:$0x7];
	[sflag:s13] =	ssyncadd.s32 $0xFFFFFF80  }
0x52: {  	[tilespmem:s31], [sflag:$0x2] =	stream.linear.gather [hbm4b:s30+s4], $0x280, $0x38;
	[tilespmem:$0x1E880] =	vst v63  }
0x53: {  	_ =	swait.ge [sflag:s13], $0x280  }
0x54: {  	[sflag:s13] =	ssyncset.done $0x0  }
0x55: {  	s1 =	simm.s32 $0x16140;
	[sflag:s13] =	ssyncadd.s32 $0xFFFFFD80  }
0x56: {  	[tilespmem:s1+$0xFFFFFFC0] =	vst v1  }
0x57: {  	[tilespmem:s1+$0x30] =	vst v1  }
0x58: {  	[tilespmem:s1+$0x20] =	vst v1  }
0x59: {  	[tilespmem:s1+$0x10] =	vst v1  }
0x5a: {  	[tilespmem:s1+$0x0] =	vst v1  }
0x5b: {  	[tilespmem:s1+$0xFFFFFFF0] =	vst v1  }
0x5c: {  	s2 =	simm.s32 $0x0;
	[tilespmem:s1+$0xFFFFFFE0] =	vst v1  }
.LBB2_6:
0x5d: {  	s2 =	sadd.s32 $0x8, s2;
	[tilespmem:s1+$0xFFFFFFD0] =	vst v1;
	s1 =	sadd.s32 $0x80, s1  }
0x5e: {  	[tilespmem:s1+$0xFFFFFFC0] =	vst v1;
	p0 =	slt.u32 s2, $0x278  }
0x5f: {  	[tilespmem:s1+$0x30] =	vst v1  }
.Ltmp2:
0x60: {  	[tilespmem:s1+$0x20] =	vst v1;
	(pc) =	sbr.rel @p0 .LBB2_6-.Ltmp2, $4  }
0x61: {  	[tilespmem:s1+$0x10] =	vst v1  }
0x62: {  	[tilespmem:s1+$0x0] =	vst v1  }
0x63: {  	[tilespmem:s1+$0xFFFFFFF0] =	vst v1  }
0x64: {  	s0 =	simm.s32 $0x80;
	[tilespmem:s1+$0xFFFFFFE0] =	vst v1  }
0x65: {  	[tilespmem:s1+$0xFFFFFFD0] =	vst v1  }
0x66: {  	v4 =	vld [tilespmem:s0+$0x10]  }
0x67: {  	v5 =	vld [tilespmem:s0+$0x0]  }
0x68: {  	v6 =	vld [tilespmem:s0+$0xFFFFFF80]  }
0x69: {  	v7 =	vld [tilespmem:s0+$0x70]  }
0x6a: {  	v8 =	vld [tilespmem:s0+$0xFFFFFFA0]  }
0x6b: {  	v9 =	vld [tilespmem:s0+$0xFFFFFFB0]  }
0x6c: {  	v10 =	vld [tilespmem:s0+$0xFFFFFFC0]  }
0x6d: {  	v12 =	vld [tilespmem:s0+$0x50]  }
0x6e: {  	v13 =	vld [tilespmem:s0+$0x40];
	v6 =	vand.u32 $0x3FFF, v6  }
0x6f: {  	v11 =	vld [tilespmem:s0+$0x60];
	v7 =	vand.u32 $0x3FFF, v7  }
0x70: {  	v14 =	vld [tilespmem:s0+$0x30]  }
0x71: {  	v15 =	vld [tilespmem:s0+$0x20]  }
0x72: {  	v16 =	vld [tilespmem:s0+$0xFFFFFFD0];
	v59 =	vand.u32 $0x3FFF, v12  }
0x73: {  	v60 =	vand.u32 $0x3FFF, v13;
	[tilespmem:v6+s17+$0x0] =	vst.idx.add.f32.msk $0xffff, v2  }
0x74: {  	v6 =	vand.u32 $0x3FFF, v11;
	[tilespmem:v7+s17+$0x0] =	vst.idx.add.f32.msk $0xffff, v2  }
0x75: {  	v7 =	vld [tilespmem:s0+$0xFFFFFFF0]  }
0x76: {  	v61 =	vld [tilespmem:s0+$0xFFFFFFE0];
	v4 =	vand.u32 $0x3FFF, v4  }
0x77: {  	v15 =	vand.u32 $0x3FFF, v15;
	[tilespmem:v59+s17+$0x0] =	vst.idx.add.f32.msk $0xffff, v2  }
0x78: {  	v5 =	vand.u32 $0x3FFF, v5;
	[tilespmem:v60+s17+$0x0] =	vst.idx.add.f32.msk $0xffff, v2  }
0x79: {  	v62 =	vand.u32 $0x3FFF, v14;
	[tilespmem:v6+s17+$0x0] =	vst.idx.add.f32.msk $0xffff, v2  }
0x7a: {  	v63 =	vand.u32 $0x3FFF, v16;
	v6 =	vand.u32 $0x3FFF, v7;
	v7 =	vld [tilespmem:s0+$0xFFFFFF90]  }
0x7b: {  	[tilespmem:v4+s17+$0x0] =	vst.idx.add.f32.msk $0xffff, v2;
	v4 =	vand.u32 $0x3FFF, v9  }
0x7c: {  	v10 =	vand.u32 $0x3FFF, v10;
	[tilespmem:v15+s17+$0x0] =	vst.idx.add.f32.msk $0xffff, v2  }
0x7d: {  	v8 =	vand.u32 $0x3FFF, v8;
	[tilespmem:v5+s17+$0x0] =	vst.idx.add.f32.msk $0xffff, v2  }
0x7e: {  	[tilespmem:v62+s17+$0x0] =	vst.idx.add.f32.msk $0xffff, v2  }
0x7f: {  	[tilespmem:v63+s17+$0x0] =	vst.idx.add.f32.msk $0xffff, v2;
	v5 =	vand.u32 $0x3FFF, v7  }
0x80: {  	[tilespmem:v4+s17+$0x0] =	vst.idx.add.f32.msk $0xffff, v2;
	v4 =	vand.u32 $0x3FFF, v61  }
0x81: {  	[tilespmem:v10+s17+$0x0] =	vst.idx.add.f32.msk $0xffff, v2  }
0x82: {  	[tilespmem:v8+s17+$0x0] =	vst.idx.add.f32.msk $0xffff, v2  }
0x83: {  	s1 =	simm.s32 $0x0;
	[tilespmem:v6+s17+$0x0] =	vst.idx.add.f32.msk $0xffff, v2  }
.LBB2_8:
0x84: {  	s1 =	sadd.s32 $0x10, s1;
	[tilespmem:v5+s17+$0x0] =	vst.idx.add.f32.msk $0xffff, v2;
	s0 =	sadd.s32 $0x100, s0  }
0x85: {  	p0 =	slt.u32 s1, $0x9B0;
	[tilespmem:v4+s17+$0x0] =	vst.idx.add.f32.msk $0xffff, v2  }
0x86: {  	v4 =	vld [tilespmem:s0+$0x10]  }
0x87: {  	v5 =	vld [tilespmem:s0+$0x0]  }
0x88: {  	v6 =	vld [tilespmem:s0+$0xFFFFFF80]  }
0x89: {  	v7 =	vld [tilespmem:s0+$0x70]  }
0x8a: {  	v8 =	vld [tilespmem:s0+$0xFFFFFFA0]  }
0x8b: {  	v9 =	vld [tilespmem:s0+$0xFFFFFFB0]  }
0x8c: {  	v10 =	vld [tilespmem:s0+$0xFFFFFFC0]  }
0x8d: {  	v6 =	vand.u32 $0x3FFF, v6;
	v11 =	vld [tilespmem:s0+$0x60]  }
0x8e: {  	v12 =	vld [tilespmem:s0+$0x50];
	v7 =	vand.u32 $0x3FFF, v7  }
0x8f: {  	v13 =	vld [tilespmem:s0+$0x40]  }
0x90: {  	v14 =	vld [tilespmem:s0+$0x30]  }
0x91: {  	v15 =	vld [tilespmem:s0+$0x20]  }
0x92: {  	[tilespmem:v6+s17+$0x0] =	vst.idx.add.f32.msk $0xffff, v2;
	v6 =	vand.u32 $0x3FFF, v11  }
0x93: {  	v11 =	vand.u32 $0x3FFF, v12;
	[tilespmem:v7+s17+$0x0] =	vst.idx.add.f32.msk $0xffff, v2  }
0x94: {  	v7 =	vld [tilespmem:s0+$0xFFFFFFF0];
	v12 =	vand.u32 $0x3FFF, v13  }
0x95: {  	v13 =	vld [tilespmem:s0+$0xFFFFFFE0]  }
0x96: {  	v16 =	vld [tilespmem:s0+$0xFFFFFFD0];
	v15 =	vand.u32 $0x3FFF, v15  }
0x97: {  	v17 =	vand.u32 $0x3FFF, v4;
	[tilespmem:v6+s17+$0x0] =	vst.idx.add.f32.msk $0xffff, v2  }
0x98: {  	v5 =	vand.u32 $0x3FFF, v5;
	[tilespmem:v11+s17+$0x0] =	vst.idx.add.f32.msk $0xffff, v2  }
0x99: {  	v6 =	vand.u32 $0x3FFF, v7;
	[tilespmem:v12+s17+$0x0] =	vst.idx.add.f32.msk $0xffff, v2  }
0x9a: {  	v11 =	vand.u32 $0x3FFF, v14;
	v7 =	vld [tilespmem:s0+$0xFFFFFF90];
	v4 =	vand.u32 $0x3FFF, v13  }
0x9b: {  	v12 =	vand.u32 $0x3FFF, v16;
	[tilespmem:v15+s17+$0x0] =	vst.idx.add.f32.msk $0xffff, v2  }
0x9c: {  	v10 =	vand.u32 $0x3FFF, v10;
	[tilespmem:v17+s17+$0x0] =	vst.idx.add.f32.msk $0xffff, v2  }
0x9d: {  	v9 =	vand.u32 $0x3FFF, v9;
	[tilespmem:v5+s17+$0x0] =	vst.idx.add.f32.msk $0xffff, v2  }
0x9e: {  	v8 =	vand.u32 $0x3FFF, v8;
	[tilespmem:v6+s17+$0x0] =	vst.idx.add.f32.msk $0xffff, v2  }
.Ltmp3:
0x9f: {  	v5 =	vand.u32 $0x3FFF, v7;
	[tilespmem:v11+s17+$0x0] =	vst.idx.add.f32.msk $0xffff, v2;
	(pc) =	sbr.rel @p0 .LBB2_8-.Ltmp3, $4  }
0xa0: {  	[tilespmem:v12+s17+$0x0] =	vst.idx.add.f32.msk $0xffff, v2  }
0xa1: {  	[tilespmem:v10+s17+$0x0] =	vst.idx.add.f32.msk $0xffff, v2  }
0xa2: {  	[tilespmem:v9+s17+$0x0] =	vst.idx.add.f32.msk $0xffff, v2  }
0xa3: {  	[tilespmem:v8+s17+$0x0] =	vst.idx.add.f32.msk $0xffff, v2  }
0xa4: {  	_ =	sdelay $0x3  }
0xa5: {  	[tilespmem:v5+s17+$0x0] =	vst.idx.add.f32.msk $0xffff, v2  }
0xa6: {  	s0 =	simm.s32 $0x0;
	[tilespmem:v4+s17+$0x0] =	vst.idx.add.f32.msk $0xffff, v2  }
.LBB2_10:
0xa7: {  	s1 =	sshra.s32 s0, $0x2  }
0xa8: {  	v4 =	vld [tilespmem:s1+$0x9C00];
	_ =	sdelay $0x4  }
0xa9: {  	p0 =	sne.s32 s0, $0xC0;
	v4 =	vand.u32 $0x3FFF, v4  }
.Ltmp4:
0xaa: {  	_ = 	snop;
	(pc) =	sbr.rel @p0 .LBB2_10-.Ltmp4, $2  }
0xab: {  	_ =	sdelay $0x2  }
0xac: {  	s0 =	sadd.s32 $0x40, s0;
	[tilespmem:v4+s17+$0x0] =	vst.idx.add.f32.msk $0xffff, v2  }
0xad: {  	[spmem:s8] =	stream.strided.scatter [tilespmem:s17], [sflag:$0x2], $0x2800, s19, s18, $0x38;
	[tilespmem:$0x1E880] =	vst v63  }
0xae: {  	_ =	swait.ge [sflag:s13], $0x2800  }
0xaf: {  	[sflag:s13] =	ssyncset.done $0x0  }
0xb0: {  	[sflag:s13] =	ssyncadd.s32 $0xFFFFD800  }
0xb1: {  	s2 =	simm.s32 $0x0;
	[bflag:$0x0] =	sbarrier.arrive $0xFFFF  }
0xb2: {  	[tilespmem:s22], [sflag:$0x2] =	stream.strided.gather [spmem:s9], $0x2800, s21, s20, $0x38;
	[tilespmem:$0x1E880] =	vst v63  }
0xb3: {  	s1 =	sand.u32 $0x60, s2;
	s0 =	sand.u32 $0x1C00, s2;
	_ =	swait.ge [sflag:s13], $0x2800  }
0xb4: {  	s5 =	sadd.s32 $0x18B80, s0;
	s31 =	sor.u32 $0x10, s1;
	[sflag:s13] =	ssyncset.done $0x0  }
0xb5: {  	s6 =	sor.u32 s31, s5;
	[sflag:s13] =	ssyncadd.s32 $0xFFFFD800  }
0xb6: {  	v4 =	vld [tilespmem:s6+$0x0]  }
0xb7: {  	s5 =	sor.u32 s1, s5;
	v5 =	vld [tilespmem:s6+$0x80]  }
0xb8: {  	v6 =	vld [tilespmem:s5+$0x0]  }
0xb9: {  	v7 =	vld [tilespmem:s6+$0x100]  }
0xba: {  	v8 =	vld [tilespmem:s5+$0x80]  }
0xbb: {  	v9 =	vld [tilespmem:s6+$0x180]  }
0xbc: {  	v10 =	vld [tilespmem:s5+$0x100]  }
0xbd: {  	v11 =	vld [tilespmem:s6+$0x200]  }
0xbe: {  	v12 =	vld [tilespmem:s5+$0x180]  }
0xbf: {  	v13 =	vld [tilespmem:s6+$0x280]  }
0xc0: {  	v14 =	vld [tilespmem:s5+$0x200]  }
0xc1: {  	v15 =	vld [tilespmem:s6+$0x300]  }
0xc2: {  	v16 =	vld [tilespmem:s5+$0x280]  }
0xc3: {  	s14 =	sadd.s32 $0x19F80, s0;
	v17 =	vld [tilespmem:s6+$0x380]  }
0xc4: {  	s11 =	sor.u32 s31, s14;
	v18 =	vld [tilespmem:s5+$0x300]  }
0xc5: {  	s15 =	sor.u32 $0x1A000, s0;
	v19 =	vld [tilespmem:s11+$0x0]  }
0xc6: {  	s16 =	sor.u32 s31, s15;
	v20 =	vld [tilespmem:s5+$0x380]  }
0xc7: {  	s7 =	sor.u32 $0x1A080, s0;
	s26 =	sor.u32 s1, s14;
	v21 =	vld [tilespmem:s16+$0x0]  }
0xc8: {  	v22 =	vld [tilespmem:s26+$0x0];
	s11 =	sor.u32 s31, s7  }
0xc9: {  	s16 =	sor.u32 s1, s15;
	v23 =	vld [tilespmem:s11+$0x0]  }
0xca: {  	s26 =	sor.u32 $0x1A100, s0;
	s7 =	sor.u32 s1, s7;
	v24 =	vld [tilespmem:s16+$0x0]  }
0xcb: {  	s14 =	sor.u32 $0x1A180, s0;
	s6 =	sor.u32 s31, s26;
	v26 =	vld [tilespmem:s7+$0x0]  }
0xcc: {  	s11 =	sor.u32 s31, s14;
	v25 =	vld [tilespmem:s6+$0x0]  }
0xcd: {  	s16 =	sor.u32 s1, s26;
	s26 =	sor.u32 $0x1A200, s0;
	v27 =	vld [tilespmem:s11+$0x0]  }
0xce: {  	v28 =	vld [tilespmem:s16+$0x0];
	s7 =	sor.u32 s31, s26  }
0xcf: {  	s11 =	sor.u32 s1, s14;
	v29 =	vld [tilespmem:s7+$0x0]  }
0xd0: {  	s14 =	sor.u32 $0x1A280, s0;
	s26 =	sor.u32 s1, s26;
	v30 =	vld [tilespmem:s11+$0x0]  }
0xd1: {  	s16 =	sor.u32 s31, s14;
	s7 =	sor.u32 $0x1A300, s0;
	v32 =	vld [tilespmem:s26+$0x0]  }
0xd2: {  	s29 =	simm.s32 $0x20;
	s26 =	simm.s32 $0x100;
	v31 =	vld [tilespmem:s16+$0x0];
	s11 =	sor.u32 s31, s7;
	v4 =	vadd.f32 v5, v4  }
0xd3: {  	s0 =	sand.u32 $0x60, s29;
	s16 =	sor.u32 s1, s14;
	s14 =	sand.u32 $0x1C00, s26;
	v5 =	vadd.f32 v8, v6;
	v6 =	vld [tilespmem:s11+$0x0]  }
0xd4: {  	s1 =	sor.u32 s1, s7;
	s30 =	sor.u32 $0x10, s0;
	s6 =	sadd.s32 $0x18B80, s14;
	v8 =	vld [tilespmem:s16+$0x0];
	v4 =	vadd.f32 v7, v4  }
0xd5: {  	s7 =	sor.u32 s30, s6;
	v5 =	vadd.f32 v10, v5;
	v7 =	vld [tilespmem:s1+$0x0]  }
0xd6: {  	v10 =	vld [tilespmem:s7+$0x0];
	v4 =	vadd.f32 v9, v4  }
0xd7: {  	s11 =	sor.u32 s0, s6;
	v5 =	vadd.f32 v12, v5;
	v9 =	vld [tilespmem:s7+$0x80]  }
0xd8: {  	v45 =	vld [tilespmem:s11+$0x0];
	v4 =	vadd.f32 v11, v4  }
0xd9: {  	v5 =	vadd.f32 v14, v5;
	v11 =	vld [tilespmem:s7+$0x100]  }
0xda: {  	v46 =	vld [tilespmem:s11+$0x80];
	v4 =	vadd.f32 v13, v4  }
0xdb: {  	v47 =	vld [tilespmem:s7+$0x180];
	v5 =	vadd.f32 v16, v5  }
0xdc: {  	v9 =	vadd.f32 v9, v10;
	v10 =	vld [tilespmem:s11+$0x100];
	v4 =	vadd.f32 v15, v4  }
0xdd: {  	v48 =	vld [tilespmem:s7+$0x200];
	v5 =	vadd.f32 v18, v5  }
0xde: {  	v9 =	vadd.f32 v11, v9;
	v11 =	vld [tilespmem:s11+$0x180];
	v4 =	vadd.f32 v17, v4  }
0xdf: {  	v49 =	vld [tilespmem:s7+$0x280];
	v12 =	vadd.f32 v46, v45;
	v5 =	vadd.f32 v20, v5  }
0xe0: {  	v50 =	vld [tilespmem:s11+$0x200];
	v9 =	vadd.f32 v47, v9;
	v4 =	vadd.f32 v19, v4  }
0xe1: {  	v51 =	vld [tilespmem:s7+$0x300];
	v5 =	vadd.f32 v22, v5;
	v10 =	vadd.f32 v10, v12  }
0xe2: {  	v52 =	vld [tilespmem:s11+$0x280];
	v9 =	vadd.f32 v48, v9;
	v4 =	vadd.f32 v21, v4  }
0xe3: {  	s15 =	sadd.s32 $0x19F80, s14;
	v53 =	vld [tilespmem:s7+$0x380];
	v5 =	vadd.f32 v24, v5;
	v10 =	vadd.f32 v11, v10  }
0xe4: {  	s16 =	sor.u32 s30, s15;
	v11 =	vld [tilespmem:s11+$0x300];
	v9 =	vadd.f32 v49, v9;
	v4 =	vadd.f32 v23, v4  }
0xe5: {  	s26 =	sor.u32 $0x1A000, s14;
	v54 =	vld [tilespmem:s16+$0x0];
	v5 =	vadd.f32 v26, v5;
	v10 =	vadd.f32 v50, v10  }
0xe6: {  	v55 =	vld [tilespmem:s11+$0x380];
	s7 =	sor.u32 s30, s26;
	v9 =	vadd.f32 v51, v9;
	v4 =	vadd.f32 v25, v4  }
0xe7: {  	s5 =	sor.u32 s0, s15;
	s6 =	sor.u32 $0x1A080, s14;
	v56 =	vld [tilespmem:s7+$0x0];
	v5 =	vadd.f32 v28, v5;
	v10 =	vadd.f32 v52, v10  }
0xe8: {  	v57 =	vld [tilespmem:s5+$0x0];
	s11 =	sor.u32 s30, s6;
	v9 =	vadd.f32 v53, v9;
	v4 =	vadd.f32 v27, v4  }
0xe9: {  	s16 =	sor.u32 s0, s26;
	s26 =	sor.u32 $0x1A100, s14;
	v58 =	vld [tilespmem:s11+$0x0];
	v5 =	vadd.f32 v30, v5;
	v10 =	vadd.f32 v11, v10  }
0xea: {  	s7 =	sor.u32 s30, s26;
	v11 =	vld [tilespmem:s16+$0x0];
	v9 =	vadd.f32 v54, v9;
	v4 =	vadd.f32 v29, v4  }
0xeb: {  	v59 =	vld [tilespmem:s7+$0x0];
	s11 =	sor.u32 s0, s6;
	s6 =	sor.u32 $0x1A180, s14;
	v5 =	vadd.f32 v32, v5;
	v10 =	vadd.f32 v55, v10  }
0xec: {  	v60 =	vld [tilespmem:s11+$0x0];
	s16 =	sor.u32 s30, s6;
	v9 =	vadd.f32 v56, v9;
	v61 =	vadd.f32 v31, v4  }
0xed: {  	s15 =	sor.u32 $0x1A200, s14;
	s26 =	sor.u32 s0, s26;
	v62 =	vld [tilespmem:s16+$0x0];
	v5 =	vadd.f32 v8, v5;
	v8 =	vadd.f32 v57, v10  }
0xee: {  	s1 =	simm.s32 $0x1B880;
	s7 =	sor.u32 s30, s15;
	v4 =	vld [tilespmem:s26+$0x0];
	v9 =	vadd.f32 v58, v9;
	v10 =	vadd.f32 v6, v61  }
0xef: {  	s11 =	sand.u32 $0x380, s2;
	s6 =	sor.u32 s0, s6;
	s26 =	sor.u32 $0x1A280, s14;
	v63 =	vadd.f32 v7, v5;
	v5 =	vld [tilespmem:s7+$0x0];
	v8 =	vadd.f32 v11, v8  }
0xf0: {  	s5 =	sor.u32 $0x1A300, s14;
	s7 =	sor.u32 s31, s11;
	v6 =	vld [tilespmem:s6+$0x0];
	s11 =	sor.u32 s30, s26;
	v9 =	vadd.f32 v59, v9  }
0xf1: {  	s15 =	sor.u32 s0, s15;
	s2 =	simm.s32 $0x2;
	s14 =	simm.s32 $0x200;
	v7 =	vld [tilespmem:s11+$0x0];
	[tilespmem:s7+$0x1B880] =	vst v10;
	v10 =	vadd.f32 v60, v8  }
0xf2: {  	s16 =	sor.u32 s0, s26;
	s6 =	sor.u32 s30, s5;
	s31 =	simm.s32 $0x40;
	[tilespmem:s1+$0x0] =	vst v63;
	v8 =	vld [tilespmem:s15+$0x0];
	v9 =	vadd.f32 v62, v9  }
.LBB2_12:
0xf3: {  	s15 =	sand.u32 $0x1C00, s14;
	v4 =	vadd.f32 v4, v10;
	s5 =	sor.u32 s0, s5;
	s0 =	sand.u32 $0x60, s31;
	v10 =	vld [tilespmem:s6+$0x0]  }
0xf4: {  	s2 =	sadd.s32 $0x2, s2;
	s6 =	sadd.s32 $0x18B80, s15;
	s26 =	sor.u32 $0x10, s0;
	v11 =	vld [tilespmem:s16+$0x0];
	v5 =	vadd.f32 v5, v9  }
0xf5: {  	p0 =	slt.u32 s2, $0x26;
	s16 =	sor.u32 s0, s6;
	s6 =	sor.u32 s26, s6;
	v4 =	vadd.f32 v6, v4;
	v6 =	vld [tilespmem:s5+$0x0]  }
0xf6: {  	v9 =	vld [tilespmem:s6+$0x0];
	v5 =	vadd.f32 v7, v5  }
0xf7: {  	v7 =	vld [tilespmem:s6+$0x80];
	v4 =	vadd.f32 v8, v4  }
0xf8: {  	s5 =	sand.u32 $0x380, s29;
	s29 =	smov.u32 s31;
	v8 =	vld [tilespmem:s16+$0x0];
	v5 =	vadd.f32 v10, v5  }
0xf9: {  	s5 =	sor.u32 s30, s5;
	s30 =	smov.u32 s26;
	v10 =	vld [tilespmem:s6+$0x100];
	v4 =	vadd.f32 v11, v4  }
0xfa: {  	v11 =	vld [tilespmem:s16+$0x80];
	[tilespmem:s5+$0x1B880] =	vst v5  }
0xfb: {  	v5 =	vld [tilespmem:s6+$0x180];
	v4 =	vadd.f32 v6, v4  }
0xfc: {  	s1 =	sadd.s32 $0x20, s1;
	v6 =	vld [tilespmem:s16+$0x100];
	v7 =	vadd.f32 v7, v9  }
0xfd: {  	v9 =	vld [tilespmem:s6+$0x200];
	[tilespmem:s1+$0x0] =	vst v4  }
0xfe: {  	v4 =	vld [tilespmem:s16+$0x180];
	v7 =	vadd.f32 v10, v7  }
0xff: {  	v8 =	vadd.f32 v11, v8;
	v10 =	vld [tilespmem:s6+$0x280]  }
0x100: {  	v11 =	vld [tilespmem:s16+$0x200];
	v5 =	vadd.f32 v5, v7  }
0x101: {  	v6 =	vadd.f32 v6, v8;
	v7 =	vld [tilespmem:s6+$0x300]  }
0x102: {  	v8 =	vld [tilespmem:s16+$0x280];
	v5 =	vadd.f32 v9, v5  }
0x103: {  	s5 =	sadd.s32 $0x19F80, s15;
	v4 =	vadd.f32 v4, v6;
	v6 =	vld [tilespmem:s6+$0x380]  }
0x104: {  	s6 =	sor.u32 s0, s5;
	s5 =	sor.u32 s30, s5;
	v9 =	vld [tilespmem:s16+$0x300];
	v5 =	vadd.f32 v10, v5  }
0x105: {  	s26 =	sor.u32 $0x1A000, s15;
	v4 =	vadd.f32 v11, v4;
	v10 =	vld [tilespmem:s5+$0x0]  }
0x106: {  	s5 =	sor.u32 s0, s26;
	v11 =	vld [tilespmem:s16+$0x380];
	v5 =	vadd.f32 v7, v5;
	s16 =	sor.u32 s30, s26  }
0x107: {  	s26 =	sor.u32 $0x1A080, s15;
	v4 =	vadd.f32 v8, v4;
	v7 =	vld [tilespmem:s16+$0x0]  }
0x108: {  	s16 =	sor.u32 s30, s26;
	v8 =	vld [tilespmem:s6+$0x0];
	s6 =	sor.u32 s0, s26;
	v5 =	vadd.f32 v6, v5  }
0x109: {  	s26 =	sor.u32 $0x1A100, s15;
	v4 =	vadd.f32 v9, v4;
	v6 =	vld [tilespmem:s16+$0x0]  }
0x10a: {  	s16 =	sor.u32 s30, s26;
	v9 =	vld [tilespmem:s5+$0x0];
	s5 =	sor.u32 s0, s26;
	v5 =	vadd.f32 v10, v5  }
0x10b: {  	s26 =	sor.u32 $0x1A180, s15;
	v4 =	vadd.f32 v11, v4;
	v10 =	vld [tilespmem:s16+$0x0]  }
0x10c: {  	s16 =	sor.u32 s30, s26;
	v11 =	vld [tilespmem:s6+$0x0];
	s6 =	sor.u32 s0, s26;
	v5 =	vadd.f32 v7, v5  }
0x10d: {  	s26 =	sor.u32 $0x1A200, s15;
	v7 =	vadd.f32 v8, v4;
	v12 =	vld [tilespmem:s16+$0x0]  }
.Ltmp5:
0x10e: {  	s7 =	sor.u32 s0, s26;
	v4 =	vld [tilespmem:s5+$0x0];
	v8 =	vadd.f32 v6, v5;
	s5 =	sor.u32 s30, s26;
	(pc) =	sbr.rel @p0 .LBB2_12-.Ltmp5, $4  }
0x10f: {  	s26 =	sor.u32 $0x1A280, s15;
	v7 =	vadd.f32 v9, v7;
	v5 =	vld [tilespmem:s5+$0x0]  }
0x110: {  	s16 =	sor.u32 s0, s26;
	v6 =	vld [tilespmem:s6+$0x0];
	v9 =	vadd.f32 v10, v8;
	s6 =	sor.u32 s30, s26  }
0x111: {  	s5 =	sor.u32 $0x1A300, s15;
	v10 =	vadd.f32 v11, v7;
	v7 =	vld [tilespmem:s6+$0x0]  }
0x112: {  	s14 =	sadd.s32 $0x100, s14;
	s31 =	sadd.s32 $0x20, s31;
	s6 =	sor.u32 s30, s5;
	v8 =	vld [tilespmem:s7+$0x0];
	v9 =	vadd.f32 v12, v9  }
0x113: {  	v4 =	vadd.f32 v4, v10  }
0x114: {  	v10 =	vld [tilespmem:s16+$0x0]  }
0x115: {  	s0 =	sor.u32 s0, s5;
	v11 =	vld [tilespmem:s6+$0x0];
	v4 =	vadd.f32 v6, v4  }
0x116: {  	v5 =	vadd.f32 v5, v9;
	v6 =	vld [tilespmem:s0+$0x0]  }
0x117: {  	v4 =	vadd.f32 v8, v4  }
0x118: {  	v5 =	vadd.f32 v7, v5  }
0x119: {  	v4 =	vadd.f32 v10, v4  }
0x11a: {  	s15 =	sand.u32 $0x380, s29;
	v5 =	vadd.f32 v11, v5  }
0x11b: {  	s0 =	sor.u32 s30, s15;
	v4 =	vadd.f32 v6, v4  }
0x11c: {  	s16 =	sadd.s32 $0x20, s1;
	[tilespmem:s0+$0x1B880] =	vst v5  }
0x11d: {  	s26 =	simm.s32 $0x1B890;
	[tilespmem:s16+$0x0] =	vst v4  }
0x11e: {  	v11 =	vld [tilespmem:s26+$0x0];
	_ =	sdelay $0x3  }
0x11f: {  	v13 =	vld [tilespmem:s26+$0xFFFFFFF0]  }
0x120: {  	v4 =	vmax.f32 v11, $1.000000000e+00  }
0x121: {  	s29 =	simm.s32 $0x1B8B0;
	v5 =	vshrl.u32 v4, $0x1;
	v15 =	vmul.f32 $5.000000000e-01, v4  }
0x122: {  	v4 =	vld [tilespmem:s29+$0x0];
	v5 =	vsub.s32 $0x5F3759DF, v5  }
0x123: {  	v6 =	vmul.f32 v5, v15  }
0x124: {  	v7 =	vmax.f32 v13, $1.000000000e+00  }
0x125: {  	v8 =	vshrl.u32 v7, $0x1;
	v16 =	vmul.f32 $5.000000000e-01, v7;
	v6 =	vmul.f32 v5, v6  }
0x126: {  	v7 =	vsub.s32 $0x5F3759DF, v8  }
0x127: {  	v10 =	vmul.f32 v7, v16;
	v8 =	vmax.f32 v4, $1.000000000e+00;
	v9 =	vsub.f32 $1.500000000e+00, v6  }
0x128: {  	v6 =	vld [tilespmem:s29+$0xFFFFFFF0];
	v12 =	vshrl.u32 v8, $0x1;
	v8 =	vmul.f32 $5.000000000e-01, v8  }
0x129: {  	v9 =	vmul.f32 v5, v9;
	v5 =	vmul.f32 v7, v10;
	v10 =	vsub.s32 $0x5F3759DF, v12  }
0x12a: {  	v12 =	vmul.f32 v10, v8  }
0x12b: {  	s30 =	simm.s32 $0x1B8D0;
	v14 =	vmul.f32 v9, v15;
	v17 =	vsub.f32 $1.500000000e+00, v5  }
0x12c: {  	v5 =	vld [tilespmem:s30+$0x0];
	v12 =	vmul.f32 v10, v12  }
0x12d: {  	v18 =	vmax.f32 v6, $1.000000000e+00;
	v17 =	vmul.f32 v7, v17;
	v19 =	vmul.f32 v14, v9  }
0x12e: {  	v7 =	vshrl.u32 v18, $0x1;
	v14 =	vmul.f32 $5.000000000e-01, v18;
	v12 =	vsub.f32 $1.500000000e+00, v12  }
0x12f: {  	v18 =	vsub.s32 $0x5F3759DF, v7;
	v7 =	vld [tilespmem:s30+$0xFFFFFFF0];
	v20 =	vmul.f32 v17, v16;
	v19 =	vsub.f32 $1.500000000e+00, v19  }
0x130: {  	v21 =	vmul.f32 v18, v14;
	v22 =	vmul.f32 v10, v12  }
0x131: {  	v12 =	vmul.f32 v20, v17;
	v19 =	vmul.f32 v19, v9;
	v9 =	vmax.f32 v5, $1.000000000e+00  }
0x132: {  	v21 =	vmul.f32 v18, v21;
	v20 =	vshrl.u32 v9, $0x1;
	v10 =	vmul.f32 $5.000000000e-01, v9  }
0x133: {  	v23 =	vmul.f32 v22, v8;
	v9 =	vsub.f32 $1.500000000e+00, v12;
	v20 =	vsub.s32 $0x5F3759DF, v20  }
0x134: {  	v12 =	vmax.f32 v7, $1.000000000e+00;
	v21 =	vsub.f32 $1.500000000e+00, v21;
	v24 =	vmul.f32 v20, v10  }
0x135: {  	v25 =	vshrl.u32 v12, $0x1;
	v12 =	vmul.f32 $5.000000000e-01, v12;
	v17 =	vmul.f32 v9, v17  }
0x136: {  	v25 =	vsub.s32 $0x5F3759DF, v25;
	v26 =	vmul.f32 v18, v21;
	v18 =	vmul.f32 v23, v22  }
0x137: {  	s31 =	simm.s32 $0x1B8F0;
	v24 =	vmul.f32 v20, v24;
	v27 =	vmul.f32 v25, v12  }
0x138: {  	vm1 =	vgt.f32 v11, $5.000000000e-01;
	v11 =	vld [tilespmem:s31+$0xFFFFFFF0];
	v16 =	vmul.f32 v17, v16;
	v23 =	vmul.f32 v26, v14  }
0x139: {  	v9 =	vld [tilespmem:s31+$0x0];
	v18 =	vsub.f32 $1.500000000e+00, v18;
	v21 =	vsub.f32 $1.500000000e+00, v24;
	v24 =	vmul.f32 v19, v15  }
0x13a: {  	v27 =	vmul.f32 v25, v27;
	v16 =	vmul.f32 v16, v17  }
0x13b: {  	vm2 =	vgt.f32 v13, $5.000000000e-01;
	v13 =	vmul.f32 v18, v22;
	v15 =	vmul.f32 v20, v21  }
0x13c: {  	v20 =	vmul.f32 v24, v19;
	v21 =	vmul.f32 v23, v26  }
0x13d: {  	v24 =	vmax.f32 v11, $1.000000000e+00;
	v27 =	vsub.f32 $1.500000000e+00, v27;
	v23 =	vsub.f32 $1.500000000e+00, v16  }
0x13e: {  	v16 =	vmax.f32 v9, $1.000000000e+00;
	v18 =	vshrl.u32 v24, $0x1;
	v22 =	vmul.f32 v15, v10  }
0x13f: {  	v20 =	vsub.f32 $1.500000000e+00, v20;
	v28 =	vshrl.u32 v16, $0x1;
	v16 =	vmul.f32 $5.000000000e-01, v16  }
0x140: {  	v29 =	vsub.f32 $1.500000000e+00, v21;
	v21 =	vsub.s32 $0x5F3759DF, v28;
	v23 =	vmul.f32 v23, v17  }
0x141: {  	v18 =	vsub.s32 $0x5F3759DF, v18;
	v28 =	vmul.f32 v21, v16;
	v30 =	vmul.f32 v20, v19  }
0x142: {  	s1 =	simm.s32 $0x1B610;
	v20 =	vmul.f32 $5.000000000e-01, v24;
	v17 =	vmul.f32 v29, v26;
	v23 =	vnsel vm2, $0x0, v23  }
0x143: {  	s2 =	simm.s32 $0x6;
	s14 =	simm.s32 $0x1B910;
	s0 =	simm.s32 $0x1B630;
	v19 =	vmul.f32 v25, v27;
	v24 =	vmul.f32 v21, v28;
	[tilespmem:s1+$0xFFFFFFF0] =	vst v23;
	v23 =	vnsel vm1, $0x0, v30  }
.LBB2_14:
0x144: {  	v25 =	vld [tilespmem:s14+$0x0];
	s2 =	sadd.s32 $0x2, s2;
	v22 =	vmul.f32 v22, v15;
	v29 =	vmul.f32 v17, v14;
	vm1 =	vgt.f32 v4, $5.000000000e-01;
	[tilespmem:s1+$0x0] =	vst v23;
	v4 =	vmovc v5;
	s1 =	smov.u32 s0;
	s0 =	sadd.s32 $0x20, s0  }
0x145: {  	v27 =	vmul.f32 v13, v8;
	v5 =	vmovc v9;
	v8 =	vmovc v10;
	v23 =	vld [tilespmem:s14+$0xFFFFFFF0];
	p0 =	slt.u32 s2, $0x26;
	v24 =	vsub.f32 $1.500000000e+00, v24;
	v26 =	vmul.f32 v19, v12  }
0x146: {  	v28 =	vmul.f32 v18, v20;
	v10 =	vmovc v16;
	v14 =	vmovc v12;
	v30 =	vsub.f32 $1.500000000e+00, v22;
	v22 =	vmul.f32 v29, v17  }
0x147: {  	vm2 =	vgt.f32 v6, $5.000000000e-01;
	v6 =	vmovc v7;
	v7 =	vmovc v11;
	v16 =	vmul.f32 v21, v24;
	v21 =	vmul.f32 v27, v13  }
0x148: {  	v12 =	vmovc v20;
	v24 =	vmul.f32 v26, v19;
	v26 =	vmul.f32 v30, v15;
	v27 =	vsub.f32 $1.500000000e+00, v22  }
0x149: {  	v20 =	vmax.f32 v25, $1.000000000e+00;
	v22 =	vmul.f32 v16, v10;
	v29 =	vsub.f32 $1.500000000e+00, v21;
	v9 =	vmovc v25;
	v15 =	vmovc v16  }
0x14a: {  	v28 =	vmul.f32 v18, v28;
	v25 =	vmax.f32 v23, $1.000000000e+00;
	v21 =	vshrl.u32 v20, $0x1;
	v11 =	vmovc v23  }
.Ltmp6:
0x14b: {  	v24 =	vsub.f32 $1.500000000e+00, v24;
	v16 =	vmul.f32 $5.000000000e-01, v20;
	v23 =	vshrl.u32 v25, $0x1;
	(pc) =	sbr.rel @p0 .LBB2_14-.Ltmp6, $4  }
0x14c: {  	v21 =	vsub.s32 $0x5F3759DF, v21;
	v30 =	vsub.s32 $0x5F3759DF, v23;
	v23 =	vmul.f32 v27, v17  }
0x14d: {  	v28 =	vsub.f32 $1.500000000e+00, v28;
	v29 =	vmul.f32 v29, v13;
	v13 =	vmovc v26;
	v27 =	vmul.f32 v21, v16  }
0x14e: {  	v20 =	vmul.f32 $5.000000000e-01, v25;
	v17 =	vmul.f32 v24, v19;
	v23 =	vnsel vm2, $0x0, v23  }
0x14f: {  	s14 =	sadd.s32 $0x20, s14;
	v19 =	vmul.f32 v18, v28;
	v18 =	vmovc v30;
	v24 =	vmul.f32 v21, v27;
	[tilespmem:s1+$0xFFFFFFF0] =	vst v23;
	v23 =	vnsel vm1, $0x0, v29  }
0x150: {  	v25 =	vmul.f32 v18, v20;
	_ =	sdelay $0x1  }
0x151: {  	v25 =	vmul.f32 v18, v25;
	_ =	sdelay $0x1  }
0x152: {  	v25 =	vsub.f32 $1.500000000e+00, v25  }
0x153: {  	v22 =	vmul.f32 v22, v15;
	v24 =	vsub.f32 $1.500000000e+00, v24  }
0x154: {  	v26 =	vmul.f32 v19, v12;
	v53 =	vmul.f32 v18, v25  }
0x155: {  	v14 =	vmul.f32 v17, v14;
	v21 =	vmul.f32 v21, v24  }
0x156: {  	v54 =	vmul.f32 v26, v19;
	v25 =	vmul.f32 v53, v20  }
0x157: {  	v14 =	vmul.f32 v14, v17;
	v55 =	vmul.f32 v21, v16  }
0x158: {  	v8 =	vmul.f32 v13, v8;
	v24 =	vsub.f32 $1.500000000e+00, v54;
	v25 =	vmul.f32 v25, v53  }
0x159: {  	v22 =	vsub.f32 $1.500000000e+00, v22;
	v14 =	vsub.f32 $1.500000000e+00, v14;
	v26 =	vmul.f32 v55, v21  }
0x15a: {  	v8 =	vmul.f32 v8, v13;
	v57 =	vmul.f32 v24, v19;
	v58 =	vsub.f32 $1.500000000e+00, v25  }
0x15b: {  	v56 =	vmul.f32 v22, v15;
	v14 =	vmul.f32 v14, v17;
	v59 =	vsub.f32 $1.500000000e+00, v26  }
0x15c: {  	v60 =	vmul.f32 v57, v12;
	v18 =	vmul.f32 v58, v53  }
0x15d: {  	vm1 =	vgt.f32 v4, $5.000000000e-01;
	v4 =	vmul.f32 v56, v10;
	v10 =	vmul.f32 v59, v21  }
0x15e: {  	v8 =	vsub.f32 $1.500000000e+00, v8;
	v12 =	vmul.f32 v60, v57;
	v61 =	vmul.f32 v18, v20  }
0x15f: {  	vm2 =	vgt.f32 v6, $5.000000000e-01;
	v4 =	vmul.f32 v4, v56;
	v6 =	vmul.f32 v10, v16  }
0x160: {  	v8 =	vmul.f32 v8, v13;
	v12 =	vsub.f32 $1.500000000e+00, v12;
	v62 =	vmul.f32 v61, v18  }
0x161: {  	v14 =	vnsel vm2, $0x0, v14;
	v4 =	vsub.f32 $1.500000000e+00, v4;
	v6 =	vmul.f32 v6, v10  }
0x162: {  	[tilespmem:s1+$0x0] =	vst v23;
	v8 =	vnsel vm1, $0x0, v8;
	v12 =	vmul.f32 v12, v57;
	v13 =	vsub.f32 $1.500000000e+00, v62  }
0x163: {  	vm1 =	vgt.f32 v7, $5.000000000e-01;
	[tilespmem:s0+$0xFFFFFFF0] =	vst v14;
	v4 =	vmul.f32 v4, v56;
	v6 =	vsub.f32 $1.500000000e+00, v6  }
0x164: {  	s29 =	sadd.s32 $0x20, s0;
	vm2 =	vgt.f32 v5, $5.000000000e-01;
	[tilespmem:s0+$0x0] =	vst v8;
	v5 =	vnsel vm1, $0x0, v12;
	v7 =	vmul.f32 v13, v18  }
0x165: {  	v4 =	vnsel vm2, $0x0, v4;
	vm1 =	vgt.f32 v11, $5.000000000e-01;
	[tilespmem:s29+$0xFFFFFFF0] =	vst v5;
	v5 =	vmul.f32 v6, v10  }
0x166: {  	s30 =	sadd.s32 $0x20, s29;
	vm2 =	vgt.f32 v9, $5.000000000e-01;
	[tilespmem:s29+$0x0] =	vst v4;
	v4 =	vnsel vm1, $0x0, v7  }
0x167: {  	[tilespmem:s30+$0xFFFFFFF0] =	vst v4;
	v4 =	vnsel vm2, $0x0, v5  }
0x168: {  	[tilespmem:s30+$0x0] =	vst v4  }
0x169: {  	v4 =	vld [tilespmem:$0x1BD80];
	_ =	sdelay $0x4  }
0x16a: {  	v5 =	vsel vm0, $0x0, v4  }
0x16b: {  	(xrf2) =	vadd.scan.msk.f32 $0xffff, v5;
	_ =	sdelay $0x6  }
0x16c: {  	s31 =	simm.s32 $0x18920  }
0x16d: {  	v6 =	vld [tilespmem:s31+$0xFFFFFFE0]  }
0x16e: {  	v7 =	vld [tilespmem:s31+$0x10]  }
0x16f: {  	v9 =	vld [tilespmem:s31+$0x0];
	v5, _, _ =	vpop (xrf2)  }
0x170: {  	v5 =	vbroadcast v5, $0xF  }
0x171: {  	v10 =	vld [tilespmem:s31+$0xFFFFFFF0]  }
0x172: {  	s1 =	simm.s32 $0x18960;
	v11 =	vmul.f32 v6, v5  }
0x173: {  	s0 =	simm.s32 $0x1B3A0;
	v8 =	vld [tilespmem:s1+$0xFFFFFFE0];
	v63 =	vmul.f32 v7, v5  }
0x174: {  	v6 =	vld [tilespmem:s1+$0x10];
	[tilespmem:s0+$0xFFFFFFE0] =	vst v11;
	v11 =	vmul.f32 v9, v5  }
0x175: {  	v7 =	vld [tilespmem:s1+$0x0];
	[tilespmem:s0+$0x10] =	vst v63  }
0x176: {  	s2 =	simm.s32 $0x4;
	v10 =	vmul.f32 v10, v5;
	v9 =	vld [tilespmem:s1+$0xFFFFFFF0];
	[tilespmem:s0+$0x0] =	vst v11  }
.LBB2_16:
0x177: {  	s2 =	sadd.s32 $0x4, s2  }
0x178: {  	[tilespmem:s0+$0xFFFFFFF0] =	vst v10;
	s0 =	sadd.s32 $0x40, s0;
	p0 =	slt.u32 s2, $0x24  }
.Ltmp7:
0x179: {  	s1 =	sadd.s32 $0x40, s1;
	v10 =	vmul.f32 v8, v5;
	(pc) =	sbr.rel @p0 .LBB2_16-.Ltmp7, $4  }
0x17a: {  	v8 =	vld [tilespmem:s1+$0xFFFFFFE0];
	v11 =	vmul.f32 v6, v5  }
0x17b: {  	v6 =	vld [tilespmem:s1+$0x10];
	[tilespmem:s0+$0xFFFFFFE0] =	vst v10;
	v12 =	vmul.f32 v7, v5  }
0x17c: {  	v7 =	vld [tilespmem:s1+$0x0];
	v10 =	vmul.f32 v9, v5;
	[tilespmem:s0+$0x10] =	vst v11  }
0x17d: {  	v9 =	vld [tilespmem:s1+$0xFFFFFFF0];
	[tilespmem:s0+$0x0] =	vst v12  }
0x17e: {  	_ = 	snop  }
0x17f: {  	v8 =	vmul.f32 v8, v5  }
0x180: {  	[tilespmem:s0+$0xFFFFFFF0] =	vst v10;
	s31 =	sadd.s32 $0x40, s0;
	v6 =	vmul.f32 v6, v5  }
0x181: {  	[tilespmem:s31+$0xFFFFFFE0] =	vst v8;
	v7 =	vmul.f32 v7, v5  }
0x182: {  	v63 =	vmul.f32 v9, v5;
	[tilespmem:s31+$0x10] =	vst v6  }
0x183: {  	[tilespmem:s31+$0x0] =	vst v7  }
0x184: {  	s29 =	simm.s32 $0x0;
	[tilespmem:s31+$0xFFFFFFF0] =	vst v63  }
.LBB2_18:
0x185: {  	s5 =	simm.s32 $0x1B620  }
0x186: {  	s0 =	simm.s32 $0x1B3A0;
	v11 =	vld [tilespmem:s5+$0x10]  }
0x187: {  	v12 =	vld [tilespmem:s0+$0x10]  }
0x188: {  	v8 =	vld [tilespmem:s0+$0xFFFFFFE0]  }
0x189: {  	v6 =	vld [tilespmem:s5+$0xFFFFFFF0]  }
0x18a: {  	v10 =	vld [tilespmem:s0+$0xFFFFFFF0]  }
0x18b: {  	v7 =	vld [tilespmem:s5+$0x0]  }
0x18c: {  	v9 =	vld [tilespmem:s0+$0x0];
	v12 =	vmul.f32 v12, v11  }
0x18d: {  	s1 =	simm.s32 $0x1BB20;
	s2 =	simm.s32 $0x0;
	s14 =	simm.s32 $0x1B660;
	v11 =	vld [tilespmem:s5+$0xFFFFFFE0]  }
.LBB2_19:
0x18e: {  	v13 =	vld [tilespmem:s14+$0x10];
	[tilespmem:s1+$0x10] =	vst v12;
	s0 =	sadd.s32 $0x40, s0  }
0x18f: {  	s2 =	sadd.s32 $0x4, s2;
	v12 =	vld [tilespmem:s0+$0x10];
	v10 =	vmul.f32 v10, v6  }
0x190: {  	p0 =	slt.u32 s2, $0x24;
	v14 =	vld [tilespmem:s0+$0xFFFFFFE0]  }
.Ltmp8:
0x191: {  	v6 =	vld [tilespmem:s14+$0xFFFFFFF0];
	[tilespmem:s1+$0xFFFFFFF0] =	vst v10;
	v9 =	vmul.f32 v9, v7;
	(pc) =	sbr.rel @p0 .LBB2_19-.Ltmp8, $4  }
0x192: {  	v10 =	vld [tilespmem:s0+$0xFFFFFFF0];
	v15 =	vmul.f32 v8, v11  }
0x193: {  	v7 =	vld [tilespmem:s14+$0x0];
	[tilespmem:s1+$0x0] =	vst v9  }
0x194: {  	v9 =	vld [tilespmem:s0+$0x0];
	v12 =	vmul.f32 v12, v13;
	[tilespmem:s1+$0xFFFFFFE0] =	vst v15  }
0x195: {  	s1 =	sadd.s32 $0x40, s1;
	v11 =	vld [tilespmem:s14+$0xFFFFFFE0];
	s14 =	sadd.s32 $0x40, s14;
	v8 =	vmov v14  }
0x196: {  	_ =	sdelay $0x1  }
0x197: {  	v6 =	vmul.f32 v10, v6  }
0x198: {  	[tilespmem:s1+$0x10] =	vst v12;
	v7 =	vmul.f32 v9, v7  }
0x199: {  	[tilespmem:s1+$0xFFFFFFF0] =	vst v6;
	v6 =	vmul.f32 v8, v11  }
0x19a: {  	[tilespmem:s1+$0x0] =	vst v7  }
0x19b: {  	[tilespmem:s1+$0xFFFFFFE0] =	vst v6  }
0x19c: {  	[spmem:s10] =	stream.linear.scatter [tilespmem:s23], [sflag:$0x2], $0x280, $0x38;
	[tilespmem:$0x1E880] =	vst v63  }
0x19d: {  	_ =	swait.ge [sflag:s13], $0x280  }
0x19e: {  	[sflag:s13] =	ssyncset.done $0x0  }
0x19f: {  	[sflag:s13] =	ssyncadd.s32 $0xFFFFFD80  }
0x1a0: {  	s0 =	simm.s32 $0x16140;
	[bflag:$0x0] =	sbarrier.arrive $0xFFFF  }
0x1a1: {  	[tilespmem:s24], [sflag:$0x1] =	stream.linear.gather [spmem:s3], $0x2800, $0x38;
	[tilespmem:$0x1E880] =	vst v63  }
0x1a2: {  	[tilespmem:s0+$0xFFFFFFC0] =	vst v1  }
0x1a3: {  	[tilespmem:s0+$0x30] =	vst v1  }
0x1a4: {  	[tilespmem:s0+$0x20] =	vst v1  }
0x1a5: {  	[tilespmem:s0+$0x10] =	vst v1  }
0x1a6: {  	[tilespmem:s0+$0x0] =	vst v1  }
0x1a7: {  	[tilespmem:s0+$0xFFFFFFF0] =	vst v1  }
0x1a8: {  	s1 =	simm.s32 $0x0;
	[tilespmem:s0+$0xFFFFFFE0] =	vst v1  }
.LBB2_21:
0x1a9: {  	s1 =	sadd.s32 $0x8, s1;
	[tilespmem:s0+$0xFFFFFFD0] =	vst v1;
	s0 =	sadd.s32 $0x80, s0  }
0x1aa: {  	[tilespmem:s0+$0xFFFFFFC0] =	vst v1;
	p0 =	slt.u32 s1, $0x278  }
0x1ab: {  	[tilespmem:s0+$0x30] =	vst v1  }
.Ltmp9:
0x1ac: {  	[tilespmem:s0+$0x20] =	vst v1;
	(pc) =	sbr.rel @p0 .LBB2_21-.Ltmp9, $4  }
0x1ad: {  	[tilespmem:s0+$0x10] =	vst v1  }
0x1ae: {  	[tilespmem:s0+$0x0] =	vst v1  }
0x1af: {  	[tilespmem:s0+$0xFFFFFFF0] =	vst v1  }
0x1b0: {  	[tilespmem:s0+$0xFFFFFFE0] =	vst v1  }
0x1b1: {  	[tilespmem:s0+$0xFFFFFFD0] =	vst v1  }
0x1b2: {  	_ =	swait.ge [sflag:s25], $0x2800  }
0x1b3: {  	[sflag:s25] =	ssyncset.done $0x0  }
0x1b4: {  	s0 =	simm.s32 $0x80;
	[sflag:s25] =	ssyncadd.s32 $0xFFFFD800  }
0x1b5: {  	v13 =	vld [tilespmem:s0+$0xFFFFFFA0]  }
0x1b6: {  	v7 =	vld [tilespmem:s0+$0x20]  }
0x1b7: {  	v8 =	vld [tilespmem:s0+$0xFFFFFF80]  }
0x1b8: {  	v18 =	vld [tilespmem:s0+$0xFFFFFF90]  }
0x1b9: {  	v17 =	vld [tilespmem:s0+$0xFFFFFFF0]  }
0x1ba: {  	v9 =	vld [tilespmem:s0+$0x70]  }
0x1bb: {  	v20 =	vld [tilespmem:s0+$0xFFFFFFB0]  }
0x1bc: {  	v6 =	vld [tilespmem:s0+$0xFFFFFFC0]  }
0x1bd: {  	v11 =	vld [tilespmem:s0+$0x60]  }
0x1be: {  	v12 =	vld [tilespmem:s0+$0x50]  }
0x1bf: {  	v14 =	vld [tilespmem:s0+$0x40]  }
0x1c0: {  	v16 =	vld [tilespmem:s0+$0x30];
	v10 =	vshrl.u32 v8, $0xE  }
0x1c1: {  	v19 =	vld [tilespmem:s0+$0x10];
	v15 =	vshrl.u32 v9, $0xE  }
0x1c2: {  	v22 =	vld [tilespmem:s0+$0x0];
	v21 =	vshrl.u32 v11, $0xE  }
0x1c3: {  	v24 =	vld [tilespmem:s0+$0xFFFFFFE0];
	v23 =	vshrl.u32 v12, $0xE  }
0x1c4: {  	v25 =	vld [tilespmem:s0+$0xFFFFFFD0];
	v26 =	vshrl.u32 v7, $0xE  }
0x1c5: {  	v8 =	vand.u32 $0x3FFF, v8;
	v10 =	vld.idx.msk [tilespmem:v10+s24+$0x0], $0xffff  }
0x1c6: {  	v9 =	vand.u32 $0x3FFF, v9;
	v15 =	vld.idx.msk [tilespmem:v15+s24+$0x0], $0xffff  }
0x1c7: {  	v11 =	vand.u32 $0x3FFF, v11;
	v21 =	vld.idx.msk [tilespmem:v21+s24+$0x0], $0xffff  }
0x1c8: {  	v12 =	vand.u32 $0x3FFF, v12;
	v23 =	vld.idx.msk [tilespmem:v23+s24+$0x0], $0xffff  }
0x1c9: {  	v28 =	vshrl.u32 v25, $0xE;
	v26 =	vld.idx.msk [tilespmem:v26+s24+$0x0], $0xffff  }
0x1ca: {  	[tilespmem:v8+s17+$0x0] =	vst.idx.add.f32.msk $0xffff, v10;
	v8 =	vshrl.u32 v16, $0xE  }
0x1cb: {  	[tilespmem:v9+s17+$0x0] =	vst.idx.add.f32.msk $0xffff, v15;
	v9 =	vshrl.u32 v19, $0xE  }
0x1cc: {  	v7 =	vand.u32 $0x3FFF, v7;
	[tilespmem:v11+s17+$0x0] =	vst.idx.add.f32.msk $0xffff, v21  }
0x1cd: {  	v10 =	vshrl.u32 v22, $0xE;
	[tilespmem:v12+s17+$0x0] =	vst.idx.add.f32.msk $0xffff, v23  }
0x1ce: {  	v15 =	vshrl.u32 v14, $0xE;
	v11 =	vld.idx.msk [tilespmem:v28+s24+$0x0], $0xffff  }
0x1cf: {  	v27 =	vshrl.u32 v17, $0xE;
	v8 =	vld.idx.msk [tilespmem:v8+s24+$0x0], $0xffff  }
0x1d0: {  	v60 =	vld.idx.msk [tilespmem:v9+s24+$0x0], $0xffff;
	v9 =	vand.u32 $0x3FFF, v16  }
0x1d1: {  	v12 =	vshrl.u32 v6, $0xE;
	[tilespmem:v7+s17+$0x0] =	vst.idx.add.f32.msk $0xffff, v26  }
0x1d2: {  	v10 =	vld.idx.msk [tilespmem:v10+s24+$0x0], $0xffff;
	v16 =	vand.u32 $0x3FFF, v22  }
0x1d3: {  	v62 =	vand.u32 $0x3FFF, v19;
	v61 =	vld.idx.msk [tilespmem:v15+s24+$0x0], $0xffff  }
0x1d4: {  	v63 =	vand.u32 $0x3FFF, v14;
	v15 =	vld.idx.msk [tilespmem:v27+s24+$0x0], $0xffff  }
0x1d5: {  	[tilespmem:v9+s17+$0x0] =	vst.idx.add.f32.msk $0xffff, v8;
	v9 =	vshrl.u32 v24, $0xE  }
0x1d6: {  	v14 =	vld.idx.msk [tilespmem:v12+s24+$0x0], $0xffff;
	v12 =	vshrl.u32 v20, $0xE  }
0x1d7: {  	v7 =	vand.u32 $0x3FFF, v24;
	v19 =	vand.u32 $0x3FFF, v17;
	[tilespmem:v16+s17+$0x0] =	vst.idx.add.f32.msk $0xffff, v10  }
0x1d8: {  	v17 =	vand.u32 $0x3FFF, v20;
	v8 =	vand.u32 $0x3FFF, v25;
	v16 =	vshrl.u32 v18, $0xE;
	[tilespmem:v62+s17+$0x0] =	vst.idx.add.f32.msk $0xffff, v60  }
0x1d9: {  	s1 =	simm.s32 $0x0;
	v10 =	vshrl.u32 v13, $0xE;
	v13 =	vand.u32 $0x3FFF, v13;
	v18 =	vand.u32 $0x3FFF, v18;
	[tilespmem:v63+s17+$0x0] =	vst.idx.add.f32.msk $0xffff, v61  }
.LBB2_23:
0x1da: {  	s1 =	sadd.s32 $0x10, s1;
	v9 =	vld.idx.msk [tilespmem:v9+s24+$0x0], $0xffff;
	s0 =	sadd.s32 $0x100, s0  }
0x1db: {  	p0 =	slt.u32 s1, $0x9B0;
	v12 =	vld.idx.msk [tilespmem:v12+s24+$0x0], $0xffff  }
0x1dc: {  	[tilespmem:v19+s17+$0x0] =	vst.idx.add.f32.msk $0xffff, v15  }
0x1dd: {  	v6 =	vand.u32 $0x3FFF, v6;
	v15 =	vld.idx.msk [tilespmem:v16+s24+$0x0], $0xffff  }
0x1de: {  	v10 =	vld.idx.msk [tilespmem:v10+s24+$0x0], $0xffff  }
0x1df: {  	[tilespmem:v8+s17+$0x0] =	vst.idx.add.f32.msk $0xffff, v11  }
0x1e0: {  	[tilespmem:v7+s17+$0x0] =	vst.idx.add.f32.msk $0xffff, v9  }
0x1e1: {  	[tilespmem:v17+s17+$0x0] =	vst.idx.add.f32.msk $0xffff, v12  }
0x1e2: {  	[tilespmem:v6+s17+$0x0] =	vst.idx.add.f32.msk $0xffff, v14  }
0x1e3: {  	[tilespmem:v18+s17+$0x0] =	vst.idx.add.f32.msk $0xffff, v15  }
0x1e4: {  	[tilespmem:v13+s17+$0x0] =	vst.idx.add.f32.msk $0xffff, v10  }
0x1e5: {  	v13 =	vld [tilespmem:s0+$0xFFFFFFA0]  }
0x1e6: {  	v7 =	vld [tilespmem:s0+$0x20]  }
0x1e7: {  	v8 =	vld [tilespmem:s0+$0xFFFFFF80]  }
0x1e8: {  	v14 =	vld [tilespmem:s0+$0xFFFFFF90]  }
0x1e9: {  	v11 =	vld [tilespmem:s0+$0xFFFFFFF0]  }
0x1ea: {  	v9 =	vld [tilespmem:s0+$0x70]  }
0x1eb: {  	v17 =	vld [tilespmem:s0+$0xFFFFFFB0]  }
0x1ec: {  	v10 =	vshrl.u32 v8, $0xE;
	v6 =	vld [tilespmem:s0+$0xFFFFFFC0]  }
0x1ed: {  	v12 =	vld [tilespmem:s0+$0x60]  }
0x1ee: {  	v15 =	vld [tilespmem:s0+$0x50]  }
0x1ef: {  	v18 =	vld [tilespmem:s0+$0x40];
	v16 =	vshrl.u32 v9, $0xE  }
0x1f0: {  	v20 =	vld [tilespmem:s0+$0x30]  }
0x1f1: {  	v10 =	vld.idx.msk [tilespmem:v10+s24+$0x0], $0xffff  }
0x1f2: {  	v8 =	vand.u32 $0x3FFF, v8;
	v19 =	vld [tilespmem:s0+$0x10];
	v21 =	vshrl.u32 v12, $0xE  }
0x1f3: {  	v22 =	vld [tilespmem:s0+$0x0];
	v23 =	vshrl.u32 v15, $0xE  }
0x1f4: {  	v16 =	vld.idx.msk [tilespmem:v16+s24+$0x0], $0xffff  }
0x1f5: {  	v25 =	vand.u32 $0x3FFF, v9;
	v24 =	vld [tilespmem:s0+$0xFFFFFFE0]  }
0x1f6: {  	v27 =	vshrl.u32 v7, $0xE;
	v28 =	vand.u32 $0x3FFF, v7;
	v26 =	vld [tilespmem:s0+$0xFFFFFFD0]  }
0x1f7: {  	[tilespmem:v8+s17+$0x0] =	vst.idx.add.f32.msk $0xffff, v10;
	v29 =	vshrl.u32 v19, $0xE;
	v10 =	vshrl.u32 v20, $0xE  }
0x1f8: {  	v31 =	vand.u32 $0x3FFF, v12;
	v30 =	vshrl.u32 v22, $0xE;
	v21 =	vld.idx.msk [tilespmem:v21+s24+$0x0], $0xffff  }
0x1f9: {  	v32 =	vshrl.u32 v11, $0xE;
	v15 =	vand.u32 $0x3FFF, v15;
	v33 =	vshrl.u32 v18, $0xE;
	v23 =	vld.idx.msk [tilespmem:v23+s24+$0x0], $0xffff  }
0x1fa: {  	v9 =	vshrl.u32 v24, $0xE;
	v7 =	vand.u32 $0x3FFF, v24;
	[tilespmem:v25+s17+$0x0] =	vst.idx.add.f32.msk $0xffff, v16  }
0x1fb: {  	v24 =	vshrl.u32 v26, $0xE;
	v8 =	vand.u32 $0x3FFF, v26;
	v25 =	vld.idx.msk [tilespmem:v27+s24+$0x0], $0xffff  }
0x1fc: {  	v26 =	vshrl.u32 v6, $0xE;
	v27 =	vld.idx.msk [tilespmem:v10+s24+$0x0], $0xffff  }
0x1fd: {  	v12 =	vshrl.u32 v17, $0xE;
	v34 =	vand.u32 $0x3FFF, v19;
	v30 =	vld.idx.msk [tilespmem:v30+s24+$0x0], $0xffff  }
0x1fe: {  	v22 =	vand.u32 $0x3FFF, v22;
	v10 =	vshrl.u32 v13, $0xE;
	[tilespmem:v31+s17+$0x0] =	vst.idx.add.f32.msk $0xffff, v21  }
0x1ff: {  	v16 =	vshrl.u32 v14, $0xE;
	[tilespmem:v15+s17+$0x0] =	vst.idx.add.f32.msk $0xffff, v23  }
0x200: {  	v19 =	vand.u32 $0x3FFF, v11;
	v20 =	vand.u32 $0x3FFF, v20;
	v21 =	vld.idx.msk [tilespmem:v29+s24+$0x0], $0xffff  }
0x201: {  	v23 =	vld.idx.msk [tilespmem:v33+s24+$0x0], $0xffff  }
0x202: {  	v15 =	vld.idx.msk [tilespmem:v32+s24+$0x0], $0xffff  }
0x203: {  	v17 =	vand.u32 $0x3FFF, v17;
	v11 =	vld.idx.msk [tilespmem:v24+s24+$0x0], $0xffff  }
0x204: {  	v13 =	vand.u32 $0x3FFF, v13;
	v24 =	vand.u32 $0x3FFF, v18;
	[tilespmem:v28+s17+$0x0] =	vst.idx.add.f32.msk $0xffff, v25  }
.Ltmp10:
0x205: {  	v18 =	vand.u32 $0x3FFF, v14;
	[tilespmem:v20+s17+$0x0] =	vst.idx.add.f32.msk $0xffff, v27;
	(pc) =	sbr.rel @p0 .LBB2_23-.Ltmp10, $4  }
0x206: {  	v14 =	vld.idx.msk [tilespmem:v26+s24+$0x0], $0xffff  }
0x207: {  	[tilespmem:v22+s17+$0x0] =	vst.idx.add.f32.msk $0xffff, v30  }
0x208: {  	[tilespmem:v34+s17+$0x0] =	vst.idx.add.f32.msk $0xffff, v21  }
0x209: {  	[tilespmem:v24+s17+$0x0] =	vst.idx.add.f32.msk $0xffff, v23  }
0x20a: {  	_ =	sdelay $0x3  }
0x20b: {  	v9 =	vld.idx.msk [tilespmem:v9+s24+$0x0], $0xffff  }
0x20c: {  	v12 =	vld.idx.msk [tilespmem:v12+s24+$0x0], $0xffff  }
0x20d: {  	[tilespmem:v19+s17+$0x0] =	vst.idx.add.f32.msk $0xffff, v15  }
0x20e: {  	v63 =	vld.idx.msk [tilespmem:v16+s24+$0x0], $0xffff;
	v6 =	vand.u32 $0x3FFF, v6  }
0x20f: {  	v10 =	vld.idx.msk [tilespmem:v10+s24+$0x0], $0xffff  }
0x210: {  	[tilespmem:v8+s17+$0x0] =	vst.idx.add.f32.msk $0xffff, v11  }
0x211: {  	[tilespmem:v7+s17+$0x0] =	vst.idx.add.f32.msk $0xffff, v9  }
0x212: {  	[tilespmem:v17+s17+$0x0] =	vst.idx.add.f32.msk $0xffff, v12  }
0x213: {  	[tilespmem:v6+s17+$0x0] =	vst.idx.add.f32.msk $0xffff, v14  }
0x214: {  	[tilespmem:v18+s17+$0x0] =	vst.idx.add.f32.msk $0xffff, v63  }
0x215: {  	s0 =	simm.s32 $0x0;
	[tilespmem:v13+s17+$0x0] =	vst.idx.add.f32.msk $0xffff, v10  }
.LBB2_25:
0x216: {  	s1 =	sshra.s32 s0, $0x2  }
0x217: {  	v6 =	vld [tilespmem:s1+$0x9C00];
	_ =	sdelay $0x4  }
0x218: {  	v7 =	vshrl.u32 v6, $0xE;
	_ =	sdelay $0x4  }
0x219: {  	p0 =	sne.s32 s0, $0xC0;
	v6 =	vand.u32 $0x3FFF, v6;
	v7 =	vld.idx.msk [tilespmem:v7+s24+$0x0], $0xffff  }
.Ltmp11:
0x21a: {  	_ = 	snop;
	(pc) =	sbr.rel @p0 .LBB2_25-.Ltmp11, $2  }
0x21b: {  	_ =	sdelay $0x2  }
0x21c: {  	s0 =	sadd.s32 $0x40, s0;
	[tilespmem:v6+s17+$0x0] =	vst.idx.add.f32.msk $0xffff, v7  }
0x21d: {  	[spmem:s8] =	stream.strided.scatter [tilespmem:s17], [sflag:$0x2], $0x2800, s19, s18, $0x38;
	[tilespmem:$0x1E880] =	vst v63  }
0x21e: {  	_ =	swait.ge [sflag:s13], $0x2800  }
0x21f: {  	[sflag:s13] =	ssyncset.done $0x0  }
0x220: {  	[sflag:s13] =	ssyncadd.s32 $0xFFFFD800  }
0x221: {  	s14 =	simm.s32 $0x0;
	[bflag:$0x0] =	sbarrier.arrive $0xFFFF  }
0x222: {  	[tilespmem:s22], [sflag:$0x2] =	stream.strided.gather [spmem:s9], $0x2800, s21, s20, $0x38;
	[tilespmem:$0x1E880] =	vst v63  }
0x223: {  	s1 =	sand.u32 $0x60, s14;
	s0 =	sand.u32 $0x1C00, s14;
	_ =	swait.ge [sflag:s13], $0x2800  }
0x224: {  	s5 =	sadd.s32 $0x18B80, s0;
	s2 =	sor.u32 $0x10, s1;
	[sflag:s13] =	ssyncset.done $0x0  }
0x225: {  	s6 =	sor.u32 s2, s5;
	[sflag:s13] =	ssyncadd.s32 $0xFFFFD800  }
0x226: {  	v6 =	vld [tilespmem:s6+$0x0]  }
0x227: {  	s5 =	sor.u32 s1, s5;
	v7 =	vld [tilespmem:s6+$0x80]  }
0x228: {  	v8 =	vld [tilespmem:s5+$0x0]  }
0x229: {  	v9 =	vld [tilespmem:s6+$0x100]  }
0x22a: {  	v10 =	vld [tilespmem:s5+$0x80]  }
0x22b: {  	v11 =	vld [tilespmem:s6+$0x180]  }
0x22c: {  	v12 =	vld [tilespmem:s5+$0x100]  }
0x22d: {  	v13 =	vld [tilespmem:s6+$0x200]  }
0x22e: {  	v14 =	vld [tilespmem:s5+$0x180]  }
0x22f: {  	v15 =	vld [tilespmem:s6+$0x280]  }
0x230: {  	v16 =	vld [tilespmem:s5+$0x200]  }
0x231: {  	v17 =	vld [tilespmem:s6+$0x300]  }
0x232: {  	v18 =	vld [tilespmem:s5+$0x280]  }
0x233: {  	s7 =	sadd.s32 $0x19F80, s0;
	v19 =	vld [tilespmem:s6+$0x380]  }
0x234: {  	s26 =	sor.u32 s2, s7;
	v20 =	vld [tilespmem:s5+$0x300]  }
0x235: {  	v21 =	vld [tilespmem:s26+$0x0]  }
0x236: {  	s11 =	sor.u32 s1, s7;
	s7 =	sor.u32 $0x1A080, s0;
	v22 =	vld [tilespmem:s5+$0x380]  }
0x237: {  	s15 =	sor.u32 $0x1A000, s0;
	s16 =	sor.u32 s2, s7;
	v24 =	vld [tilespmem:s11+$0x0]  }
0x238: {  	s6 =	sor.u32 s2, s15;
	v25 =	vld [tilespmem:s16+$0x0]  }
0x239: {  	s26 =	sor.u32 s1, s15;
	v23 =	vld [tilespmem:s6+$0x0]  }
0x23a: {  	s15 =	sor.u32 $0x1A100, s0;
	s16 =	sor.u32 s1, s7;
	v26 =	vld [tilespmem:s26+$0x0]  }
0x23b: {  	s11 =	sor.u32 s2, s15;
	s26 =	sor.u32 $0x1A180, s0;
	v28 =	vld [tilespmem:s16+$0x0]  }
0x23c: {  	v27 =	vld [tilespmem:s11+$0x0];
	s6 =	sor.u32 s2, s26  }
0x23d: {  	s11 =	sor.u32 s1, s15;
	v29 =	vld [tilespmem:s6+$0x0]  }
0x23e: {  	s15 =	sor.u32 $0x1A200, s0;
	s26 =	sor.u32 s1, s26;
	v30 =	vld [tilespmem:s11+$0x0]  }
0x23f: {  	s7 =	sor.u32 $0x1A280, s0;
	s16 =	sor.u32 s2, s15;
	v32 =	vld [tilespmem:s26+$0x0]  }
0x240: {  	s11 =	sor.u32 s2, s7;
	v31 =	vld [tilespmem:s16+$0x0]  }
0x241: {  	s30 =	simm.s32 $0x20;
	s26 =	sor.u32 s1, s15;
	v33 =	vld [tilespmem:s11+$0x0]  }
0x242: {  	s15 =	simm.s32 $0x100;
	s7 =	sor.u32 s1, s7;
	s16 =	sor.u32 $0x1A300, s0;
	v34 =	vld [tilespmem:s26+$0x0]  }
0x243: {  	s0 =	sand.u32 $0x60, s30;
	s15 =	sand.u32 $0x1C00, s15;
	s11 =	sor.u32 s2, s16;
	v6 =	vadd.f32 v7, v6;
	v7 =	vadd.f32 v10, v8;
	v10 =	vld [tilespmem:s7+$0x0]  }
0x244: {  	s1 =	sor.u32 s1, s16;
	s16 =	sadd.s32 $0x18B80, s15;
	s31 =	sor.u32 $0x10, s0;
	v8 =	vld [tilespmem:s11+$0x0]  }
0x245: {  	s26 =	sor.u32 s31, s16;
	v6 =	vadd.f32 v9, v6;
	v9 =	vld [tilespmem:s1+$0x0]  }
0x246: {  	v7 =	vadd.f32 v12, v7;
	v12 =	vld [tilespmem:s26+$0x0]  }
0x247: {  	s5 =	sor.u32 s0, s16;
	v6 =	vadd.f32 v11, v6;
	v11 =	vld [tilespmem:s26+$0x80]  }
0x248: {  	v54 =	vld [tilespmem:s5+$0x80];
	v7 =	vadd.f32 v14, v7  }
0x249: {  	v6 =	vadd.f32 v13, v6;
	v13 =	vld [tilespmem:s26+$0x100]  }
0x24a: {  	v14 =	vld [tilespmem:s5+$0x0];
	v7 =	vadd.f32 v16, v7  }
0x24b: {  	v6 =	vadd.f32 v15, v6;
	v15 =	vld [tilespmem:s26+$0x180]  }
0x24c: {  	v7 =	vadd.f32 v18, v7;
	v11 =	vadd.f32 v11, v12;
	v12 =	vld [tilespmem:s5+$0x100]  }
0x24d: {  	v55 =	vld [tilespmem:s26+$0x200];
	v6 =	vadd.f32 v17, v6  }
0x24e: {  	v7 =	vadd.f32 v20, v7;
	v11 =	vadd.f32 v13, v11;
	v13 =	vld [tilespmem:s5+$0x180]  }
0x24f: {  	v56 =	vld [tilespmem:s26+$0x280];
	v14 =	vadd.f32 v54, v14;
	v6 =	vadd.f32 v19, v6  }
0x250: {  	v7 =	vadd.f32 v22, v7;
	v11 =	vadd.f32 v15, v11;
	v15 =	vld [tilespmem:s5+$0x200]  }
0x251: {  	v57 =	vld [tilespmem:s26+$0x300];
	v6 =	vadd.f32 v21, v6;
	v12 =	vadd.f32 v12, v14  }
0x252: {  	v7 =	vadd.f32 v24, v7;
	v14 =	vld [tilespmem:s5+$0x280];
	v11 =	vadd.f32 v55, v11  }
0x253: {  	s7 =	sadd.s32 $0x19F80, s15;
	v58 =	vld [tilespmem:s26+$0x380];
	v6 =	vadd.f32 v23, v6;
	v12 =	vadd.f32 v13, v12  }
0x254: {  	s16 =	sor.u32 s31, s7;
	v7 =	vadd.f32 v26, v7;
	v13 =	vld [tilespmem:s5+$0x300];
	v11 =	vadd.f32 v56, v11  }
0x255: {  	v59 =	vld [tilespmem:s16+$0x0];
	s26 =	sor.u32 $0x1A000, s15;
	v6 =	vadd.f32 v25, v6;
	v12 =	vadd.f32 v15, v12  }
0x256: {  	s11 =	sor.u32 s31, s26;
	v7 =	vadd.f32 v28, v7;
	v15 =	vld [tilespmem:s5+$0x380];
	v11 =	vadd.f32 v57, v11  }
0x257: {  	s6 =	sor.u32 $0x1A080, s15;
	v60 =	vld [tilespmem:s11+$0x0];
	s5 =	sor.u32 s0, s7;
	v6 =	vadd.f32 v27, v6;
	v12 =	vadd.f32 v14, v12  }
0x258: {  	s16 =	sor.u32 s31, s6;
	v7 =	vadd.f32 v30, v7;
	v14 =	vld [tilespmem:s5+$0x0];
	v11 =	vadd.f32 v58, v11  }
0x259: {  	v61 =	vld [tilespmem:s16+$0x0];
	s26 =	sor.u32 s0, s26;
	s7 =	sor.u32 $0x1A100, s15;
	v6 =	vadd.f32 v29, v6;
	v12 =	vadd.f32 v13, v12  }
0x25a: {  	s11 =	sor.u32 s31, s7;
	v7 =	vadd.f32 v32, v7;
	v13 =	vld [tilespmem:s26+$0x0];
	v11 =	vadd.f32 v59, v11  }
0x25b: {  	s16 =	sor.u32 s0, s6;
	v62 =	vld [tilespmem:s11+$0x0];
	s26 =	sor.u32 $0x1A180, s15;
	v6 =	vadd.f32 v31, v6;
	v12 =	vadd.f32 v15, v12  }
0x25c: {  	s5 =	sor.u32 s31, s26;
	v7 =	vadd.f32 v34, v7;
	v15 =	vld [tilespmem:s16+$0x0];
	v11 =	vadd.f32 v60, v11  }
0x25d: {  	s11 =	sor.u32 s0, s7;
	s7 =	sor.u32 $0x1A200, s15;
	v63 =	vld [tilespmem:s5+$0x0];
	v6 =	vadd.f32 v33, v6;
	v12 =	vadd.f32 v14, v12  }
0x25e: {  	s1 =	simm.s32 $0x1B880;
	s16 =	sor.u32 s31, s7;
	v10 =	vadd.f32 v10, v7;
	v7 =	vld [tilespmem:s11+$0x0];
	v11 =	vadd.f32 v61, v11  }
0x25f: {  	s6 =	sor.u32 s0, s26;
	s26 =	sor.u32 $0x1A280, s15;
	s11 =	sand.u32 $0x380, s14;
	v14 =	vadd.f32 v8, v6;
	v6 =	vld [tilespmem:s16+$0x0];
	v12 =	vadd.f32 v13, v12  }
0x260: {  	s5 =	sor.u32 $0x1A300, s15;
	s2 =	sor.u32 s2, s11;
	s11 =	sor.u32 s31, s26;
	v10 =	vadd.f32 v9, v10;
	v8 =	vld [tilespmem:s6+$0x0];
	v11 =	vadd.f32 v62, v11  }
0x261: {  	s15 =	simm.s32 $0x40;
	s14 =	simm.s32 $0x2;
	s16 =	sor.u32 s0, s7;
	v9 =	vld [tilespmem:s11+$0x0];
	[tilespmem:s2+$0x1B880] =	vst v14;
	v12 =	vadd.f32 v15, v12  }
0x262: {  	s26 =	sor.u32 s0, s26;
	s6 =	sor.u32 s31, s5;
	[tilespmem:s1+$0x0] =	vst v10;
	v10 =	vld [tilespmem:s16+$0x0];
	s2 =	simm.s32 $0x200;
	v11 =	vadd.f32 v63, v11  }
.LBB2_27:
0x263: {  	s16 =	sand.u32 $0x1C00, s2;
	v7 =	vadd.f32 v7, v12;
	s5 =	sor.u32 s0, s5;
	s0 =	sand.u32 $0x60, s15;
	v12 =	vld [tilespmem:s6+$0x0]  }
0x264: {  	s14 =	sadd.s32 $0x2, s14;
	s6 =	sadd.s32 $0x18B80, s16;
	s7 =	sor.u32 $0x10, s0;
	v13 =	vld [tilespmem:s26+$0x0];
	v6 =	vadd.f32 v6, v11  }
0x265: {  	p0 =	slt.u32 s14, $0x26;
	s26 =	sor.u32 s0, s6;
	s6 =	sor.u32 s7, s6;
	v7 =	vadd.f32 v8, v7;
	v8 =	vld [tilespmem:s5+$0x0]  }
0x266: {  	v11 =	vld [tilespmem:s6+$0x0];
	v6 =	vadd.f32 v9, v6  }
0x267: {  	v9 =	vld [tilespmem:s6+$0x80];
	v7 =	vadd.f32 v10, v7  }
0x268: {  	s5 =	sand.u32 $0x380, s30;
	s30 =	smov.u32 s15;
	v10 =	vld [tilespmem:s26+$0x0];
	v6 =	vadd.f32 v12, v6  }
0x269: {  	s5 =	sor.u32 s31, s5;
	s31 =	smov.u32 s7;
	v12 =	vld [tilespmem:s6+$0x100];
	v7 =	vadd.f32 v13, v7  }
0x26a: {  	v13 =	vld [tilespmem:s26+$0x80];
	[tilespmem:s5+$0x1B880] =	vst v6  }
0x26b: {  	v6 =	vld [tilespmem:s6+$0x180];
	v7 =	vadd.f32 v8, v7  }
0x26c: {  	s1 =	sadd.s32 $0x20, s1;
	v8 =	vld [tilespmem:s26+$0x100];
	v9 =	vadd.f32 v9, v11  }
0x26d: {  	v11 =	vld [tilespmem:s6+$0x200];
	[tilespmem:s1+$0x0] =	vst v7  }
0x26e: {  	v7 =	vld [tilespmem:s26+$0x180];
	v9 =	vadd.f32 v12, v9  }
0x26f: {  	v10 =	vadd.f32 v13, v10;
	v12 =	vld [tilespmem:s6+$0x280]  }
0x270: {  	v13 =	vld [tilespmem:s26+$0x200];
	v6 =	vadd.f32 v6, v9  }
0x271: {  	v8 =	vadd.f32 v8, v10;
	v9 =	vld [tilespmem:s6+$0x300]  }
0x272: {  	v10 =	vld [tilespmem:s26+$0x280];
	v6 =	vadd.f32 v11, v6  }
0x273: {  	s5 =	sadd.s32 $0x19F80, s16;
	v7 =	vadd.f32 v7, v8;
	v8 =	vld [tilespmem:s6+$0x380]  }
0x274: {  	s6 =	sor.u32 s0, s5;
	s5 =	sor.u32 s31, s5;
	v11 =	vld [tilespmem:s26+$0x300];
	v6 =	vadd.f32 v12, v6  }
0x275: {  	s7 =	sor.u32 $0x1A000, s16;
	v7 =	vadd.f32 v13, v7;
	v12 =	vld [tilespmem:s5+$0x0]  }
0x276: {  	s5 =	sor.u32 s0, s7;
	s7 =	sor.u32 s31, s7;
	v13 =	vld [tilespmem:s26+$0x380];
	v6 =	vadd.f32 v9, v6  }
0x277: {  	s26 =	sor.u32 $0x1A080, s16;
	v7 =	vadd.f32 v10, v7;
	v9 =	vld [tilespmem:s7+$0x0]  }
0x278: {  	s7 =	sor.u32 s31, s26;
	v10 =	vld [tilespmem:s6+$0x0];
	s6 =	sor.u32 s0, s26;
	v6 =	vadd.f32 v8, v6  }
0x279: {  	s26 =	sor.u32 $0x1A100, s16;
	v7 =	vadd.f32 v11, v7;
	v8 =	vld [tilespmem:s7+$0x0]  }
0x27a: {  	s7 =	sor.u32 s31, s26;
	v11 =	vld [tilespmem:s5+$0x0];
	s5 =	sor.u32 s0, s26;
	v6 =	vadd.f32 v12, v6  }
0x27b: {  	s26 =	sor.u32 $0x1A180, s16;
	v7 =	vadd.f32 v13, v7;
	v12 =	vld [tilespmem:s7+$0x0]  }
0x27c: {  	s7 =	sor.u32 s31, s26;
	v13 =	vld [tilespmem:s6+$0x0];
	s6 =	sor.u32 s0, s26;
	v6 =	vadd.f32 v9, v6  }
0x27d: {  	s26 =	sor.u32 $0x1A200, s16;
	v9 =	vadd.f32 v10, v7;
	v14 =	vld [tilespmem:s7+$0x0]  }
.Ltmp12:
0x27e: {  	s7 =	sor.u32 s0, s26;
	v7 =	vld [tilespmem:s5+$0x0];
	v10 =	vadd.f32 v8, v6;
	s5 =	sor.u32 s31, s26;
	(pc) =	sbr.rel @p0 .LBB2_27-.Ltmp12, $4  }
0x27f: {  	s11 =	sor.u32 $0x1A280, s16;
	v9 =	vadd.f32 v11, v9;
	v6 =	vld [tilespmem:s5+$0x0]  }
0x280: {  	s26 =	sor.u32 s0, s11;
	v8 =	vld [tilespmem:s6+$0x0];
	v11 =	vadd.f32 v12, v10;
	s6 =	sor.u32 s31, s11  }
0x281: {  	s5 =	sor.u32 $0x1A300, s16;
	v12 =	vadd.f32 v13, v9;
	v9 =	vld [tilespmem:s6+$0x0]  }
0x282: {  	s2 =	sadd.s32 $0x100, s2;
	s15 =	sadd.s32 $0x20, s15;
	s6 =	sor.u32 s31, s5;
	v10 =	vld [tilespmem:s7+$0x0];
	v11 =	vadd.f32 v14, v11  }
0x283: {  	v7 =	vadd.f32 v7, v12  }
0x284: {  	v12 =	vld [tilespmem:s26+$0x0];
	s2 =	ssub.s32 $0x9, s29  }
0x285: {  	s0 =	sor.u32 s0, s5;
	v13 =	vld [tilespmem:s6+$0x0];
	v7 =	vadd.f32 v8, v7;
	v8 =	vmov s2  }
0x286: {  	v6 =	vadd.f32 v6, v11;
	v11 =	vld [tilespmem:s0+$0x0];
	vm1 =	veq.s32 v8, v3  }
0x287: {  	v7 =	vadd.f32 v10, v7;
	v8 =	vnsel vm1, $0x0, v4  }
0x288: {  	v6 =	vadd.f32 v9, v6;
	(xrf2) =	vadd.scan.msk.f32 $0xffff, v8  }
0x289: {  	v7 =	vadd.f32 v12, v7  }
0x28a: {  	s26 =	sand.u32 $0x380, s30;
	v6 =	vadd.f32 v13, v6  }
0x28b: {  	s0 =	sor.u32 s31, s26;
	v7 =	vadd.f32 v11, v7  }
0x28c: {  	s30 =	sadd.s32 $0x20, s1;
	[tilespmem:s0+$0x1B880] =	vst v6  }
0x28d: {  	s31 =	simm.s32 $0x1B620;
	[tilespmem:s30+$0x0] =	vst v7  }
0x28e: {  	s0 =	simm.s32 $0x1B8A0;
	v8 =	vld [tilespmem:s31+$0x10]  }
0x28f: {  	s1 =	simm.s32 $0x18920;
	v9 =	vld [tilespmem:s0+$0x10]  }
0x290: {  	v11 =	vld [tilespmem:s1+$0x10]  }
0x291: {  	v7 =	vld [tilespmem:s0+$0xFFFFFFE0]  }
0x292: {  	v13 =	vld [tilespmem:s1+$0xFFFFFFE0];
	v6, _, _ =	vpop (xrf2)  }
0x293: {  	v14 =	vld [tilespmem:s31+$0xFFFFFFF0];
	v6 =	vbroadcast v6, $0xF  }
0x294: {  	v15 =	vld [tilespmem:s0+$0xFFFFFFF0]  }
0x295: {  	v10 =	vld [tilespmem:s1+$0xFFFFFFF0];
	v8 =	vmul.f32 v9, v8;
	v12 =	vmul.f32 v11, v6  }
0x296: {  	v9 =	vld [tilespmem:s31+$0x0]  }
0x297: {  	v11 =	vld [tilespmem:s0+$0x0];
	v16 =	vadd.f32 v12, v8  }
0x298: {  	s2 =	simm.s32 $0x1B3A0;
	v12 =	vld [tilespmem:s1+$0x0]  }
0x299: {  	s14 =	simm.s32 $0x0;
	s15 =	simm.s32 $0x1B660;
	v14 =	vmul.f32 v15, v14;
	v8 =	vmul.f32 v13, v6;
	v13 =	vld [tilespmem:s31+$0xFFFFFFE0];
	[tilespmem:s2+$0x10] =	vst v16  }
.LBB2_29:
0x29a: {  	v15 =	vld [tilespmem:s15+$0x10];
	v10 =	vmul.f32 v10, v6;
	s0 =	sadd.s32 $0x40, s0  }
0x29b: {  	s1 =	sadd.s32 $0x40, s1;
	v16 =	vld [tilespmem:s0+$0x10]  }
0x29c: {  	s14 =	sadd.s32 $0x4, s14;
	v17 =	vld [tilespmem:s1+$0x10];
	v10 =	vadd.f32 v10, v14;
	v9 =	vmul.f32 v11, v9  }
0x29d: {  	p0 =	slt.u32 s14, $0x24;
	v11 =	vld [tilespmem:s0+$0xFFFFFFE0];
	v12 =	vmul.f32 v12, v6  }
0x29e: {  	v14 =	vld [tilespmem:s1+$0xFFFFFFE0];
	v7 =	vmul.f32 v7, v13;
	[tilespmem:s2+$0xFFFFFFF0] =	vst v10  }
0x29f: {  	v18 =	vld [tilespmem:s15+$0xFFFFFFF0];
	v9 =	vadd.f32 v12, v9  }
0x2a0: {  	v19 =	vld [tilespmem:s0+$0xFFFFFFF0];
	v8 =	vadd.f32 v8, v7  }
.Ltmp13:
0x2a1: {  	v12 =	vmul.f32 v16, v15;
	v10 =	vld [tilespmem:s1+$0xFFFFFFF0];
	v13 =	vmul.f32 v17, v6;
	[tilespmem:s2+$0x0] =	vst v9;
	(pc) =	sbr.rel @p0 .LBB2_29-.Ltmp13, $4  }
0x2a2: {  	v9 =	vld [tilespmem:s15+$0x0];
	[tilespmem:s2+$0xFFFFFFE0] =	vst v8;
	v7 =	vmov v11  }
0x2a3: {  	v8 =	vmul.f32 v14, v6;
	v11 =	vld [tilespmem:s0+$0x0];
	v15 =	vadd.f32 v13, v12  }
0x2a4: {  	s2 =	sadd.s32 $0x40, s2;
	v12 =	vld [tilespmem:s1+$0x0]  }
0x2a5: {  	v13 =	vld [tilespmem:s15+$0xFFFFFFE0];
	v14 =	vmul.f32 v19, v18;
	[tilespmem:s2+$0x10] =	vst v15;
	s15 =	sadd.s32 $0x40, s15  }
0x2a6: {  	_ =	sdelay $0x1  }
0x2a7: {  	v10 =	vmul.f32 v10, v6;
	s29 =	sadd.s32 $0x1, s29  }
0x2a8: {  	p0 =	sne.s32 s29, $0xA;
	v9 =	vmul.f32 v11, v9;
	v6 =	vmul.f32 v12, v6  }
.Ltmp14:
0x2a9: {  	v10 =	vadd.f32 v10, v14;
	v7 =	vmul.f32 v7, v13;
	(pc) =	sbr.rel @p0 .LBB2_18-.Ltmp14, $4  }
0x2aa: {  	v6 =	vadd.f32 v6, v9  }
0x2ab: {  	[tilespmem:s2+$0xFFFFFFF0] =	vst v10;
	v7 =	vadd.f32 v8, v7  }
0x2ac: {  	[tilespmem:s2+$0x0] =	vst v6  }
0x2ad: {  	s1 =	simm.s32 $0x18920;
	s0 =	simm.s32 $0x1B3A0;
	[tilespmem:s2+$0xFFFFFFE0] =	vst v7  }
0x2ae: {  	v8 =	vld [tilespmem:s0+$0xFFFFFFE0]  }
0x2af: {  	v6 =	vld [tilespmem:s0+$0x10]  }
0x2b0: {  	v7 =	vld [tilespmem:s0+$0x0]  }
0x2b1: {  	v9 =	vld [tilespmem:s0+$0xFFFFFFF0];
	_ =	sdelay $0x2  }
0x2b2: {  	s2 =	simm.s32 $0x1B3E0;
	v10 =	vmul.f32 v6, v0  }
0x2b3: {  	v6 =	vld [tilespmem:s2+$0xFFFFFFE0];
	v11 =	vmul.f32 v7, v0  }
0x2b4: {  	v7 =	vld [tilespmem:s2+$0x10];
	v12 =	vmul.f32 v8, v0;
	v13 =	vmul.f32 v9, v0;
	v9 =	vmax.f32 v10, $0.0e+00  }
0x2b5: {  	v8 =	vld [tilespmem:s2+$0x0];
	v14 =	vmax.f32 v11, $0.0e+00;
	[tilespmem:s1+$0x10] =	vst v9  }
0x2b6: {  	s14 =	simm.s32 $0x4;
	s15 =	simm.s32 $0x18920;
	s16 =	simm.s32 $0x18920;
	v10 =	vmax.f32 v12, $0.0e+00;
	v11 =	vmax.f32 v13, $0.0e+00;
	v9 =	vld [tilespmem:s2+$0xFFFFFFF0];
	[tilespmem:s1+$0x0] =	vst v14  }
.LBB2_32:
0x2b7: {  	s14 =	sadd.s32 $0x4, s14  }
0x2b8: {  	s2 =	sadd.s32 $0x40, s2;
	[tilespmem:s15+$0xFFFFFFF0] =	vst v11;
	s16 =	sadd.s32 $0x40, s16;
	v11 =	vmov v6;
	p0 =	slt.u32 s14, $0x24  }
.Ltmp15:
0x2b9: {  	v6 =	vld [tilespmem:s2+$0xFFFFFFE0];
	v12 =	vmul.f32 v7, v0;
	[tilespmem:s15+$0xFFFFFFE0] =	vst v10;
	s15 =	smov.u32 s16;
	(pc) =	sbr.rel @p0 .LBB2_32-.Ltmp15, $4  }
0x2ba: {  	v7 =	vld [tilespmem:s2+$0x10];
	v10 =	vmul.f32 v8, v0  }
0x2bb: {  	v11 =	vmul.f32 v11, v0;
	v8 =	vld [tilespmem:s2+$0x0];
	v13 =	vmul.f32 v9, v0;
	v12 =	vmax.f32 v12, $0.0e+00  }
0x2bc: {  	v9 =	vld [tilespmem:s2+$0xFFFFFFF0];
	v14 =	vmax.f32 v10, $0.0e+00;
	[tilespmem:s16+$0x10] =	vst v12  }
0x2bd: {  	v10 =	vmax.f32 v11, $0.0e+00;
	v11 =	vmax.f32 v13, $0.0e+00;
	[tilespmem:s16+$0x0] =	vst v14  }
0x2be: {  	v6 =	vmul.f32 v6, v0  }
0x2bf: {  	[tilespmem:s15+$0xFFFFFFF0] =	vst v11;
	v7 =	vmul.f32 v7, v0  }
0x2c0: {  	s2 =	sadd.s32 $0x40, s16;
	[tilespmem:s15+$0xFFFFFFE0] =	vst v10;
	v8 =	vmul.f32 v8, v0;
	v6 =	vmax.f32 v6, $0.0e+00  }
0x2c1: {  	v9 =	vmul.f32 v9, v0;
	v7 =	vmax.f32 v7, $0.0e+00;
	[tilespmem:s2+$0xFFFFFFE0] =	vst v6  }
0x2c2: {  	v8 =	vmax.f32 v8, $0.0e+00;
	[tilespmem:s2+$0x10] =	vst v7  }
0x2c3: {  	v7 =	vmax.f32 v9, $0.0e+00;
	[tilespmem:s2+$0x0] =	vst v8  }
0x2c4: {  	[tilespmem:s2+$0xFFFFFFF0] =	vst v7  }
0x2c5: {  	v6 =	vld [tilespmem:s1+$0xFFFFFFE0]  }
0x2c6: {  	v7 =	vld [tilespmem:s1+$0x10]  }
0x2c7: {  	v9 =	vld [tilespmem:s1+$0x0];
	_ =	sdelay $0x1  }
0x2c8: {  	v10 =	vld [tilespmem:s1+$0xFFFFFFF0]  }
0x2c9: {  	s1 =	simm.s32 $0x18960;
	v11 =	vmul.f32 v6, v5  }
0x2ca: {  	v8 =	vld [tilespmem:s1+$0xFFFFFFE0];
	v12 =	vmul.f32 v7, v5  }
0x2cb: {  	v6 =	vld [tilespmem:s1+$0x10];
	[tilespmem:s0+$0xFFFFFFE0] =	vst v11;
	v11 =	vmul.f32 v9, v5  }
0x2cc: {  	v7 =	vld [tilespmem:s1+$0x0];
	[tilespmem:s0+$0x10] =	vst v12  }
0x2cd: {  	s2 =	simm.s32 $0x4;
	v10 =	vmul.f32 v10, v5;
	v9 =	vld [tilespmem:s1+$0xFFFFFFF0];
	[tilespmem:s0+$0x0] =	vst v11  }
.LBB2_34:
0x2ce: {  	s2 =	sadd.s32 $0x4, s2  }
0x2cf: {  	[tilespmem:s0+$0xFFFFFFF0] =	vst v10;
	s0 =	sadd.s32 $0x40, s0;
	p0 =	slt.u32 s2, $0x24  }
.Ltmp16:
0x2d0: {  	s1 =	sadd.s32 $0x40, s1;
	v10 =	vmul.f32 v8, v5;
	(pc) =	sbr.rel @p0 .LBB2_34-.Ltmp16, $4  }
0x2d1: {  	v8 =	vld [tilespmem:s1+$0xFFFFFFE0];
	v11 =	vmul.f32 v6, v5  }
0x2d2: {  	v6 =	vld [tilespmem:s1+$0x10];
	[tilespmem:s0+$0xFFFFFFE0] =	vst v10;
	v12 =	vmul.f32 v7, v5  }
0x2d3: {  	v7 =	vld [tilespmem:s1+$0x0];
	v10 =	vmul.f32 v9, v5;
	[tilespmem:s0+$0x10] =	vst v11  }
0x2d4: {  	v9 =	vld [tilespmem:s1+$0xFFFFFFF0];
	[tilespmem:s0+$0x0] =	vst v12  }
0x2d5: {  	_ = 	snop  }
0x2d6: {  	v8 =	vmul.f32 v8, v5  }
0x2d7: {  	[tilespmem:s0+$0xFFFFFFF0] =	vst v10;
	s31 =	sadd.s32 $0x40, s0;
	v6 =	vmul.f32 v6, v5  }
0x2d8: {  	[tilespmem:s31+$0xFFFFFFE0] =	vst v8;
	v7 =	vmul.f32 v7, v5  }
0x2d9: {  	v5 =	vmul.f32 v9, v5;
	[tilespmem:s31+$0x10] =	vst v6  }
0x2da: {  	[tilespmem:s31+$0x0] =	vst v7  }
0x2db: {  	s29 =	simm.s32 $0x0;
	[tilespmem:s31+$0xFFFFFFF0] =	vst v5  }
.LBB2_36:
0x2dc: {  	s5 =	simm.s32 $0x1B620  }
0x2dd: {  	s0 =	simm.s32 $0x1B3A0;
	v10 =	vld [tilespmem:s5+$0x10]  }
0x2de: {  	v11 =	vld [tilespmem:s0+$0x10]  }
0x2df: {  	v7 =	vld [tilespmem:s0+$0xFFFFFFE0]  }
0x2e0: {  	v5 =	vld [tilespmem:s5+$0xFFFFFFF0]  }
0x2e1: {  	v9 =	vld [tilespmem:s0+$0xFFFFFFF0]  }
0x2e2: {  	v6 =	vld [tilespmem:s5+$0x0]  }
0x2e3: {  	v8 =	vld [tilespmem:s0+$0x0];
	v11 =	vmul.f32 v11, v10  }
0x2e4: {  	s1 =	simm.s32 $0x1BB20;
	s2 =	simm.s32 $0x0;
	s14 =	simm.s32 $0x1B660;
	v10 =	vld [tilespmem:s5+$0xFFFFFFE0]  }
.LBB2_37:
0x2e5: {  	v12 =	vld [tilespmem:s14+$0x10];
	[tilespmem:s1+$0x10] =	vst v11;
	s0 =	sadd.s32 $0x40, s0  }
0x2e6: {  	s2 =	sadd.s32 $0x4, s2;
	v11 =	vld [tilespmem:s0+$0x10];
	v9 =	vmul.f32 v9, v5  }
0x2e7: {  	p0 =	slt.u32 s2, $0x24;
	v13 =	vld [tilespmem:s0+$0xFFFFFFE0]  }
.Ltmp17:
0x2e8: {  	v5 =	vld [tilespmem:s14+$0xFFFFFFF0];
	[tilespmem:s1+$0xFFFFFFF0] =	vst v9;
	v8 =	vmul.f32 v8, v6;
	(pc) =	sbr.rel @p0 .LBB2_37-.Ltmp17, $4  }
0x2e9: {  	v9 =	vld [tilespmem:s0+$0xFFFFFFF0];
	v14 =	vmul.f32 v7, v10  }
0x2ea: {  	v6 =	vld [tilespmem:s14+$0x0];
	[tilespmem:s1+$0x0] =	vst v8  }
0x2eb: {  	v8 =	vld [tilespmem:s0+$0x0];
	v11 =	vmul.f32 v11, v12;
	[tilespmem:s1+$0xFFFFFFE0] =	vst v14  }
0x2ec: {  	s1 =	sadd.s32 $0x40, s1;
	v10 =	vld [tilespmem:s14+$0xFFFFFFE0];
	s14 =	sadd.s32 $0x40, s14;
	v7 =	vmov v13  }
0x2ed: {  	_ =	sdelay $0x1  }
0x2ee: {  	v5 =	vmul.f32 v9, v5  }
0x2ef: {  	[tilespmem:s1+$0x10] =	vst v11;
	v6 =	vmul.f32 v8, v6  }
0x2f0: {  	[tilespmem:s1+$0xFFFFFFF0] =	vst v5;
	v5 =	vmul.f32 v7, v10  }
0x2f1: {  	[tilespmem:s1+$0x0] =	vst v6  }
0x2f2: {  	[tilespmem:s1+$0xFFFFFFE0] =	vst v5  }
0x2f3: {  	[spmem:s10] =	stream.linear.scatter [tilespmem:s23], [sflag:$0x2], $0x280, $0x38;
	[tilespmem:$0x1E880] =	vst v63  }
0x2f4: {  	_ =	swait.ge [sflag:s13], $0x280  }
0x2f5: {  	[sflag:s13] =	ssyncset.done $0x0  }
0x2f6: {  	[sflag:s13] =	ssyncadd.s32 $0xFFFFFD80  }
0x2f7: {  	s0 =	simm.s32 $0x16140;
	[bflag:$0x0] =	sbarrier.arrive $0xFFFF  }
0x2f8: {  	[tilespmem:s24], [sflag:$0x1] =	stream.linear.gather [spmem:s3], $0x2800, $0x38;
	[tilespmem:$0x1E880] =	vst v63  }
0x2f9: {  	[tilespmem:s0+$0xFFFFFFC0] =	vst v1  }
0x2fa: {  	[tilespmem:s0+$0x30] =	vst v1  }
0x2fb: {  	[tilespmem:s0+$0x20] =	vst v1  }
0x2fc: {  	[tilespmem:s0+$0x10] =	vst v1  }
0x2fd: {  	[tilespmem:s0+$0x0] =	vst v1  }
0x2fe: {  	[tilespmem:s0+$0xFFFFFFF0] =	vst v1  }
0x2ff: {  	s1 =	simm.s32 $0x0;
	[tilespmem:s0+$0xFFFFFFE0] =	vst v1  }
.LBB2_39:
0x300: {  	s1 =	sadd.s32 $0x8, s1;
	[tilespmem:s0+$0xFFFFFFD0] =	vst v1;
	s0 =	sadd.s32 $0x80, s0  }
0x301: {  	[tilespmem:s0+$0xFFFFFFC0] =	vst v1;
	p0 =	slt.u32 s1, $0x278  }
0x302: {  	[tilespmem:s0+$0x30] =	vst v1  }
.Ltmp18:
0x303: {  	[tilespmem:s0+$0x20] =	vst v1;
	(pc) =	sbr.rel @p0 .LBB2_39-.Ltmp18, $4  }
0x304: {  	[tilespmem:s0+$0x10] =	vst v1  }
0x305: {  	[tilespmem:s0+$0x0] =	vst v1  }
0x306: {  	[tilespmem:s0+$0xFFFFFFF0] =	vst v1  }
0x307: {  	[tilespmem:s0+$0xFFFFFFE0] =	vst v1  }
0x308: {  	[tilespmem:s0+$0xFFFFFFD0] =	vst v1  }
0x309: {  	_ =	swait.ge [sflag:s25], $0x2800  }
0x30a: {  	[sflag:s25] =	ssyncset.done $0x0  }
0x30b: {  	s0 =	simm.s32 $0x80;
	[sflag:s25] =	ssyncadd.s32 $0xFFFFD800  }
0x30c: {  	v12 =	vld [tilespmem:s0+$0xFFFFFFA0]  }
0x30d: {  	v6 =	vld [tilespmem:s0+$0x20]  }
0x30e: {  	v7 =	vld [tilespmem:s0+$0xFFFFFF80]  }
0x30f: {  	v17 =	vld [tilespmem:s0+$0xFFFFFF90]  }
0x310: {  	v16 =	vld [tilespmem:s0+$0xFFFFFFF0]  }
0x311: {  	v8 =	vld [tilespmem:s0+$0x70]  }
0x312: {  	v19 =	vld [tilespmem:s0+$0xFFFFFFB0]  }
0x313: {  	v5 =	vld [tilespmem:s0+$0xFFFFFFC0]  }
0x314: {  	v10 =	vld [tilespmem:s0+$0x60]  }
0x315: {  	v11 =	vld [tilespmem:s0+$0x50]  }
0x316: {  	v13 =	vld [tilespmem:s0+$0x40]  }
0x317: {  	v15 =	vld [tilespmem:s0+$0x30];
	v9 =	vshrl.u32 v7, $0xE  }
0x318: {  	v18 =	vld [tilespmem:s0+$0x10];
	v14 =	vshrl.u32 v8, $0xE  }
0x319: {  	v21 =	vld [tilespmem:s0+$0x0];
	v20 =	vshrl.u32 v10, $0xE  }
0x31a: {  	v23 =	vld [tilespmem:s0+$0xFFFFFFE0];
	v22 =	vshrl.u32 v11, $0xE  }
0x31b: {  	v24 =	vld [tilespmem:s0+$0xFFFFFFD0];
	v25 =	vshrl.u32 v6, $0xE  }
0x31c: {  	v7 =	vand.u32 $0x3FFF, v7;
	v9 =	vld.idx.msk [tilespmem:v9+s24+$0x0], $0xffff  }
0x31d: {  	v8 =	vand.u32 $0x3FFF, v8;
	v14 =	vld.idx.msk [tilespmem:v14+s24+$0x0], $0xffff  }
0x31e: {  	v10 =	vand.u32 $0x3FFF, v10;
	v20 =	vld.idx.msk [tilespmem:v20+s24+$0x0], $0xffff  }
0x31f: {  	v11 =	vand.u32 $0x3FFF, v11;
	v22 =	vld.idx.msk [tilespmem:v22+s24+$0x0], $0xffff  }
0x320: {  	v27 =	vshrl.u32 v24, $0xE;
	v25 =	vld.idx.msk [tilespmem:v25+s24+$0x0], $0xffff  }
0x321: {  	[tilespmem:v7+s17+$0x0] =	vst.idx.add.f32.msk $0xffff, v9;
	v7 =	vshrl.u32 v15, $0xE  }
0x322: {  	[tilespmem:v8+s17+$0x0] =	vst.idx.add.f32.msk $0xffff, v14;
	v8 =	vshrl.u32 v18, $0xE  }
0x323: {  	v6 =	vand.u32 $0x3FFF, v6;
	[tilespmem:v10+s17+$0x0] =	vst.idx.add.f32.msk $0xffff, v20  }
0x324: {  	v9 =	vshrl.u32 v21, $0xE;
	[tilespmem:v11+s17+$0x0] =	vst.idx.add.f32.msk $0xffff, v22  }
0x325: {  	v14 =	vshrl.u32 v13, $0xE;
	v10 =	vld.idx.msk [tilespmem:v27+s24+$0x0], $0xffff  }
0x326: {  	v26 =	vshrl.u32 v16, $0xE;
	v7 =	vld.idx.msk [tilespmem:v7+s24+$0x0], $0xffff  }
0x327: {  	v20 =	vld.idx.msk [tilespmem:v8+s24+$0x0], $0xffff;
	v8 =	vand.u32 $0x3FFF, v15  }
0x328: {  	v11 =	vshrl.u32 v5, $0xE;
	[tilespmem:v6+s17+$0x0] =	vst.idx.add.f32.msk $0xffff, v25  }
0x329: {  	v9 =	vld.idx.msk [tilespmem:v9+s24+$0x0], $0xffff;
	v15 =	vand.u32 $0x3FFF, v21  }
0x32a: {  	v62 =	vand.u32 $0x3FFF, v18;
	v61 =	vld.idx.msk [tilespmem:v14+s24+$0x0], $0xffff  }
0x32b: {  	v63 =	vand.u32 $0x3FFF, v13;
	v14 =	vld.idx.msk [tilespmem:v26+s24+$0x0], $0xffff  }
0x32c: {  	[tilespmem:v8+s17+$0x0] =	vst.idx.add.f32.msk $0xffff, v7;
	v8 =	vshrl.u32 v23, $0xE  }
0x32d: {  	v13 =	vld.idx.msk [tilespmem:v11+s24+$0x0], $0xffff;
	v11 =	vshrl.u32 v19, $0xE  }
0x32e: {  	v6 =	vand.u32 $0x3FFF, v23;
	v18 =	vand.u32 $0x3FFF, v16;
	[tilespmem:v15+s17+$0x0] =	vst.idx.add.f32.msk $0xffff, v9  }
0x32f: {  	v16 =	vand.u32 $0x3FFF, v19;
	v7 =	vand.u32 $0x3FFF, v24;
	v15 =	vshrl.u32 v17, $0xE;
	[tilespmem:v62+s17+$0x0] =	vst.idx.add.f32.msk $0xffff, v20  }
0x330: {  	s1 =	simm.s32 $0x0;
	v9 =	vshrl.u32 v12, $0xE;
	v12 =	vand.u32 $0x3FFF, v12;
	v17 =	vand.u32 $0x3FFF, v17;
	[tilespmem:v63+s17+$0x0] =	vst.idx.add.f32.msk $0xffff, v61  }
.LBB2_41:
0x331: {  	s1 =	sadd.s32 $0x10, s1;
	v8 =	vld.idx.msk [tilespmem:v8+s24+$0x0], $0xffff;
	s0 =	sadd.s32 $0x100, s0  }
0x332: {  	p0 =	slt.u32 s1, $0x9B0;
	v11 =	vld.idx.msk [tilespmem:v11+s24+$0x0], $0xffff  }
0x333: {  	[tilespmem:v18+s17+$0x0] =	vst.idx.add.f32.msk $0xffff, v14  }
0x334: {  	v5 =	vand.u32 $0x3FFF, v5;
	v14 =	vld.idx.msk [tilespmem:v15+s24+$0x0], $0xffff  }
0x335: {  	v9 =	vld.idx.msk [tilespmem:v9+s24+$0x0], $0xffff  }
0x336: {  	[tilespmem:v7+s17+$0x0] =	vst.idx.add.f32.msk $0xffff, v10  }
0x337: {  	[tilespmem:v6+s17+$0x0] =	vst.idx.add.f32.msk $0xffff, v8  }
0x338: {  	[tilespmem:v16+s17+$0x0] =	vst.idx.add.f32.msk $0xffff, v11  }
0x339: {  	[tilespmem:v5+s17+$0x0] =	vst.idx.add.f32.msk $0xffff, v13  }
0x33a: {  	[tilespmem:v17+s17+$0x0] =	vst.idx.add.f32.msk $0xffff, v14  }
0x33b: {  	[tilespmem:v12+s17+$0x0] =	vst.idx.add.f32.msk $0xffff, v9  }
0x33c: {  	v12 =	vld [tilespmem:s0+$0xFFFFFFA0]  }
0x33d: {  	v6 =	vld [tilespmem:s0+$0x20]  }
0x33e: {  	v7 =	vld [tilespmem:s0+$0xFFFFFF80]  }
0x33f: {  	v13 =	vld [tilespmem:s0+$0xFFFFFF90]  }
0x340: {  	v10 =	vld [tilespmem:s0+$0xFFFFFFF0]  }
0x341: {  	v8 =	vld [tilespmem:s0+$0x70]  }
0x342: {  	v16 =	vld [tilespmem:s0+$0xFFFFFFB0]  }
0x343: {  	v9 =	vshrl.u32 v7, $0xE;
	v5 =	vld [tilespmem:s0+$0xFFFFFFC0]  }
0x344: {  	v11 =	vld [tilespmem:s0+$0x60]  }
0x345: {  	v14 =	vld [tilespmem:s0+$0x50]  }
0x346: {  	v17 =	vld [tilespmem:s0+$0x40];
	v15 =	vshrl.u32 v8, $0xE  }
0x347: {  	v19 =	vld [tilespmem:s0+$0x30]  }
0x348: {  	v9 =	vld.idx.msk [tilespmem:v9+s24+$0x0], $0xffff  }
0x349: {  	v7 =	vand.u32 $0x3FFF, v7;
	v18 =	vld [tilespmem:s0+$0x10];
	v20 =	vshrl.u32 v11, $0xE  }
0x34a: {  	v21 =	vld [tilespmem:s0+$0x0];
	v22 =	vshrl.u32 v14, $0xE  }
0x34b: {  	v15 =	vld.idx.msk [tilespmem:v15+s24+$0x0], $0xffff  }
0x34c: {  	v24 =	vand.u32 $0x3FFF, v8;
	v23 =	vld [tilespmem:s0+$0xFFFFFFE0]  }
0x34d: {  	v26 =	vshrl.u32 v6, $0xE;
	v27 =	vand.u32 $0x3FFF, v6;
	v25 =	vld [tilespmem:s0+$0xFFFFFFD0]  }
0x34e: {  	[tilespmem:v7+s17+$0x0] =	vst.idx.add.f32.msk $0xffff, v9;
	v28 =	vshrl.u32 v18, $0xE;
	v9 =	vshrl.u32 v19, $0xE  }
0x34f: {  	v30 =	vand.u32 $0x3FFF, v11;
	v29 =	vshrl.u32 v21, $0xE;
	v20 =	vld.idx.msk [tilespmem:v20+s24+$0x0], $0xffff  }
0x350: {  	v31 =	vshrl.u32 v10, $0xE;
	v14 =	vand.u32 $0x3FFF, v14;
	v32 =	vshrl.u32 v17, $0xE;
	v22 =	vld.idx.msk [tilespmem:v22+s24+$0x0], $0xffff  }
0x351: {  	v8 =	vshrl.u32 v23, $0xE;
	v6 =	vand.u32 $0x3FFF, v23;
	[tilespmem:v24+s17+$0x0] =	vst.idx.add.f32.msk $0xffff, v15  }
0x352: {  	v23 =	vshrl.u32 v25, $0xE;
	v7 =	vand.u32 $0x3FFF, v25;
	v24 =	vld.idx.msk [tilespmem:v26+s24+$0x0], $0xffff  }
0x353: {  	v25 =	vshrl.u32 v5, $0xE;
	v26 =	vld.idx.msk [tilespmem:v9+s24+$0x0], $0xffff  }
0x354: {  	v11 =	vshrl.u32 v16, $0xE;
	v33 =	vand.u32 $0x3FFF, v18;
	v29 =	vld.idx.msk [tilespmem:v29+s24+$0x0], $0xffff  }
0x355: {  	v21 =	vand.u32 $0x3FFF, v21;
	v9 =	vshrl.u32 v12, $0xE;
	[tilespmem:v30+s17+$0x0] =	vst.idx.add.f32.msk $0xffff, v20  }
0x356: {  	v15 =	vshrl.u32 v13, $0xE;
	[tilespmem:v14+s17+$0x0] =	vst.idx.add.f32.msk $0xffff, v22  }
0x357: {  	v18 =	vand.u32 $0x3FFF, v10;
	v19 =	vand.u32 $0x3FFF, v19;
	v20 =	vld.idx.msk [tilespmem:v28+s24+$0x0], $0xffff  }
0x358: {  	v22 =	vld.idx.msk [tilespmem:v32+s24+$0x0], $0xffff  }
0x359: {  	v14 =	vld.idx.msk [tilespmem:v31+s24+$0x0], $0xffff  }
0x35a: {  	v16 =	vand.u32 $0x3FFF, v16;
	v10 =	vld.idx.msk [tilespmem:v23+s24+$0x0], $0xffff  }
0x35b: {  	v12 =	vand.u32 $0x3FFF, v12;
	v23 =	vand.u32 $0x3FFF, v17;
	[tilespmem:v27+s17+$0x0] =	vst.idx.add.f32.msk $0xffff, v24  }
.Ltmp19:
0x35c: {  	v17 =	vand.u32 $0x3FFF, v13;
	[tilespmem:v19+s17+$0x0] =	vst.idx.add.f32.msk $0xffff, v26;
	(pc) =	sbr.rel @p0 .LBB2_41-.Ltmp19, $4  }
0x35d: {  	v13 =	vld.idx.msk [tilespmem:v25+s24+$0x0], $0xffff  }
0x35e: {  	[tilespmem:v21+s17+$0x0] =	vst.idx.add.f32.msk $0xffff, v29  }
0x35f: {  	[tilespmem:v33+s17+$0x0] =	vst.idx.add.f32.msk $0xffff, v20  }
0x360: {  	[tilespmem:v23+s17+$0x0] =	vst.idx.add.f32.msk $0xffff, v22  }
0x361: {  	_ =	sdelay $0x3  }
0x362: {  	v8 =	vld.idx.msk [tilespmem:v8+s24+$0x0], $0xffff  }
0x363: {  	v11 =	vld.idx.msk [tilespmem:v11+s24+$0x0], $0xffff  }
0x364: {  	[tilespmem:v18+s17+$0x0] =	vst.idx.add.f32.msk $0xffff, v14  }
0x365: {  	v63 =	vld.idx.msk [tilespmem:v15+s24+$0x0], $0xffff;
	v5 =	vand.u32 $0x3FFF, v5  }
0x366: {  	v9 =	vld.idx.msk [tilespmem:v9+s24+$0x0], $0xffff  }
0x367: {  	[tilespmem:v7+s17+$0x0] =	vst.idx.add.f32.msk $0xffff, v10  }
0x368: {  	[tilespmem:v6+s17+$0x0] =	vst.idx.add.f32.msk $0xffff, v8  }
0x369: {  	[tilespmem:v16+s17+$0x0] =	vst.idx.add.f32.msk $0xffff, v11  }
0x36a: {  	[tilespmem:v5+s17+$0x0] =	vst.idx.add.f32.msk $0xffff, v13  }
0x36b: {  	[tilespmem:v17+s17+$0x0] =	vst.idx.add.f32.msk $0xffff, v63  }
0x36c: {  	s0 =	simm.s32 $0x0;
	[tilespmem:v12+s17+$0x0] =	vst.idx.add.f32.msk $0xffff, v9  }
.LBB2_43:
0x36d: {  	s1 =	sshra.s32 s0, $0x2  }
0x36e: {  	v5 =	vld [tilespmem:s1+$0x9C00];
	_ =	sdelay $0x4  }
0x36f: {  	v6 =	vshrl.u32 v5, $0xE;
	_ =	sdelay $0x4  }
0x370: {  	p0 =	sne.s32 s0, $0xC0;
	v5 =	vand.u32 $0x3FFF, v5;
	v6 =	vld.idx.msk [tilespmem:v6+s24+$0x0], $0xffff  }
.Ltmp20:
0x371: {  	_ = 	snop;
	(pc) =	sbr.rel @p0 .LBB2_43-.Ltmp20, $2  }
0x372: {  	_ =	sdelay $0x2  }
0x373: {  	s0 =	sadd.s32 $0x40, s0;
	[tilespmem:v5+s17+$0x0] =	vst.idx.add.f32.msk $0xffff, v6  }
0x374: {  	[spmem:s8] =	stream.strided.scatter [tilespmem:s17], [sflag:$0x2], $0x2800, s19, s18, $0x38;
	[tilespmem:$0x1E880] =	vst v63  }
0x375: {  	_ =	swait.ge [sflag:s13], $0x2800  }
0x376: {  	[sflag:s13] =	ssyncset.done $0x0  }
0x377: {  	[sflag:s13] =	ssyncadd.s32 $0xFFFFD800  }
0x378: {  	s14 =	simm.s32 $0x0;
	[bflag:$0x0] =	sbarrier.arrive $0xFFFF  }
0x379: {  	[tilespmem:s22], [sflag:$0x2] =	stream.strided.gather [spmem:s9], $0x2800, s21, s20, $0x38;
	[tilespmem:$0x1E880] =	vst v63  }
0x37a: {  	s1 =	sand.u32 $0x60, s14;
	s0 =	sand.u32 $0x1C00, s14;
	_ =	swait.ge [sflag:s13], $0x2800  }
0x37b: {  	s5 =	sadd.s32 $0x18B80, s0;
	s2 =	sor.u32 $0x10, s1;
	[sflag:s13] =	ssyncset.done $0x0  }
0x37c: {  	s6 =	sor.u32 s2, s5;
	[sflag:s13] =	ssyncadd.s32 $0xFFFFD800  }
0x37d: {  	v5 =	vld [tilespmem:s6+$0x0]  }
0x37e: {  	s5 =	sor.u32 s1, s5;
	v6 =	vld [tilespmem:s6+$0x80]  }
0x37f: {  	v7 =	vld [tilespmem:s5+$0x0]  }
0x380: {  	v8 =	vld [tilespmem:s6+$0x100]  }
0x381: {  	v9 =	vld [tilespmem:s5+$0x80]  }
0x382: {  	v10 =	vld [tilespmem:s6+$0x180]  }
0x383: {  	v11 =	vld [tilespmem:s5+$0x100]  }
0x384: {  	v12 =	vld [tilespmem:s6+$0x200]  }
0x385: {  	v13 =	vld [tilespmem:s5+$0x180]  }
0x386: {  	v14 =	vld [tilespmem:s6+$0x280]  }
0x387: {  	v15 =	vld [tilespmem:s5+$0x200]  }
0x388: {  	v16 =	vld [tilespmem:s6+$0x300]  }
0x389: {  	v17 =	vld [tilespmem:s5+$0x280]  }
0x38a: {  	s7 =	sadd.s32 $0x19F80, s0;
	v18 =	vld [tilespmem:s6+$0x380]  }
0x38b: {  	s26 =	sor.u32 s2, s7;
	v19 =	vld [tilespmem:s5+$0x300]  }
0x38c: {  	v20 =	vld [tilespmem:s26+$0x0]  }
0x38d: {  	s15 =	sor.u32 s1, s7;
	s7 =	sor.u32 $0x1A080, s0;
	v21 =	vld [tilespmem:s5+$0x380]  }
0x38e: {  	s11 =	sor.u32 $0x1A000, s0;
	s16 =	sor.u32 s2, s7;
	v23 =	vld [tilespmem:s15+$0x0]  }
0x38f: {  	s6 =	sor.u32 s2, s11;
	v24 =	vld [tilespmem:s16+$0x0]  }
0x390: {  	s26 =	sor.u32 s1, s11;
	v22 =	vld [tilespmem:s6+$0x0]  }
0x391: {  	s11 =	sor.u32 $0x1A100, s0;
	s16 =	sor.u32 s1, s7;
	v25 =	vld [tilespmem:s26+$0x0]  }
0x392: {  	s15 =	sor.u32 s2, s11;
	v27 =	vld [tilespmem:s16+$0x0]  }
0x393: {  	s26 =	sor.u32 $0x1A180, s0;
	s11 =	sor.u32 s1, s11;
	v26 =	vld [tilespmem:s15+$0x0]  }
0x394: {  	s6 =	sor.u32 s2, s26;
	v29 =	vld [tilespmem:s11+$0x0]  }
0x395: {  	s15 =	sor.u32 $0x1A200, s0;
	s26 =	sor.u32 s1, s26;
	v28 =	vld [tilespmem:s6+$0x0]  }
0x396: {  	s7 =	sor.u32 $0x1A280, s0;
	s16 =	sor.u32 s2, s15;
	v31 =	vld [tilespmem:s26+$0x0]  }
0x397: {  	s6 =	sor.u32 s2, s7;
	v30 =	vld [tilespmem:s16+$0x0]  }
0x398: {  	s30 =	simm.s32 $0x20;
	s15 =	sor.u32 s1, s15;
	v32 =	vld [tilespmem:s6+$0x0]  }
0x399: {  	s7 =	sor.u32 s1, s7;
	s16 =	sor.u32 $0x1A300, s0;
	v33 =	vld [tilespmem:s15+$0x0];
	s15 =	simm.s32 $0x100  }
0x39a: {  	s0 =	sand.u32 $0x60, s30;
	s26 =	sor.u32 s2, s16;
	v5 =	vadd.f32 v6, v5;
	v6 =	vadd.f32 v9, v7;
	s15 =	sand.u32 $0x1C00, s15;
	v9 =	vld [tilespmem:s7+$0x0]  }
0x39b: {  	s1 =	sor.u32 s1, s16;
	s31 =	sor.u32 $0x10, s0;
	v7 =	vld [tilespmem:s26+$0x0];
	s16 =	sadd.s32 $0x18B80, s15  }
0x39c: {  	v5 =	vadd.f32 v8, v5;
	s26 =	sor.u32 s31, s16;
	v8 =	vld [tilespmem:s1+$0x0]  }
0x39d: {  	v6 =	vadd.f32 v11, v6;
	v11 =	vld [tilespmem:s26+$0x0]  }
0x39e: {  	s5 =	sor.u32 s0, s16;
	v5 =	vadd.f32 v10, v5;
	v10 =	vld [tilespmem:s26+$0x80]  }
0x39f: {  	v42 =	vld [tilespmem:s5+$0x0];
	v6 =	vadd.f32 v13, v6  }
0x3a0: {  	v43 =	vld [tilespmem:s26+$0x100];
	v5 =	vadd.f32 v12, v5  }
0x3a1: {  	v44 =	vld [tilespmem:s5+$0x80];
	v6 =	vadd.f32 v15, v6  }
0x3a2: {  	v45 =	vld [tilespmem:s26+$0x180];
	v5 =	vadd.f32 v14, v5  }
0x3a3: {  	v6 =	vadd.f32 v17, v6;
	v10 =	vadd.f32 v10, v11;
	v11 =	vld [tilespmem:s5+$0x100]  }
0x3a4: {  	v46 =	vld [tilespmem:s26+$0x200];
	v5 =	vadd.f32 v16, v5  }
0x3a5: {  	v47 =	vld [tilespmem:s5+$0x180];
	v6 =	vadd.f32 v19, v6;
	v10 =	vadd.f32 v43, v10  }
0x3a6: {  	v48 =	vld [tilespmem:s26+$0x280];
	v13 =	vadd.f32 v44, v42;
	v5 =	vadd.f32 v18, v5  }
0x3a7: {  	v49 =	vld [tilespmem:s5+$0x200];
	v6 =	vadd.f32 v21, v6;
	v10 =	vadd.f32 v45, v10  }
0x3a8: {  	v50 =	vld [tilespmem:s26+$0x300];
	v5 =	vadd.f32 v20, v5;
	v11 =	vadd.f32 v11, v13  }
0x3a9: {  	v51 =	vld [tilespmem:s5+$0x280];
	v6 =	vadd.f32 v23, v6;
	v10 =	vadd.f32 v46, v10  }
0x3aa: {  	s7 =	sadd.s32 $0x19F80, s15;
	v52 =	vld [tilespmem:s26+$0x380];
	v5 =	vadd.f32 v22, v5;
	v11 =	vadd.f32 v47, v11  }
0x3ab: {  	s11 =	sor.u32 s31, s7;
	v53 =	vld [tilespmem:s5+$0x300];
	v6 =	vadd.f32 v25, v6;
	v10 =	vadd.f32 v48, v10  }
0x3ac: {  	s16 =	sor.u32 $0x1A000, s15;
	v54 =	vld [tilespmem:s11+$0x0];
	v5 =	vadd.f32 v24, v5;
	v11 =	vadd.f32 v49, v11  }
0x3ad: {  	v55 =	vld [tilespmem:s5+$0x380];
	s26 =	sor.u32 s31, s16;
	v6 =	vadd.f32 v27, v6;
	v10 =	vadd.f32 v50, v10  }
0x3ae: {  	s6 =	sor.u32 $0x1A080, s15;
	v56 =	vld [tilespmem:s26+$0x0];
	s5 =	sor.u32 s0, s7;
	v5 =	vadd.f32 v26, v5;
	v11 =	vadd.f32 v51, v11  }
0x3af: {  	s11 =	sor.u32 s31, s6;
	v57 =	vld [tilespmem:s5+$0x0];
	v6 =	vadd.f32 v29, v6;
	v10 =	vadd.f32 v52, v10  }
0x3b0: {  	s16 =	sor.u32 s0, s16;
	v58 =	vld [tilespmem:s11+$0x0];
	s26 =	sor.u32 $0x1A100, s15;
	v5 =	vadd.f32 v28, v5;
	v11 =	vadd.f32 v53, v11  }
0x3b1: {  	v59 =	vld [tilespmem:s16+$0x0];
	s5 =	sor.u32 s31, s26;
	v6 =	vadd.f32 v31, v6;
	v10 =	vadd.f32 v54, v10  }
0x3b2: {  	s11 =	sor.u32 s0, s6;
	s6 =	sor.u32 $0x1A180, s15;
	v60 =	vld [tilespmem:s5+$0x0];
	v5 =	vadd.f32 v30, v5;
	v11 =	vadd.f32 v55, v11  }
0x3b3: {  	v61 =	vld [tilespmem:s11+$0x0];
	s16 =	sor.u32 s31, s6;
	v6 =	vadd.f32 v33, v6;
	v10 =	vadd.f32 v56, v10  }
0x3b4: {  	v62 =	vld [tilespmem:s16+$0x0];
	s7 =	sor.u32 $0x1A200, s15;
	s26 =	sor.u32 s0, s26;
	v5 =	vadd.f32 v32, v5;
	v11 =	vadd.f32 v57, v11  }
0x3b5: {  	s1 =	simm.s32 $0x1B880;
	s11 =	sor.u32 s31, s7;
	v9 =	vadd.f32 v9, v6;
	v6 =	vld [tilespmem:s26+$0x0];
	v10 =	vadd.f32 v58, v10  }
0x3b6: {  	s6 =	sor.u32 s0, s6;
	s16 =	sor.u32 $0x1A280, s15;
	s26 =	sand.u32 $0x380, s14;
	v63 =	vadd.f32 v7, v5;
	v5 =	vld [tilespmem:s11+$0x0];
	v11 =	vadd.f32 v59, v11  }
0x3b7: {  	s5 =	sor.u32 $0x1A300, s15;
	s2 =	sor.u32 s2, s26;
	v9 =	vadd.f32 v8, v9;
	v7 =	vld [tilespmem:s6+$0x0];
	s6 =	sor.u32 s31, s16;
	v10 =	vadd.f32 v60, v10  }
0x3b8: {  	s15 =	simm.s32 $0x40;
	s14 =	simm.s32 $0x2;
	s11 =	sor.u32 s0, s7;
	v8 =	vld [tilespmem:s6+$0x0];
	[tilespmem:s2+$0x1B880] =	vst v63;
	v11 =	vadd.f32 v61, v11  }
0x3b9: {  	s26 =	sor.u32 s0, s16;
	s6 =	sor.u32 s31, s5;
	[tilespmem:s1+$0x0] =	vst v9;
	v9 =	vld [tilespmem:s11+$0x0];
	s2 =	simm.s32 $0x200;
	v10 =	vadd.f32 v62, v10  }
.LBB2_45:
0x3ba: {  	s16 =	sand.u32 $0x1C00, s2;
	v6 =	vadd.f32 v6, v11;
	s5 =	sor.u32 s0, s5;
	s0 =	sand.u32 $0x60, s15;
	v11 =	vld [tilespmem:s6+$0x0]  }
0x3bb: {  	s14 =	sadd.s32 $0x2, s14;
	s6 =	sadd.s32 $0x18B80, s16;
	s7 =	sor.u32 $0x10, s0;
	v12 =	vld [tilespmem:s26+$0x0];
	v5 =	vadd.f32 v5, v10  }
0x3bc: {  	p0 =	slt.u32 s14, $0x26;
	s26 =	sor.u32 s0, s6;
	s6 =	sor.u32 s7, s6;
	v6 =	vadd.f32 v7, v6;
	v7 =	vld [tilespmem:s5+$0x0]  }
0x3bd: {  	v10 =	vld [tilespmem:s6+$0x0];
	v5 =	vadd.f32 v8, v5  }
0x3be: {  	v8 =	vld [tilespmem:s6+$0x80];
	v6 =	vadd.f32 v9, v6  }
0x3bf: {  	s5 =	sand.u32 $0x380, s30;
	s30 =	smov.u32 s15;
	v9 =	vld [tilespmem:s26+$0x0];
	v5 =	vadd.f32 v11, v5  }
0x3c0: {  	s5 =	sor.u32 s31, s5;
	s31 =	smov.u32 s7;
	v11 =	vld [tilespmem:s6+$0x100];
	v6 =	vadd.f32 v12, v6  }
0x3c1: {  	v12 =	vld [tilespmem:s26+$0x80];
	[tilespmem:s5+$0x1B880] =	vst v5  }
0x3c2: {  	v5 =	vld [tilespmem:s6+$0x180];
	v6 =	vadd.f32 v7, v6  }
0x3c3: {  	s1 =	sadd.s32 $0x20, s1;
	v7 =	vld [tilespmem:s26+$0x100];
	v8 =	vadd.f32 v8, v10  }
0x3c4: {  	v10 =	vld [tilespmem:s6+$0x200];
	[tilespmem:s1+$0x0] =	vst v6  }
0x3c5: {  	v6 =	vld [tilespmem:s26+$0x180];
	v8 =	vadd.f32 v11, v8  }
0x3c6: {  	v9 =	vadd.f32 v12, v9;
	v11 =	vld [tilespmem:s6+$0x280]  }
0x3c7: {  	v12 =	vld [tilespmem:s26+$0x200];
	v5 =	vadd.f32 v5, v8  }
0x3c8: {  	v7 =	vadd.f32 v7, v9;
	v8 =	vld [tilespmem:s6+$0x300]  }
0x3c9: {  	v9 =	vld [tilespmem:s26+$0x280];
	v5 =	vadd.f32 v10, v5  }
0x3ca: {  	s5 =	sadd.s32 $0x19F80, s16;
	v6 =	vadd.f32 v6, v7;
	v7 =	vld [tilespmem:s6+$0x380]  }
0x3cb: {  	s6 =	sor.u32 s0, s5;
	s5 =	sor.u32 s31, s5;
	v10 =	vld [tilespmem:s26+$0x300];
	v5 =	vadd.f32 v11, v5  }
0x3cc: {  	s7 =	sor.u32 $0x1A000, s16;
	v6 =	vadd.f32 v12, v6;
	v11 =	vld [tilespmem:s5+$0x0]  }
0x3cd: {  	s5 =	sor.u32 s0, s7;
	s7 =	sor.u32 s31, s7;
	v12 =	vld [tilespmem:s26+$0x380];
	v5 =	vadd.f32 v8, v5  }
0x3ce: {  	s11 =	sor.u32 $0x1A080, s16;
	v6 =	vadd.f32 v9, v6;
	v8 =	vld [tilespmem:s7+$0x0]  }
0x3cf: {  	s7 =	sor.u32 s31, s11;
	v9 =	vld [tilespmem:s6+$0x0];
	s6 =	sor.u32 s0, s11;
	v5 =	vadd.f32 v7, v5  }
0x3d0: {  	s11 =	sor.u32 $0x1A100, s16;
	v6 =	vadd.f32 v10, v6;
	v7 =	vld [tilespmem:s7+$0x0]  }
0x3d1: {  	s7 =	sor.u32 s31, s11;
	v10 =	vld [tilespmem:s5+$0x0];
	s5 =	sor.u32 s0, s11;
	v5 =	vadd.f32 v11, v5  }
0x3d2: {  	s11 =	sor.u32 $0x1A180, s16;
	v6 =	vadd.f32 v12, v6;
	v11 =	vld [tilespmem:s7+$0x0]  }
0x3d3: {  	s7 =	sor.u32 s31, s11;
	v12 =	vld [tilespmem:s6+$0x0];
	s6 =	sor.u32 s0, s11;
	v5 =	vadd.f32 v8, v5  }
0x3d4: {  	s11 =	sor.u32 $0x1A200, s16;
	v8 =	vadd.f32 v9, v6;
	v13 =	vld [tilespmem:s7+$0x0]  }
.Ltmp21:
0x3d5: {  	s7 =	sor.u32 s0, s11;
	v6 =	vld [tilespmem:s5+$0x0];
	v9 =	vadd.f32 v7, v5;
	s5 =	sor.u32 s31, s11;
	(pc) =	sbr.rel @p0 .LBB2_45-.Ltmp21, $4  }
0x3d6: {  	s11 =	sor.u32 $0x1A280, s16;
	v8 =	vadd.f32 v10, v8;
	v5 =	vld [tilespmem:s5+$0x0]  }
0x3d7: {  	s26 =	sor.u32 s0, s11;
	v7 =	vld [tilespmem:s6+$0x0];
	v10 =	vadd.f32 v11, v9;
	s6 =	sor.u32 s31, s11  }
0x3d8: {  	s5 =	sor.u32 $0x1A300, s16;
	v11 =	vadd.f32 v12, v8;
	v8 =	vld [tilespmem:s6+$0x0]  }
0x3d9: {  	s2 =	sadd.s32 $0x100, s2;
	s15 =	sadd.s32 $0x20, s15;
	s6 =	sor.u32 s31, s5;
	v9 =	vld [tilespmem:s7+$0x0];
	v10 =	vadd.f32 v13, v10  }
0x3da: {  	v6 =	vadd.f32 v6, v11  }
0x3db: {  	v11 =	vld [tilespmem:s26+$0x0];
	s2 =	ssub.s32 $0x9, s29  }
0x3dc: {  	s0 =	sor.u32 s0, s5;
	v12 =	vld [tilespmem:s6+$0x0];
	v6 =	vadd.f32 v7, v6;
	v7 =	vmov s2  }
0x3dd: {  	v5 =	vadd.f32 v5, v10;
	v10 =	vld [tilespmem:s0+$0x0];
	vm1 =	veq.s32 v7, v3  }
0x3de: {  	v6 =	vadd.f32 v9, v6;
	v7 =	vnsel vm1, $0x0, v4  }
0x3df: {  	v5 =	vadd.f32 v8, v5;
	(xrf2) =	vadd.scan.msk.f32 $0xffff, v7  }
0x3e0: {  	v6 =	vadd.f32 v11, v6  }
0x3e1: {  	s26 =	sand.u32 $0x380, s30;
	v5 =	vadd.f32 v12, v5  }
0x3e2: {  	s0 =	sor.u32 s31, s26;
	v6 =	vadd.f32 v10, v6  }
0x3e3: {  	s30 =	sadd.s32 $0x20, s1;
	[tilespmem:s0+$0x1B880] =	vst v5  }
0x3e4: {  	s31 =	simm.s32 $0x1B620;
	[tilespmem:s30+$0x0] =	vst v6  }
0x3e5: {  	s0 =	simm.s32 $0x1B8A0;
	v7 =	vld [tilespmem:s31+$0x10]  }
0x3e6: {  	s1 =	simm.s32 $0x18920;
	v8 =	vld [tilespmem:s0+$0x10]  }
0x3e7: {  	v10 =	vld [tilespmem:s1+$0x10]  }
0x3e8: {  	v6 =	vld [tilespmem:s0+$0xFFFFFFE0]  }
0x3e9: {  	v12 =	vld [tilespmem:s1+$0xFFFFFFE0];
	v5, _, _ =	vpop (xrf2)  }
0x3ea: {  	v13 =	vld [tilespmem:s31+$0xFFFFFFF0];
	v5 =	vbroadcast v5, $0xF  }
0x3eb: {  	v14 =	vld [tilespmem:s0+$0xFFFFFFF0]  }
0x3ec: {  	v9 =	vld [tilespmem:s1+$0xFFFFFFF0];
	v7 =	vmul.f32 v8, v7;
	v11 =	vmul.f32 v10, v5  }
0x3ed: {  	v8 =	vld [tilespmem:s31+$0x0]  }
0x3ee: {  	v10 =	vld [tilespmem:s0+$0x0];
	v15 =	vadd.f32 v11, v7  }
0x3ef: {  	s2 =	simm.s32 $0x1B3A0;
	v11 =	vld [tilespmem:s1+$0x0]  }
0x3f0: {  	s14 =	simm.s32 $0x0;
	s15 =	simm.s32 $0x1B660;
	v13 =	vmul.f32 v14, v13;
	v7 =	vmul.f32 v12, v5;
	v12 =	vld [tilespmem:s31+$0xFFFFFFE0];
	[tilespmem:s2+$0x10] =	vst v15  }
.LBB2_47:
0x3f1: {  	v14 =	vld [tilespmem:s15+$0x10];
	v9 =	vmul.f32 v9, v5;
	s0 =	sadd.s32 $0x40, s0  }
0x3f2: {  	s1 =	sadd.s32 $0x40, s1;
	v15 =	vld [tilespmem:s0+$0x10]  }
0x3f3: {  	s14 =	sadd.s32 $0x4, s14;
	v16 =	vld [tilespmem:s1+$0x10];
	v9 =	vadd.f32 v9, v13;
	v8 =	vmul.f32 v10, v8  }
0x3f4: {  	p0 =	slt.u32 s14, $0x24;
	v10 =	vld [tilespmem:s0+$0xFFFFFFE0];
	v11 =	vmul.f32 v11, v5  }
0x3f5: {  	v13 =	vld [tilespmem:s1+$0xFFFFFFE0];
	v6 =	vmul.f32 v6, v12;
	[tilespmem:s2+$0xFFFFFFF0] =	vst v9  }
0x3f6: {  	v17 =	vld [tilespmem:s15+$0xFFFFFFF0];
	v8 =	vadd.f32 v11, v8  }
0x3f7: {  	v18 =	vld [tilespmem:s0+$0xFFFFFFF0];
	v7 =	vadd.f32 v7, v6  }
.Ltmp22:
0x3f8: {  	v11 =	vmul.f32 v15, v14;
	v9 =	vld [tilespmem:s1+$0xFFFFFFF0];
	v12 =	vmul.f32 v16, v5;
	[tilespmem:s2+$0x0] =	vst v8;
	(pc) =	sbr.rel @p0 .LBB2_47-.Ltmp22, $4  }
0x3f9: {  	v8 =	vld [tilespmem:s15+$0x0];
	[tilespmem:s2+$0xFFFFFFE0] =	vst v7;
	v6 =	vmov v10  }
0x3fa: {  	v7 =	vmul.f32 v13, v5;
	v10 =	vld [tilespmem:s0+$0x0];
	v14 =	vadd.f32 v12, v11  }
0x3fb: {  	s2 =	sadd.s32 $0x40, s2;
	v11 =	vld [tilespmem:s1+$0x0]  }
0x3fc: {  	v12 =	vld [tilespmem:s15+$0xFFFFFFE0];
	v13 =	vmul.f32 v18, v17;
	[tilespmem:s2+$0x10] =	vst v14;
	s15 =	sadd.s32 $0x40, s15  }
0x3fd: {  	_ =	sdelay $0x1  }
0x3fe: {  	v9 =	vmul.f32 v9, v5;
	s29 =	sadd.s32 $0x1, s29  }
0x3ff: {  	p0 =	sne.s32 s29, $0xA;
	v8 =	vmul.f32 v10, v8;
	v5 =	vmul.f32 v11, v5  }
.Ltmp23:
0x400: {  	v9 =	vadd.f32 v9, v13;
	v6 =	vmul.f32 v6, v12;
	(pc) =	sbr.rel @p0 .LBB2_36-.Ltmp23, $4  }
0x401: {  	v5 =	vadd.f32 v5, v8  }
0x402: {  	[tilespmem:s2+$0xFFFFFFF0] =	vst v9;
	v6 =	vadd.f32 v7, v6  }
0x403: {  	[tilespmem:s2+$0x0] =	vst v5  }
0x404: {  	[tilespmem:s2+$0xFFFFFFE0] =	vst v6  }
0x405: {  	s0 =	simm.s32 $0x1B380  }
0x406: {  	[hbm4b:s12+s4] =	stream.linear.scatter [tilespmem:s0], [sflag:$0x2], $0x280, $0x38;
	[tilespmem:$0x1E880] =	vst v63  }
0x407: {  	_ =	swait.ge [sflag:s13], $0x280  }
0x408: {  	s28 =	sadd.s32 $0x1, s28;
	s31 =	rddreg [dreg:$0x8]  }
0x409: {  	p0 =	sne.s32 s28, s31  }
.Ltmp24:
0x40a: {  	_ = 	snop;
	(pc) =	sbr.rel @p0 .LBB2_1-.Ltmp24, $3  }
0x40b: {  	_ =	sdelay $0x1  }
0x40c: {  	[sflag:s13] =	ssyncset.done $0x0  }
0x40d: {  	[sflag:s13] =	ssyncadd.s32 $0xFFFFFD80  }
0x40e: {  	_ =	sfence.sel $0x180000  }
0x40f: {  	[bflag:$0x0] =	sbarrier.arrive $0xFFFF  }
0x410: {  	_ =	strace $0x90000047  }
0x411: {  	s0 =	stileid.u32;
	[bflag:$0x2] =	sbarrier.arrive $0xFFFF  }
0x412: {  	p0 =	sne.s32 s0, $0x0;
	s0 =	rddreg [dreg:$0x4]  }
0x413: {  	s0 =	sadd.s32 @!p0 $0x100000, s0  }
0x414: {  	[sflag:s0] =	ssyncadd.tile.s32 @!p0 $0x1;
	_ =	shalt  }
.Lfunc_end2:
_tile_overlayer_lowered:
.L_overlay_start_2:
0x415: {  	(tag) =	ssettag $0x2  }
0x416: {  	s0 =	rddreg [dreg:$0x0];
	s2 =	stileid.u32  }
0x417: {  	s1 =	rddreg [dreg:$0x1];
	p0 =	sne.s32 s2, $0x0  }
0x418: {  	s3 =	rddreg [dreg:$0x2];
	[bflag:$0x3] =	sbarrier.arrive $0xFFFF;
	s2 =	simm.s32 @!p0 $0x1C02  }
0x419: {  	[timem:s3], [sflag:s2] =	dma.local @!p0 [hbm:s0], s1  }
0x41a: {  	s0 =	simm.s32 @!p0 $0x2  }
0x41b: {  	_ =	swait.ge @!p0 [sflag:s0], s1  }
0x41c: {  	s1 =	ssub.s32 @!p0 $0x0, s1;
	[sflag:s0] =	ssyncset.done @!p0 $0x0  }
0x41d: {  	[sflag:s0] =	ssyncadd.s32 @!p0 s1  }
0x41e: {  	[bflag:$0x3] =	sbarrier.arrive $0xFFFF  }
0x41f: {  	_ =	shalt  }

</sc_bundles>
